<compile_context>
chip_gen: v7x
topology: tpu7x:2x2x1
jax: 0.10.2.dev20260603
libtpu: 0.0.44.dev20260713+nightly
codegen_flags: <defaults>
</compile_context>

<pallas_src>
import jax
import jax.numpy as jnp
from jax import lax
from jax.experimental import pallas as pl
from jax.experimental.pallas import tpu as pltpu
from jax.experimental.pallas import tpu_sc as plsc

VOCAB = 1000000
D = 64
B = 16384
L = 20

NC = 2
NS = 16
LANES = 16
NW = NC * NS
BPW = B // NW
C = 32
NCH = BPW // C
IDX_LEN = BPW * L
ROWS_PER_CHUNK = C * L
GATHERS = ROWS_PER_CHUNK // 128


def _newton_sqrt(x):
    xs = jnp.maximum(x, jnp.float32(1e-30))
    i = plsc.bitcast(xs, jnp.int32)
    i = jnp.int32(0x5F3759DF) - (i >> 1)
    y = plsc.bitcast(i, jnp.float32)
    half = jnp.float32(0.5)
    threehalf = jnp.float32(1.5)
    for _ in range(3):
        y = y * (threehalf - half * xs * y * y)
    return xs * y


def _body(w_hbm, ctxt_hbm, tgt_hbm, out_hbm,
          idx_v, ctxt_v, tgt_v, w0_v, rows_v, trow_v,
          n0_v, cacc_v, red_v, stage_v, shared_v,
          sem_rows, sem_tgt):
    cid = lax.axis_index("c")
    sid = lax.axis_index("s")
    w = sid * NC + cid

    pltpu.sync_copy(ctxt_hbm.at[:, pl.ds(w * BPW, BPW)], ctxt_v)
    pltpu.sync_copy(tgt_hbm.at[pl.ds(w * BPW, BPW)], tgt_v)
    pltpu.sync_copy(w_hbm.at[0], w0_v)

    lane = jnp.arange(LANES, dtype=jnp.int32)

    def tbody(g, carry):
        base = (g * LANES + lane) * L
        for l in range(L):
            ids = ctxt_v[l, pl.ds(g * LANES, LANES)]
            plsc.store_scatter(idx_v, [base + l], ids)
        return carry

    lax.fori_loop(0, BPW // LANES, tbody, 0)

    eps = jnp.float32(1e-8)

    def issue(c, p):
        for j in range(GATHERS):
            pltpu.async_copy(
                w_hbm.at[idx_v.at[pl.ds(c * ROWS_PER_CHUNK + j * 128, 128)]],
                rows_v.at[p, pl.ds(j * 128, 128)], sem_rows.at[p])
        pltpu.async_copy(
            w_hbm.at[tgt_v.at[pl.ds(c * C, C)]], trow_v.at[p],
            sem_tgt.at[p])

    def drain(c, p):
        for j in range(GATHERS):
            pltpu.make_async_copy(
                w_hbm.at[idx_v.at[pl.ds(c * ROWS_PER_CHUNK + j * 128, 128)]],
                rows_v.at[p, pl.ds(j * 128, 128)], sem_rows.at[p]).wait()
        pltpu.make_async_copy(
            w_hbm.at[tgt_v.at[pl.ds(c * C, C)]], trow_v.at[p],
            sem_tgt.at[p]).wait()

    issue(0, 0)

    def chunk_body(c, cos_sum):
        p = lax.rem(c, 2)

        @pl.when(c + 1 < NCH)
        def _():
            issue(c + 1, 1 - p)

        drain(c, p)

        for g in range(C // LANES):
            cnt = jnp.zeros((LANES,), jnp.int32)
            for l in range(L):
                ids = ctxt_v[l, pl.ds(c * C + g * LANES, LANES)]
                cnt = cnt + jnp.where(ids == jnp.int32(0),
                                      jnp.int32(1), jnp.int32(0))
            n0_v[pl.ds(g * LANES, LANES)] = cnt.astype(jnp.float32)

        def ebody(e, acc_cos):
            acc = [rows_v[p, e * L, pl.ds(16 * d, 16)] for d in range(4)]
            for l in range(1, L):
                for d in range(4):
                    acc[d] = acc[d] + rows_v[p, e * L + l, pl.ds(16 * d, 16)]
            n0 = jnp.full((LANES,), n0_v[pl.ds(e, LANES)][0], jnp.float32)
            inv = jnp.float32(1.0) / (jnp.float32(L) - n0 + jnp.float32(1e-6))
            pooled = [(acc[d] - n0 * w0_v[pl.ds(16 * d, 16)]) * inv
                      for d in range(4)]
            tg = [trow_v[p, e, pl.ds(16 * d, 16)] for d in range(4)]
            dv = pooled[0] * tg[0]
            av = pooled[0] * pooled[0]
            bv = tg[0] * tg[0]
            for d in range(1, 4):
                dv = dv + pooled[d] * tg[d]
                av = av + pooled[d] * pooled[d]
                bv = bv + tg[d] * tg[d]
            dots = jnp.full((LANES,), jnp.sum(dv), jnp.float32)
            na2 = jnp.full((LANES,), jnp.sum(av), jnp.float32)
            nb2 = jnp.full((LANES,), jnp.sum(bv), jnp.float32)
            na = _newton_sqrt(na2)
            nb = _newton_sqrt(nb2)
            cos = dots / (jnp.maximum(na, eps) * jnp.maximum(nb, eps))
            return acc_cos + cos

        return lax.fori_loop(0, C, ebody, cos_sum)

    total = lax.fori_loop(0, NCH, chunk_body,
                          jnp.zeros((LANES,), jnp.float32))

    cacc_v[...] = total
    pltpu.sync_copy(cacc_v, shared_v.at[sid])
    plsc.subcore_barrier()

    @pl.when(sid == 0)
    def _():
        pltpu.sync_copy(shared_v, red_v)
        tot = red_v[0, pl.ds(0, LANES)]
        for s in range(1, NS):
            tot = tot + red_v[s, pl.ds(0, LANES)]
        stage_v[...] = -tot / jnp.float32(B)
        pltpu.sync_copy(stage_v, out_hbm.at[cid])


@jax.jit
def _cbow_loss(ctxt, targets, W):
    mesh = plsc.VectorSubcoreMesh(
        core_axis_name="c", subcore_axis_name="s",
        num_cores=NC, num_subcores=NS)
    partial = pl.kernel(
        _body,
        out_type=jax.ShapeDtypeStruct((NC, LANES), jnp.float32),
        mesh=mesh,
        compiler_params=pltpu.CompilerParams(
            needs_layout_passes=False, use_tc_tiling_on_sc=False),
        scratch_types=[
            pltpu.VMEM((IDX_LEN,), jnp.int32),
            pltpu.VMEM((L, BPW), jnp.int32),
            pltpu.VMEM((BPW,), jnp.int32),
            pltpu.VMEM((D,), jnp.float32),
            pltpu.VMEM((2, ROWS_PER_CHUNK, D), jnp.float32),
            pltpu.VMEM((2, C, D), jnp.float32),
            pltpu.VMEM((C + LANES,), jnp.float32),
            pltpu.VMEM((LANES,), jnp.float32),
            pltpu.VMEM((NS, LANES), jnp.float32),
            pltpu.VMEM((LANES,), jnp.float32),
            pltpu.VMEM_SHARED((NS, LANES), jnp.float32),
            pltpu.SemaphoreType.DMA((2,)),
            pltpu.SemaphoreType.DMA((2,)),
        ],
    )(W, ctxt, targets)
    return partial[0, 0] + partial[1, 0]


def kernel(contexts, targets, W):
    return _cbow_loss(contexts.T, targets, W)

# --- scband reference (transcript-rebuilt; emitter-appended) ---
"""Pipeline reference for scband-classical-cbow-18786186952935 (READ-ONLY COPY).

The authoritative reference and input builder live on the scoring server;
editing this copy changes nothing except your own understanding.
"""

import jax, jax.numpy as jnp
import numpy as np

VOCAB = 1000000
EMBED_DIM = 64
BATCH = 16384
CTX_LEN = 20


def setup_inputs(seed: int = 0) -> dict:
    key = jax.random.key(seed)
    k1, k2, k3 = jax.random.split(key, 3)
    contexts = jax.random.randint(k1, (BATCH, CTX_LEN), 0, VOCAB, dtype=jnp.int64 if jax.config.jax_enable_x64 else jnp.int32).astype(jnp.int32)
    targets = jax.random.randint(k2, (BATCH,), 0, VOCAB, dtype=jnp.int32)
    # xavier_normal init for embedding table [vocab, dim]
    std = float(np.sqrt(2.0 / (VOCAB + EMBED_DIM)))
    W = jax.random.normal(k3, (VOCAB, EMBED_DIM), dtype=jnp.float32) * std
    return {"contexts": contexts, "targets": targets, "W": W}


def reference(contexts, targets, W):
    # embedding lookups (gather)
    embeds = jnp.take(W, contexts, axis=0)          # [B, L, D]
    mask = (contexts != 0).astype(jnp.float32)[..., None]  # [B, L, 1]
    pooled = (embeds * mask).sum(axis=1) / (mask.sum(axis=1) + 1e-06)  # [B, D]
    target_embeds = jnp.take(W, targets, axis=0)    # [B, D]
    # torch F.cosine_similarity semantics (eps=1e-8, norms clamped to eps)
    dot = jnp.sum(pooled * target_embeds, axis=-1)
    na = jnp.linalg.norm(pooled, axis=-1)
    nb = jnp.linalg.norm(target_embeds, axis=-1)
    cos = dot / (jnp.maximum(na, 1e-8) * jnp.maximum(nb, 1e-8))
    loss = -jnp.mean(cos)
    return loss

if __name__ == "__main__":
    import jax
    _d = setup_inputs()
    print(jax.jit(kernel)(*tuple(_d.values())))

</pallas_src>

<mosaic_0001>
#map = affine_map<(d0, d1) -> (0, 0)>
#map1 = affine_map<(d0, d1) -> (0)>
module attributes {stable_mosaic.version = 14 : i64} {
  func.func @_body(%arg0: i32, %arg1: i32, %arg2: memref<1000000x64xf32, #tpu.memory_space<hbm>>, %arg3: memref<20x16384xi32, #tpu.memory_space<hbm>>, %arg4: memref<16384xi32, #tpu.memory_space<hbm>>, %arg5: memref<2x16xf32, #tpu.memory_space<hbm>>, %arg6: memref<10240xi32, #tpu.memory_space<vmem>>, %arg7: memref<20x512xi32, #tpu.memory_space<vmem>>, %arg8: memref<512xi32, #tpu.memory_space<vmem>>, %arg9: memref<64xf32, #tpu.memory_space<vmem>>, %arg10: memref<2x640x64xf32, #tpu.memory_space<vmem>>, %arg11: memref<2x32x64xf32, #tpu.memory_space<vmem>>, %arg12: memref<48xf32, #tpu.memory_space<vmem>>, %arg13: memref<16xf32, #tpu.memory_space<vmem>>, %arg14: memref<16x16xf32, #tpu.memory_space<vmem>>, %arg15: memref<16xf32, #tpu.memory_space<vmem>>, %arg16: memref<16x16xf32, #tpu.memory_space<vmem_shared>>, %arg17: memref<2x!tpu.dma_semaphore, #tpu.memory_space<semaphore_mem>>, %arg18: memref<2x!tpu.dma_semaphore, #tpu.memory_space<semaphore_mem>>) attributes {dimension_semantics = [#tpu.dimension_semantics<core_parallel>, #tpu.dimension_semantics<subcore_parallel>], iteration_bounds = array<i64: 2, 16>, scalar_prefetch = 0 : i64, scratch_operands = 13 : i64, tpu.core_type = #tpu.core_type<sc_vector_subcore>, window_params = [{transform_indices = #map}, {transform_indices = #map}, {transform_indices = #map1}, {transform_indices = #map}]} {
    %mul3A = arith.constant 2 : i32
    %mul3A_0 = arith.muli %arg1, %mul3A : i32
    %add3A = arith.addi %mul3A_0, %arg0 : i32
    %mul3A_1 = arith.constant 512 : i32
    %mul3A_2 = arith.muli %add3A, %mul3A_1 : i32
    "tpu.region"() ({
      %run_scoped3A_98 = tpu.sem_alloc : memref<!tpu.dma_semaphore, #tpu.memory_space<semaphore_mem>>
      %dma_start3A_99 = arith.constant 0 : i32
      %dma_start3A_100 = tpu.memref_slice %arg3[%dma_start3A_99, %mul3A_2] : memref<20x16384xi32, #tpu.memory_space<hbm>> -> memref<20x512xi32, #tpu.memory_space<hbm>>
      %dma_start3A_101 = arith.constant 0 : i32
      %dma_start3A_102 = tpu.memref_slice %arg3[%dma_start3A_101, %mul3A_2] : memref<20x16384xi32, #tpu.memory_space<hbm>> -> memref<20x512xi32, #tpu.memory_space<hbm>>
      tpu.enqueue_dma source(%dma_start3A_102 : memref<20x512xi32, #tpu.memory_space<hbm>>) target(%arg7 : memref<20x512xi32, #tpu.memory_space<vmem>>) target_semaphore(%run_scoped3A_98 : memref<!tpu.dma_semaphore, #tpu.memory_space<semaphore_mem>>)
      %dma_wait3A = arith.constant 0 : i32
      %dma_wait3A_103 = tpu.memref_slice %arg3[%dma_wait3A, %mul3A_2] : memref<20x16384xi32, #tpu.memory_space<hbm>> -> memref<20x512xi32, #tpu.memory_space<hbm>>
      %dma_wait3A_104 = arith.constant 0 : i32
      %dma_wait3A_105 = tpu.memref_slice %arg3[%dma_wait3A_104, %mul3A_2] : memref<20x16384xi32, #tpu.memory_space<hbm>> -> memref<20x512xi32, #tpu.memory_space<hbm>>
      tpu.wait_dma2 semaphore(%run_scoped3A_98 : memref<!tpu.dma_semaphore, #tpu.memory_space<semaphore_mem>>) src(%dma_wait3A_105 : memref<20x512xi32, #tpu.memory_space<hbm>>) dst(%arg7 : memref<20x512xi32, #tpu.memory_space<vmem>>)
      tpu.yield
    }) : () -> ()
    %mul3A_3 = arith.constant 512 : i32
    %mul3A_4 = arith.muli %add3A, %mul3A_3 : i32
    "tpu.region"() ({
      %run_scoped3A_98 = tpu.sem_alloc : memref<!tpu.dma_semaphore, #tpu.memory_space<semaphore_mem>>
      %dma_start3A_99 = tpu.memref_slice %arg4[%mul3A_4] : memref<16384xi32, #tpu.memory_space<hbm>> -> memref<512xi32, #tpu.memory_space<hbm>>
      %dma_start3A_100 = tpu.memref_slice %arg4[%mul3A_4] : memref<16384xi32, #tpu.memory_space<hbm>> -> memref<512xi32, #tpu.memory_space<hbm>>
      tpu.enqueue_dma source(%dma_start3A_100 : memref<512xi32, #tpu.memory_space<hbm>>) target(%arg8 : memref<512xi32, #tpu.memory_space<vmem>>) target_semaphore(%run_scoped3A_98 : memref<!tpu.dma_semaphore, #tpu.memory_space<semaphore_mem>>)
      %dma_wait3A = tpu.memref_slice %arg4[%mul3A_4] : memref<16384xi32, #tpu.memory_space<hbm>> -> memref<512xi32, #tpu.memory_space<hbm>>
      %dma_wait3A_101 = tpu.memref_slice %arg4[%mul3A_4] : memref<16384xi32, #tpu.memory_space<hbm>> -> memref<512xi32, #tpu.memory_space<hbm>>
      tpu.wait_dma2 semaphore(%run_scoped3A_98 : memref<!tpu.dma_semaphore, #tpu.memory_space<semaphore_mem>>) src(%dma_wait3A_101 : memref<512xi32, #tpu.memory_space<hbm>>) dst(%arg8 : memref<512xi32, #tpu.memory_space<vmem>>)
      tpu.yield
    }) : () -> ()
    %run_scoped3A = arith.constant 0 : i32
    "tpu.region"() ({
      %run_scoped3A_98 = tpu.sem_alloc : memref<!tpu.dma_semaphore, #tpu.memory_space<semaphore_mem>>
      %dma_start3A_99 = arith.constant 0 : i32
      %dma_start3A_100 = tpu.memref_slice %arg2[%run_scoped3A, %dma_start3A_99] : memref<1000000x64xf32, #tpu.memory_space<hbm>> -> memref<1x64xf32, #tpu.memory_space<hbm>>
      %dma_start3A_101 = tpu.memref_squeeze %dma_start3A_100 : memref<1x64xf32, #tpu.memory_space<hbm>> -> memref<64xf32, #tpu.memory_space<hbm>>
      %dma_start3A_102 = arith.constant 0 : i32
      %dma_start3A_103 = tpu.memref_slice %arg2[%run_scoped3A, %dma_start3A_102] : memref<1000000x64xf32, #tpu.memory_space<hbm>> -> memref<1x64xf32, #tpu.memory_space<hbm>>
      %dma_start3A_104 = tpu.memref_squeeze %dma_start3A_103 : memref<1x64xf32, #tpu.memory_space<hbm>> -> memref<64xf32, #tpu.memory_space<hbm>>
      tpu.enqueue_dma source(%dma_start3A_104 : memref<64xf32, #tpu.memory_space<hbm>>) target(%arg9 : memref<64xf32, #tpu.memory_space<vmem>>) target_semaphore(%run_scoped3A_98 : memref<!tpu.dma_semaphore, #tpu.memory_space<semaphore_mem>>)
      %dma_wait3A = arith.constant 0 : i32
      %dma_wait3A_105 = tpu.memref_slice %arg2[%run_scoped3A, %dma_wait3A] : memref<1000000x64xf32, #tpu.memory_space<hbm>> -> memref<1x64xf32, #tpu.memory_space<hbm>>
      %dma_wait3A_106 = tpu.memref_squeeze %dma_wait3A_105 : memref<1x64xf32, #tpu.memory_space<hbm>> -> memref<64xf32, #tpu.memory_space<hbm>>
      %dma_wait3A_107 = arith.constant 0 : i32
      %dma_wait3A_108 = tpu.memref_slice %arg2[%run_scoped3A, %dma_wait3A_107] : memref<1000000x64xf32, #tpu.memory_space<hbm>> -> memref<1x64xf32, #tpu.memory_space<hbm>>
      %dma_wait3A_109 = tpu.memref_squeeze %dma_wait3A_108 : memref<1x64xf32, #tpu.memory_space<hbm>> -> memref<64xf32, #tpu.memory_space<hbm>>
      tpu.wait_dma2 semaphore(%run_scoped3A_98 : memref<!tpu.dma_semaphore, #tpu.memory_space<semaphore_mem>>) src(%dma_wait3A_109 : memref<64xf32, #tpu.memory_space<hbm>>) dst(%arg9 : memref<64xf32, #tpu.memory_space<vmem>>)
      tpu.yield
    }) : () -> ()
    %iota3A = tpu.iota {dimensions = array<i32: 0>} : vector<16xi32>
    %scan3A = arith.constant 0 : i32
    %scan3A_5 = arith.constant 0 : i32
    %scan3A_6 = arith.constant 32 : i32
    %scan3A_7 = arith.addi %scan3A_5, %scan3A_6 : i32
    %scan3A_8 = arith.constant 1 : i32
    scf.for %scan3A_98 = %scan3A_5 to %scan3A_7 step %scan3A_8  : i32 {
      %mul3A_99 = arith.constant 16 : i32
      %mul3A_100 = arith.muli %scan3A_98, %mul3A_99 : i32
      %add3A_101 = vector.broadcast %mul3A_100 : i32 to vector<16xi32>
      %add3A_102 = arith.addi %add3A_101, %iota3A : vector<16xi32>
      %mul3A_103 = arith.constant 20 : i32
      %mul3A_104 = vector.broadcast %mul3A_103 : i32 to vector<16xi32>
      %mul3A_105 = arith.muli %add3A_102, %mul3A_104 : vector<16xi32>
      %mul3A_106 = arith.constant 16 : i32
      %mul3A_107 = arith.muli %scan3A_98, %mul3A_106 : i32
      %get3A = arith.constant 0 : i32
      %get3A_108 = arith.index_cast %get3A : i32 to index
      %get3A_109 = arith.index_cast %mul3A_107 : i32 to index
      %get3A_110 = tpu.vector_load %arg7[%get3A_108, %get3A_109] {strides = array<i32>} : memref<20x512xi32, #tpu.memory_space<vmem>>, vector<16xi32>,
      %add3A_111 = arith.constant 0 : i32
      %add3A_112 = vector.broadcast %add3A_111 : i32 to vector<16xi32>
      %add3A_113 = arith.addi %mul3A_105, %add3A_112 : vector<16xi32>
      tpu.vector_store_idx %arg6[%add3A_113], %get3A_110 : memref<10240xi32, #tpu.memory_space<vmem>>[vector<16xi32>], vector<16xi32>,
      %mul3A_114 = arith.constant 16 : i32
      %mul3A_115 = arith.muli %scan3A_98, %mul3A_114 : i32
      %get3A_116 = arith.constant 1 : i32
      %get3A_117 = arith.index_cast %get3A_116 : i32 to index
      %get3A_118 = arith.index_cast %mul3A_115 : i32 to index
      %get3A_119 = tpu.vector_load %arg7[%get3A_117, %get3A_118] {strides = array<i32>} : memref<20x512xi32, #tpu.memory_space<vmem>>, vector<16xi32>,
      %add3A_120 = arith.constant 1 : i32
      %add3A_121 = vector.broadcast %add3A_120 : i32 to vector<16xi32>
      %add3A_122 = arith.addi %mul3A_105, %add3A_121 : vector<16xi32>
      tpu.vector_store_idx %arg6[%add3A_122], %get3A_119 : memref<10240xi32, #tpu.memory_space<vmem>>[vector<16xi32>], vector<16xi32>,
      %mul3A_123 = arith.constant 16 : i32
      %mul3A_124 = arith.muli %scan3A_98, %mul3A_123 : i32
      %get3A_125 = arith.constant 2 : i32
      %get3A_126 = arith.index_cast %get3A_125 : i32 to index
      %get3A_127 = arith.index_cast %mul3A_124 : i32 to index
      %get3A_128 = tpu.vector_load %arg7[%get3A_126, %get3A_127] {strides = array<i32>} : memref<20x512xi32, #tpu.memory_space<vmem>>, vector<16xi32>,
      %add3A_129 = arith.constant 2 : i32
      %add3A_130 = vector.broadcast %add3A_129 : i32 to vector<16xi32>
      %add3A_131 = arith.addi %mul3A_105, %add3A_130 : vector<16xi32>
      tpu.vector_store_idx %arg6[%add3A_131], %get3A_128 : memref<10240xi32, #tpu.memory_space<vmem>>[vector<16xi32>], vector<16xi32>,
      %mul3A_132 = arith.constant 16 : i32
      %mul3A_133 = arith.muli %scan3A_98, %mul3A_132 : i32
      %get3A_134 = arith.constant 3 : i32
      %get3A_135 = arith.index_cast %get3A_134 : i32 to index
      %get3A_136 = arith.index_cast %mul3A_133 : i32 to index
      %get3A_137 = tpu.vector_load %arg7[%get3A_135, %get3A_136] {strides = array<i32>} : memref<20x512xi32, #tpu.memory_space<vmem>>, vector<16xi32>,
      %add3A_138 = arith.constant 3 : i32
      %add3A_139 = vector.broadcast %add3A_138 : i32 to vector<16xi32>
      %add3A_140 = arith.addi %mul3A_105, %add3A_139 : vector<16xi32>
      tpu.vector_store_idx %arg6[%add3A_140], %get3A_137 : memref<10240xi32, #tpu.memory_space<vmem>>[vector<16xi32>], vector<16xi32>,
      %mul3A_141 = arith.constant 16 : i32
      %mul3A_142 = arith.muli %scan3A_98, %mul3A_141 : i32
      %get3A_143 = arith.constant 4 : i32
      %get3A_144 = arith.index_cast %get3A_143 : i32 to index
      %get3A_145 = arith.index_cast %mul3A_142 : i32 to index
      %get3A_146 = tpu.vector_load %arg7[%get3A_144, %get3A_145] {strides = array<i32>} : memref<20x512xi32, #tpu.memory_space<vmem>>, vector<16xi32>,
      %add3A_147 = arith.constant 4 : i32
      %add3A_148 = vector.broadcast %add3A_147 : i32 to vector<16xi32>
      %add3A_149 = arith.addi %mul3A_105, %add3A_148 : vector<16xi32>
      tpu.vector_store_idx %arg6[%add3A_149], %get3A_146 : memref<10240xi32, #tpu.memory_space<vmem>>[vector<16xi32>], vector<16xi32>,
      %mul3A_150 = arith.constant 16 : i32
      %mul3A_151 = arith.muli %scan3A_98, %mul3A_150 : i32
      %get3A_152 = arith.constant 5 : i32
      %get3A_153 = arith.index_cast %get3A_152 : i32 to index
      %get3A_154 = arith.index_cast %mul3A_151 : i32 to index
      %get3A_155 = tpu.vector_load %arg7[%get3A_153, %get3A_154] {strides = array<i32>} : memref<20x512xi32, #tpu.memory_space<vmem>>, vector<16xi32>,
      %add3A_156 = arith.constant 5 : i32
      %add3A_157 = vector.broadcast %add3A_156 : i32 to vector<16xi32>
      %add3A_158 = arith.addi %mul3A_105, %add3A_157 : vector<16xi32>
      tpu.vector_store_idx %arg6[%add3A_158], %get3A_155 : memref<10240xi32, #tpu.memory_space<vmem>>[vector<16xi32>], vector<16xi32>,
      %mul3A_159 = arith.constant 16 : i32
      %mul3A_160 = arith.muli %scan3A_98, %mul3A_159 : i32
      %get3A_161 = arith.constant 6 : i32
      %get3A_162 = arith.index_cast %get3A_161 : i32 to index
      %get3A_163 = arith.index_cast %mul3A_160 : i32 to index
      %get3A_164 = tpu.vector_load %arg7[%get3A_162, %get3A_163] {strides = array<i32>} : memref<20x512xi32, #tpu.memory_space<vmem>>, vector<16xi32>,
      %add3A_165 = arith.constant 6 : i32
      %add3A_166 = vector.broadcast %add3A_165 : i32 to vector<16xi32>
      %add3A_167 = arith.addi %mul3A_105, %add3A_166 : vector<16xi32>
      tpu.vector_store_idx %arg6[%add3A_167], %get3A_164 : memref<10240xi32, #tpu.memory_space<vmem>>[vector<16xi32>], vector<16xi32>,
      %mul3A_168 = arith.constant 16 : i32
      %mul3A_169 = arith.muli %scan3A_98, %mul3A_168 : i32
      %get3A_170 = arith.constant 7 : i32
      %get3A_171 = arith.index_cast %get3A_170 : i32 to index
      %get3A_172 = arith.index_cast %mul3A_169 : i32 to index
      %get3A_173 = tpu.vector_load %arg7[%get3A_171, %get3A_172] {strides = array<i32>} : memref<20x512xi32, #tpu.memory_space<vmem>>, vector<16xi32>,
      %add3A_174 = arith.constant 7 : i32
      %add3A_175 = vector.broadcast %add3A_174 : i32 to vector<16xi32>
      %add3A_176 = arith.addi %mul3A_105, %add3A_175 : vector<16xi32>
      tpu.vector_store_idx %arg6[%add3A_176], %get3A_173 : memref<10240xi32, #tpu.memory_space<vmem>>[vector<16xi32>], vector<16xi32>,
      %mul3A_177 = arith.constant 16 : i32
      %mul3A_178 = arith.muli %scan3A_98, %mul3A_177 : i32
      %get3A_179 = arith.constant 8 : i32
      %get3A_180 = arith.index_cast %get3A_179 : i32 to index
      %get3A_181 = arith.index_cast %mul3A_178 : i32 to index
      %get3A_182 = tpu.vector_load %arg7[%get3A_180, %get3A_181] {strides = array<i32>} : memref<20x512xi32, #tpu.memory_space<vmem>>, vector<16xi32>,
      %add3A_183 = arith.constant 8 : i32
      %add3A_184 = vector.broadcast %add3A_183 : i32 to vector<16xi32>
      %add3A_185 = arith.addi %mul3A_105, %add3A_184 : vector<16xi32>
      tpu.vector_store_idx %arg6[%add3A_185], %get3A_182 : memref<10240xi32, #tpu.memory_space<vmem>>[vector<16xi32>], vector<16xi32>,
      %mul3A_186 = arith.constant 16 : i32
      %mul3A_187 = arith.muli %scan3A_98, %mul3A_186 : i32
      %get3A_188 = arith.constant 9 : i32
      %get3A_189 = arith.index_cast %get3A_188 : i32 to index
      %get3A_190 = arith.index_cast %mul3A_187 : i32 to index
      %get3A_191 = tpu.vector_load %arg7[%get3A_189, %get3A_190] {strides = array<i32>} : memref<20x512xi32, #tpu.memory_space<vmem>>, vector<16xi32>,
      %add3A_192 = arith.constant 9 : i32
      %add3A_193 = vector.broadcast %add3A_192 : i32 to vector<16xi32>
      %add3A_194 = arith.addi %mul3A_105, %add3A_193 : vector<16xi32>
      tpu.vector_store_idx %arg6[%add3A_194], %get3A_191 : memref<10240xi32, #tpu.memory_space<vmem>>[vector<16xi32>], vector<16xi32>,
      %mul3A_195 = arith.constant 16 : i32
      %mul3A_196 = arith.muli %scan3A_98, %mul3A_195 : i32
      %get3A_197 = arith.constant 10 : i32
      %get3A_198 = arith.index_cast %get3A_197 : i32 to index
      %get3A_199 = arith.index_cast %mul3A_196 : i32 to index
      %get3A_200 = tpu.vector_load %arg7[%get3A_198, %get3A_199] {strides = array<i32>} : memref<20x512xi32, #tpu.memory_space<vmem>>, vector<16xi32>,
      %add3A_201 = arith.constant 10 : i32
      %add3A_202 = vector.broadcast %add3A_201 : i32 to vector<16xi32>
      %add3A_203 = arith.addi %mul3A_105, %add3A_202 : vector<16xi32>
      tpu.vector_store_idx %arg6[%add3A_203], %get3A_200 : memref<10240xi32, #tpu.memory_space<vmem>>[vector<16xi32>], vector<16xi32>,
      %mul3A_204 = arith.constant 16 : i32
      %mul3A_205 = arith.muli %scan3A_98, %mul3A_204 : i32
      %get3A_206 = arith.constant 11 : i32
      %get3A_207 = arith.index_cast %get3A_206 : i32 to index
      %get3A_208 = arith.index_cast %mul3A_205 : i32 to index
      %get3A_209 = tpu.vector_load %arg7[%get3A_207, %get3A_208] {strides = array<i32>} : memref<20x512xi32, #tpu.memory_space<vmem>>, vector<16xi32>,
      %add3A_210 = arith.constant 11 : i32
      %add3A_211 = vector.broadcast %add3A_210 : i32 to vector<16xi32>
      %add3A_212 = arith.addi %mul3A_105, %add3A_211 : vector<16xi32>
      tpu.vector_store_idx %arg6[%add3A_212], %get3A_209 : memref<10240xi32, #tpu.memory_space<vmem>>[vector<16xi32>], vector<16xi32>,
      %mul3A_213 = arith.constant 16 : i32
      %mul3A_214 = arith.muli %scan3A_98, %mul3A_213 : i32
      %get3A_215 = arith.constant 12 : i32
      %get3A_216 = arith.index_cast %get3A_215 : i32 to index
      %get3A_217 = arith.index_cast %mul3A_214 : i32 to index
      %get3A_218 = tpu.vector_load %arg7[%get3A_216, %get3A_217] {strides = array<i32>} : memref<20x512xi32, #tpu.memory_space<vmem>>, vector<16xi32>,
      %add3A_219 = arith.constant 12 : i32
      %add3A_220 = vector.broadcast %add3A_219 : i32 to vector<16xi32>
      %add3A_221 = arith.addi %mul3A_105, %add3A_220 : vector<16xi32>
      tpu.vector_store_idx %arg6[%add3A_221], %get3A_218 : memref<10240xi32, #tpu.memory_space<vmem>>[vector<16xi32>], vector<16xi32>,
      %mul3A_222 = arith.constant 16 : i32
      %mul3A_223 = arith.muli %scan3A_98, %mul3A_222 : i32
      %get3A_224 = arith.constant 13 : i32
      %get3A_225 = arith.index_cast %get3A_224 : i32 to index
      %get3A_226 = arith.index_cast %mul3A_223 : i32 to index
      %get3A_227 = tpu.vector_load %arg7[%get3A_225, %get3A_226] {strides = array<i32>} : memref<20x512xi32, #tpu.memory_space<vmem>>, vector<16xi32>,
      %add3A_228 = arith.constant 13 : i32
      %add3A_229 = vector.broadcast %add3A_228 : i32 to vector<16xi32>
      %add3A_230 = arith.addi %mul3A_105, %add3A_229 : vector<16xi32>
      tpu.vector_store_idx %arg6[%add3A_230], %get3A_227 : memref<10240xi32, #tpu.memory_space<vmem>>[vector<16xi32>], vector<16xi32>,
      %mul3A_231 = arith.constant 16 : i32
      %mul3A_232 = arith.muli %scan3A_98, %mul3A_231 : i32
      %get3A_233 = arith.constant 14 : i32
      %get3A_234 = arith.index_cast %get3A_233 : i32 to index
      %get3A_235 = arith.index_cast %mul3A_232 : i32 to index
      %get3A_236 = tpu.vector_load %arg7[%get3A_234, %get3A_235] {strides = array<i32>} : memref<20x512xi32, #tpu.memory_space<vmem>>, vector<16xi32>,
      %add3A_237 = arith.constant 14 : i32
      %add3A_238 = vector.broadcast %add3A_237 : i32 to vector<16xi32>
      %add3A_239 = arith.addi %mul3A_105, %add3A_238 : vector<16xi32>
      tpu.vector_store_idx %arg6[%add3A_239], %get3A_236 : memref<10240xi32, #tpu.memory_space<vmem>>[vector<16xi32>], vector<16xi32>,
      %mul3A_240 = arith.constant 16 : i32
      %mul3A_241 = arith.muli %scan3A_98, %mul3A_240 : i32
      %get3A_242 = arith.constant 15 : i32
      %get3A_243 = arith.index_cast %get3A_242 : i32 to index
      %get3A_244 = arith.index_cast %mul3A_241 : i32 to index
      %get3A_245 = tpu.vector_load %arg7[%get3A_243, %get3A_244] {strides = array<i32>} : memref<20x512xi32, #tpu.memory_space<vmem>>, vector<16xi32>,
      %add3A_246 = arith.constant 15 : i32
      %add3A_247 = vector.broadcast %add3A_246 : i32 to vector<16xi32>
      %add3A_248 = arith.addi %mul3A_105, %add3A_247 : vector<16xi32>
      tpu.vector_store_idx %arg6[%add3A_248], %get3A_245 : memref<10240xi32, #tpu.memory_space<vmem>>[vector<16xi32>], vector<16xi32>,
      %mul3A_249 = arith.constant 16 : i32
      %mul3A_250 = arith.muli %scan3A_98, %mul3A_249 : i32
      %get3A_251 = arith.constant 16 : i32
      %get3A_252 = arith.index_cast %get3A_251 : i32 to index
      %get3A_253 = arith.index_cast %mul3A_250 : i32 to index
      %get3A_254 = tpu.vector_load %arg7[%get3A_252, %get3A_253] {strides = array<i32>} : memref<20x512xi32, #tpu.memory_space<vmem>>, vector<16xi32>,
      %add3A_255 = arith.constant 16 : i32
      %add3A_256 = vector.broadcast %add3A_255 : i32 to vector<16xi32>
      %add3A_257 = arith.addi %mul3A_105, %add3A_256 : vector<16xi32>
      tpu.vector_store_idx %arg6[%add3A_257], %get3A_254 : memref<10240xi32, #tpu.memory_space<vmem>>[vector<16xi32>], vector<16xi32>,
      %mul3A_258 = arith.constant 16 : i32
      %mul3A_259 = arith.muli %scan3A_98, %mul3A_258 : i32
      %get3A_260 = arith.constant 17 : i32
      %get3A_261 = arith.index_cast %get3A_260 : i32 to index
      %get3A_262 = arith.index_cast %mul3A_259 : i32 to index
      %get3A_263 = tpu.vector_load %arg7[%get3A_261, %get3A_262] {strides = array<i32>} : memref<20x512xi32, #tpu.memory_space<vmem>>, vector<16xi32>,
      %add3A_264 = arith.constant 17 : i32
      %add3A_265 = vector.broadcast %add3A_264 : i32 to vector<16xi32>
      %add3A_266 = arith.addi %mul3A_105, %add3A_265 : vector<16xi32>
      tpu.vector_store_idx %arg6[%add3A_266], %get3A_263 : memref<10240xi32, #tpu.memory_space<vmem>>[vector<16xi32>], vector<16xi32>,
      %mul3A_267 = arith.constant 16 : i32
      %mul3A_268 = arith.muli %scan3A_98, %mul3A_267 : i32
      %get3A_269 = arith.constant 18 : i32
      %get3A_270 = arith.index_cast %get3A_269 : i32 to index
      %get3A_271 = arith.index_cast %mul3A_268 : i32 to index
      %get3A_272 = tpu.vector_load %arg7[%get3A_270, %get3A_271] {strides = array<i32>} : memref<20x512xi32, #tpu.memory_space<vmem>>, vector<16xi32>,
      %add3A_273 = arith.constant 18 : i32
      %add3A_274 = vector.broadcast %add3A_273 : i32 to vector<16xi32>
      %add3A_275 = arith.addi %mul3A_105, %add3A_274 : vector<16xi32>
      tpu.vector_store_idx %arg6[%add3A_275], %get3A_272 : memref<10240xi32, #tpu.memory_space<vmem>>[vector<16xi32>], vector<16xi32>,
      %mul3A_276 = arith.constant 16 : i32
      %mul3A_277 = arith.muli %scan3A_98, %mul3A_276 : i32
      %get3A_278 = arith.constant 19 : i32
      %get3A_279 = arith.index_cast %get3A_278 : i32 to index
      %get3A_280 = arith.index_cast %mul3A_277 : i32 to index
      %get3A_281 = tpu.vector_load %arg7[%get3A_279, %get3A_280] {strides = array<i32>} : memref<20x512xi32, #tpu.memory_space<vmem>>, vector<16xi32>,
      %add3A_282 = arith.constant 19 : i32
      %add3A_283 = vector.broadcast %add3A_282 : i32 to vector<16xi32>
      %add3A_284 = arith.addi %mul3A_105, %add3A_283 : vector<16xi32>
      tpu.vector_store_idx %arg6[%add3A_284], %get3A_281 : memref<10240xi32, #tpu.memory_space<vmem>>[vector<16xi32>], vector<16xi32>,
    }
    %scan3A_9 = arith.constant 32 : i32
    %dma_start3A = arith.constant 0 : i32
    %dma_start3A_10 = arith.constant 0 : i32
    %dma_start3A_11 = arith.constant 0 : i32
    %dma_start3A_12 = arith.constant 0 : i32
    %dma_start3A_13 = tpu.memref_slice %arg10[%dma_start3A, %dma_start3A_11, %dma_start3A_12] : memref<2x640x64xf32, #tpu.memory_space<vmem>> -> memref<1x128x64xf32, #tpu.memory_space<vmem>>
    %dma_start3A_14 = tpu.memref_squeeze %dma_start3A_13 : memref<1x128x64xf32, #tpu.memory_space<vmem>> -> memref<128x64xf32, #tpu.memory_space<vmem>>
    %dma_start3A_15 = arith.constant 0 : i32
    %dma_start3A_16 = tpu.memref_slice %arg6[%dma_start3A_15] : memref<10240xi32, #tpu.memory_space<vmem>> -> memref<128xi32, #tpu.memory_space<vmem>>
    %dma_start3A_17 = arith.constant 0 : i32
    %dma_start3A_18 = arith.constant 0 : i32
    %dma_start3A_19 = tpu.memref_slice %arg2[%dma_start3A_17, %dma_start3A_18] : memref<1000000x64xf32, #tpu.memory_space<hbm>> -> memref<1000000x64xf32, #tpu.memory_space<hbm>>
    %dma_start3A_20 = tpu.memref_slice %arg17[%dma_start3A_10] : memref<2x!tpu.dma_semaphore, #tpu.memory_space<semaphore_mem>> -> memref<1x!tpu.dma_semaphore, #tpu.memory_space<semaphore_mem>>
    %dma_start3A_21 = tpu.memref_squeeze %dma_start3A_20 : memref<1x!tpu.dma_semaphore, #tpu.memory_space<semaphore_mem>> -> memref<!tpu.dma_semaphore, #tpu.memory_space<semaphore_mem>>
    tpu.enqueue_indirect_dma source(%dma_start3A_19 : memref<1000000x64xf32, #tpu.memory_space<hbm>>) target(%dma_start3A_14 : memref<128x64xf32, #tpu.memory_space<vmem>>) offsets(%dma_start3A_16 : memref<128xi32, #tpu.memory_space<vmem>>) semaphore(%dma_start3A_21 : memref<!tpu.dma_semaphore, #tpu.memory_space<semaphore_mem>>)
    %dma_start3A_22 = arith.constant 0 : i32
    %dma_start3A_23 = arith.constant 0 : i32
    %dma_start3A_24 = arith.constant 128 : i32
    %dma_start3A_25 = arith.constant 0 : i32
    %dma_start3A_26 = tpu.memref_slice %arg10[%dma_start3A_22, %dma_start3A_24, %dma_start3A_25] : memref<2x640x64xf32, #tpu.memory_space<vmem>> -> memref<1x128x64xf32, #tpu.memory_space<vmem>>
    %dma_start3A_27 = tpu.memref_squeeze %dma_start3A_26 : memref<1x128x64xf32, #tpu.memory_space<vmem>> -> memref<128x64xf32, #tpu.memory_space<vmem>>
    %dma_start3A_28 = arith.constant 128 : i32
    %dma_start3A_29 = tpu.memref_slice %arg6[%dma_start3A_28] : memref<10240xi32, #tpu.memory_space<vmem>> -> memref<128xi32, #tpu.memory_space<vmem>>
    %dma_start3A_30 = arith.constant 0 : i32
    %dma_start3A_31 = arith.constant 0 : i32
    %dma_start3A_32 = tpu.memref_slice %arg2[%dma_start3A_30, %dma_start3A_31] : memref<1000000x64xf32, #tpu.memory_space<hbm>> -> memref<1000000x64xf32, #tpu.memory_space<hbm>>
    %dma_start3A_33 = tpu.memref_slice %arg17[%dma_start3A_23] : memref<2x!tpu.dma_semaphore, #tpu.memory_space<semaphore_mem>> -> memref<1x!tpu.dma_semaphore, #tpu.memory_space<semaphore_mem>>
    %dma_start3A_34 = tpu.memref_squeeze %dma_start3A_33 : memref<1x!tpu.dma_semaphore, #tpu.memory_space<semaphore_mem>> -> memref<!tpu.dma_semaphore, #tpu.memory_space<semaphore_mem>>
    tpu.enqueue_indirect_dma source(%dma_start3A_32 : memref<1000000x64xf32, #tpu.memory_space<hbm>>) target(%dma_start3A_27 : memref<128x64xf32, #tpu.memory_space<vmem>>) offsets(%dma_start3A_29 : memref<128xi32, #tpu.memory_space<vmem>>) semaphore(%dma_start3A_34 : memref<!tpu.dma_semaphore, #tpu.memory_space<semaphore_mem>>)
    %dma_start3A_35 = arith.constant 0 : i32
    %dma_start3A_36 = arith.constant 0 : i32
    %dma_start3A_37 = arith.constant 256 : i32
    %dma_start3A_38 = arith.constant 0 : i32
    %dma_start3A_39 = tpu.memref_slice %arg10[%dma_start3A_35, %dma_start3A_37, %dma_start3A_38] : memref<2x640x64xf32, #tpu.memory_space<vmem>> -> memref<1x128x64xf32, #tpu.memory_space<vmem>>
    %dma_start3A_40 = tpu.memref_squeeze %dma_start3A_39 : memref<1x128x64xf32, #tpu.memory_space<vmem>> -> memref<128x64xf32, #tpu.memory_space<vmem>>
    %dma_start3A_41 = arith.constant 256 : i32
    %dma_start3A_42 = tpu.memref_slice %arg6[%dma_start3A_41] : memref<10240xi32, #tpu.memory_space<vmem>> -> memref<128xi32, #tpu.memory_space<vmem>>
    %dma_start3A_43 = arith.constant 0 : i32
    %dma_start3A_44 = arith.constant 0 : i32
    %dma_start3A_45 = tpu.memref_slice %arg2[%dma_start3A_43, %dma_start3A_44] : memref<1000000x64xf32, #tpu.memory_space<hbm>> -> memref<1000000x64xf32, #tpu.memory_space<hbm>>
    %dma_start3A_46 = tpu.memref_slice %arg17[%dma_start3A_36] : memref<2x!tpu.dma_semaphore, #tpu.memory_space<semaphore_mem>> -> memref<1x!tpu.dma_semaphore, #tpu.memory_space<semaphore_mem>>
    %dma_start3A_47 = tpu.memref_squeeze %dma_start3A_46 : memref<1x!tpu.dma_semaphore, #tpu.memory_space<semaphore_mem>> -> memref<!tpu.dma_semaphore, #tpu.memory_space<semaphore_mem>>
    tpu.enqueue_indirect_dma source(%dma_start3A_45 : memref<1000000x64xf32, #tpu.memory_space<hbm>>) target(%dma_start3A_40 : memref<128x64xf32, #tpu.memory_space<vmem>>) offsets(%dma_start3A_42 : memref<128xi32, #tpu.memory_space<vmem>>) semaphore(%dma_start3A_47 : memref<!tpu.dma_semaphore, #tpu.memory_space<semaphore_mem>>)
    %dma_start3A_48 = arith.constant 0 : i32
    %dma_start3A_49 = arith.constant 0 : i32
    %dma_start3A_50 = arith.constant 384 : i32
    %dma_start3A_51 = arith.constant 0 : i32
    %dma_start3A_52 = tpu.memref_slice %arg10[%dma_start3A_48, %dma_start3A_50, %dma_start3A_51] : memref<2x640x64xf32, #tpu.memory_space<vmem>> -> memref<1x128x64xf32, #tpu.memory_space<vmem>>
    %dma_start3A_53 = tpu.memref_squeeze %dma_start3A_52 : memref<1x128x64xf32, #tpu.memory_space<vmem>> -> memref<128x64xf32, #tpu.memory_space<vmem>>
    %dma_start3A_54 = arith.constant 384 : i32
    %dma_start3A_55 = tpu.memref_slice %arg6[%dma_start3A_54] : memref<10240xi32, #tpu.memory_space<vmem>> -> memref<128xi32, #tpu.memory_space<vmem>>
    %dma_start3A_56 = arith.constant 0 : i32
    %dma_start3A_57 = arith.constant 0 : i32
    %dma_start3A_58 = tpu.memref_slice %arg2[%dma_start3A_56, %dma_start3A_57] : memref<1000000x64xf32, #tpu.memory_space<hbm>> -> memref<1000000x64xf32, #tpu.memory_space<hbm>>
    %dma_start3A_59 = tpu.memref_slice %arg17[%dma_start3A_49] : memref<2x!tpu.dma_semaphore, #tpu.memory_space<semaphore_mem>> -> memref<1x!tpu.dma_semaphore, #tpu.memory_space<semaphore_mem>>
    %dma_start3A_60 = tpu.memref_squeeze %dma_start3A_59 : memref<1x!tpu.dma_semaphore, #tpu.memory_space<semaphore_mem>> -> memref<!tpu.dma_semaphore, #tpu.memory_space<semaphore_mem>>
    tpu.enqueue_indirect_dma source(%dma_start3A_58 : memref<1000000x64xf32, #tpu.memory_space<hbm>>) target(%dma_start3A_53 : memref<128x64xf32, #tpu.memory_space<vmem>>) offsets(%dma_start3A_55 : memref<128xi32, #tpu.memory_space<vmem>>) semaphore(%dma_start3A_60 : memref<!tpu.dma_semaphore, #tpu.memory_space<semaphore_mem>>)
    %dma_start3A_61 = arith.constant 0 : i32
    %dma_start3A_62 = arith.constant 0 : i32
    %dma_start3A_63 = arith.constant 512 : i32
    %dma_start3A_64 = arith.constant 0 : i32
    %dma_start3A_65 = tpu.memref_slice %arg10[%dma_start3A_61, %dma_start3A_63, %dma_start3A_64] : memref<2x640x64xf32, #tpu.memory_space<vmem>> -> memref<1x128x64xf32, #tpu.memory_space<vmem>>
    %dma_start3A_66 = tpu.memref_squeeze %dma_start3A_65 : memref<1x128x64xf32, #tpu.memory_space<vmem>> -> memref<128x64xf32, #tpu.memory_space<vmem>>
    %dma_start3A_67 = arith.constant 512 : i32
    %dma_start3A_68 = tpu.memref_slice %arg6[%dma_start3A_67] : memref<10240xi32, #tpu.memory_space<vmem>> -> memref<128xi32, #tpu.memory_space<vmem>>
    %dma_start3A_69 = arith.constant 0 : i32
    %dma_start3A_70 = arith.constant 0 : i32
    %dma_start3A_71 = tpu.memref_slice %arg2[%dma_start3A_69, %dma_start3A_70] : memref<1000000x64xf32, #tpu.memory_space<hbm>> -> memref<1000000x64xf32, #tpu.memory_space<hbm>>
    %dma_start3A_72 = tpu.memref_slice %arg17[%dma_start3A_62] : memref<2x!tpu.dma_semaphore, #tpu.memory_space<semaphore_mem>> -> memref<1x!tpu.dma_semaphore, #tpu.memory_space<semaphore_mem>>
    %dma_start3A_73 = tpu.memref_squeeze %dma_start3A_72 : memref<1x!tpu.dma_semaphore, #tpu.memory_space<semaphore_mem>> -> memref<!tpu.dma_semaphore, #tpu.memory_space<semaphore_mem>>
    tpu.enqueue_indirect_dma source(%dma_start3A_71 : memref<1000000x64xf32, #tpu.memory_space<hbm>>) target(%dma_start3A_66 : memref<128x64xf32, #tpu.memory_space<vmem>>) offsets(%dma_start3A_68 : memref<128xi32, #tpu.memory_space<vmem>>) semaphore(%dma_start3A_73 : memref<!tpu.dma_semaphore, #tpu.memory_space<semaphore_mem>>)
    %dma_start3A_74 = arith.constant 0 : i32
    %dma_start3A_75 = arith.constant 0 : i32
    %dma_start3A_76 = arith.constant 0 : i32
    %dma_start3A_77 = arith.constant 0 : i32
    %dma_start3A_78 = tpu.memref_slice %arg11[%dma_start3A_74, %dma_start3A_76, %dma_start3A_77] : memref<2x32x64xf32, #tpu.memory_space<vmem>> -> memref<1x32x64xf32, #tpu.memory_space<vmem>>
    %dma_start3A_79 = tpu.memref_squeeze %dma_start3A_78 : memref<1x32x64xf32, #tpu.memory_space<vmem>> -> memref<32x64xf32, #tpu.memory_space<vmem>>
    %dma_start3A_80 = arith.constant 0 : i32
    %dma_start3A_81 = tpu.memref_slice %arg8[%dma_start3A_80] : memref<512xi32, #tpu.memory_space<vmem>> -> memref<32xi32, #tpu.memory_space<vmem>>
    %dma_start3A_82 = arith.constant 0 : i32
    %dma_start3A_83 = arith.constant 0 : i32
    %dma_start3A_84 = tpu.memref_slice %arg2[%dma_start3A_82, %dma_start3A_83] : memref<1000000x64xf32, #tpu.memory_space<hbm>> -> memref<1000000x64xf32, #tpu.memory_space<hbm>>
    %dma_start3A_85 = tpu.memref_slice %arg18[%dma_start3A_75] : memref<2x!tpu.dma_semaphore, #tpu.memory_space<semaphore_mem>> -> memref<1x!tpu.dma_semaphore, #tpu.memory_space<semaphore_mem>>
    %dma_start3A_86 = tpu.memref_squeeze %dma_start3A_85 : memref<1x!tpu.dma_semaphore, #tpu.memory_space<semaphore_mem>> -> memref<!tpu.dma_semaphore, #tpu.memory_space<semaphore_mem>>
    tpu.enqueue_indirect_dma source(%dma_start3A_84 : memref<1000000x64xf32, #tpu.memory_space<hbm>>) target(%dma_start3A_79 : memref<32x64xf32, #tpu.memory_space<vmem>>) offsets(%dma_start3A_81 : memref<32xi32, #tpu.memory_space<vmem>>) semaphore(%dma_start3A_86 : memref<!tpu.dma_semaphore, #tpu.memory_space<semaphore_mem>>)
    %broadcast_in_dim3A = arith.constant 0.000000e+00 : f32
    %broadcast_in_dim3A_87 = vector.broadcast %broadcast_in_dim3A : f32 to vector<16xf32>
    %scan3A_88 = arith.constant 9.99999993E-9 : f32
    %scan3A_89 = arith.constant 0 : i32
    %scan3A_90 = arith.constant 16 : i32
    %scan3A_91 = arith.addi %scan3A_89, %scan3A_90 : i32
    %scan3A_92 = arith.constant 1 : i32
    %scan3A_93 = scf.for %scan3A_98 = %scan3A_89 to %scan3A_91 step %scan3A_92 iter_args(%scan3A_99 = %broadcast_in_dim3A_87) -> (vector<16xf32>)  : i32 {
      %rem3A = arith.constant 2 : i32
      %rem3A_100 = arith.remsi %scan3A_98, %rem3A : i32
      %add3A_101 = arith.constant 1 : i32
      %add3A_102 = arith.addi %scan3A_98, %add3A_101 : i32
      %lt3A = arith.constant 16 : i32
      %lt3A_103 = arith.cmpi slt, %add3A_102, %lt3A : i32
      %convert_element_type3A_104 = arith.extui %lt3A_103 : i1 to i32
      %cond3A_105 = arith.constant 0 : i32
      %cond3A_106 = arith.cmpi ne, %convert_element_type3A_104, %cond3A_105 : i32
      scf.if %cond3A_106 {
        %add3A_881 = arith.constant 1 : i32
        %add3A_882 = arith.addi %scan3A_98, %add3A_881 : i32
        %sub3A = arith.constant 1 : i32
        %sub3A_883 = arith.subi %sub3A, %rem3A_100 : i32
        %mul3A_884 = arith.constant 640 : i32
        %mul3A_885 = arith.muli %add3A_882, %mul3A_884 : i32
        %add3A_886 = arith.constant 0 : i32
        %add3A_887 = arith.addi %mul3A_885, %add3A_886 : i32
        %dma_start3A_888 = arith.constant 0 : i32
        %dma_start3A_889 = arith.constant 0 : i32
        %dma_start3A_890 = tpu.memref_slice %arg10[%sub3A_883, %dma_start3A_888, %dma_start3A_889] : memref<2x640x64xf32, #tpu.memory_space<vmem>> -> memref<1x128x64xf32, #tpu.memory_space<vmem>>
        %dma_start3A_891 = tpu.memref_squeeze %dma_start3A_890 : memref<1x128x64xf32, #tpu.memory_space<vmem>> -> memref<128x64xf32, #tpu.memory_space<vmem>>
        %dma_start3A_892 = tpu.memref_slice %arg6[%add3A_887] : memref<10240xi32, #tpu.memory_space<vmem>> -> memref<128xi32, #tpu.memory_space<vmem>>
        %dma_start3A_893 = arith.constant 0 : i32
        %dma_start3A_894 = arith.constant 0 : i32
        %dma_start3A_895 = tpu.memref_slice %arg2[%dma_start3A_893, %dma_start3A_894] : memref<1000000x64xf32, #tpu.memory_space<hbm>> -> memref<1000000x64xf32, #tpu.memory_space<hbm>>
        %dma_start3A_896 = tpu.memref_slice %arg17[%sub3A_883] : memref<2x!tpu.dma_semaphore, #tpu.memory_space<semaphore_mem>> -> memref<1x!tpu.dma_semaphore, #tpu.memory_space<semaphore_mem>>
        %dma_start3A_897 = tpu.memref_squeeze %dma_start3A_896 : memref<1x!tpu.dma_semaphore, #tpu.memory_space<semaphore_mem>> -> memref<!tpu.dma_semaphore, #tpu.memory_space<semaphore_mem>>
        tpu.enqueue_indirect_dma source(%dma_start3A_895 : memref<1000000x64xf32, #tpu.memory_space<hbm>>) target(%dma_start3A_891 : memref<128x64xf32, #tpu.memory_space<vmem>>) offsets(%dma_start3A_892 : memref<128xi32, #tpu.memory_space<vmem>>) semaphore(%dma_start3A_897 : memref<!tpu.dma_semaphore, #tpu.memory_space<semaphore_mem>>)
        %mul3A_898 = arith.constant 640 : i32
        %mul3A_899 = arith.muli %add3A_882, %mul3A_898 : i32
        %add3A_900 = arith.constant 128 : i32
        %add3A_901 = arith.addi %mul3A_899, %add3A_900 : i32
        %dma_start3A_902 = arith.constant 128 : i32
        %dma_start3A_903 = arith.constant 0 : i32
        %dma_start3A_904 = tpu.memref_slice %arg10[%sub3A_883, %dma_start3A_902, %dma_start3A_903] : memref<2x640x64xf32, #tpu.memory_space<vmem>> -> memref<1x128x64xf32, #tpu.memory_space<vmem>>
        %dma_start3A_905 = tpu.memref_squeeze %dma_start3A_904 : memref<1x128x64xf32, #tpu.memory_space<vmem>> -> memref<128x64xf32, #tpu.memory_space<vmem>>
        %dma_start3A_906 = tpu.memref_slice %arg6[%add3A_901] : memref<10240xi32, #tpu.memory_space<vmem>> -> memref<128xi32, #tpu.memory_space<vmem>>
        %dma_start3A_907 = arith.constant 0 : i32
        %dma_start3A_908 = arith.constant 0 : i32
        %dma_start3A_909 = tpu.memref_slice %arg2[%dma_start3A_907, %dma_start3A_908] : memref<1000000x64xf32, #tpu.memory_space<hbm>> -> memref<1000000x64xf32, #tpu.memory_space<hbm>>
        %dma_start3A_910 = tpu.memref_slice %arg17[%sub3A_883] : memref<2x!tpu.dma_semaphore, #tpu.memory_space<semaphore_mem>> -> memref<1x!tpu.dma_semaphore, #tpu.memory_space<semaphore_mem>>
        %dma_start3A_911 = tpu.memref_squeeze %dma_start3A_910 : memref<1x!tpu.dma_semaphore, #tpu.memory_space<semaphore_mem>> -> memref<!tpu.dma_semaphore, #tpu.memory_space<semaphore_mem>>
        tpu.enqueue_indirect_dma source(%dma_start3A_909 : memref<1000000x64xf32, #tpu.memory_space<hbm>>) target(%dma_start3A_905 : memref<128x64xf32, #tpu.memory_space<vmem>>) offsets(%dma_start3A_906 : memref<128xi32, #tpu.memory_space<vmem>>) semaphore(%dma_start3A_911 : memref<!tpu.dma_semaphore, #tpu.memory_space<semaphore_mem>>)
        %mul3A_912 = arith.constant 640 : i32
        %mul3A_913 = arith.muli %add3A_882, %mul3A_912 : i32
        %add3A_914 = arith.constant 256 : i32
        %add3A_915 = arith.addi %mul3A_913, %add3A_914 : i32
        %dma_start3A_916 = arith.constant 256 : i32
        %dma_start3A_917 = arith.constant 0 : i32
        %dma_start3A_918 = tpu.memref_slice %arg10[%sub3A_883, %dma_start3A_916, %dma_start3A_917] : memref<2x640x64xf32, #tpu.memory_space<vmem>> -> memref<1x128x64xf32, #tpu.memory_space<vmem>>
        %dma_start3A_919 = tpu.memref_squeeze %dma_start3A_918 : memref<1x128x64xf32, #tpu.memory_space<vmem>> -> memref<128x64xf32, #tpu.memory_space<vmem>>
        %dma_start3A_920 = tpu.memref_slice %arg6[%add3A_915] : memref<10240xi32, #tpu.memory_space<vmem>> -> memref<128xi32, #tpu.memory_space<vmem>>
        %dma_start3A_921 = arith.constant 0 : i32
        %dma_start3A_922 = arith.constant 0 : i32
        %dma_start3A_923 = tpu.memref_slice %arg2[%dma_start3A_921, %dma_start3A_922] : memref<1000000x64xf32, #tpu.memory_space<hbm>> -> memref<1000000x64xf32, #tpu.memory_space<hbm>>
        %dma_start3A_924 = tpu.memref_slice %arg17[%sub3A_883] : memref<2x!tpu.dma_semaphore, #tpu.memory_space<semaphore_mem>> -> memref<1x!tpu.dma_semaphore, #tpu.memory_space<semaphore_mem>>
        %dma_start3A_925 = tpu.memref_squeeze %dma_start3A_924 : memref<1x!tpu.dma_semaphore, #tpu.memory_space<semaphore_mem>> -> memref<!tpu.dma_semaphore, #tpu.memory_space<semaphore_mem>>
        tpu.enqueue_indirect_dma source(%dma_start3A_923 : memref<1000000x64xf32, #tpu.memory_space<hbm>>) target(%dma_start3A_919 : memref<128x64xf32, #tpu.memory_space<vmem>>) offsets(%dma_start3A_920 : memref<128xi32, #tpu.memory_space<vmem>>) semaphore(%dma_start3A_925 : memref<!tpu.dma_semaphore, #tpu.memory_space<semaphore_mem>>)
        %mul3A_926 = arith.constant 640 : i32
        %mul3A_927 = arith.muli %add3A_882, %mul3A_926 : i32
        %add3A_928 = arith.constant 384 : i32
        %add3A_929 = arith.addi %mul3A_927, %add3A_928 : i32
        %dma_start3A_930 = arith.constant 384 : i32
        %dma_start3A_931 = arith.constant 0 : i32
        %dma_start3A_932 = tpu.memref_slice %arg10[%sub3A_883, %dma_start3A_930, %dma_start3A_931] : memref<2x640x64xf32, #tpu.memory_space<vmem>> -> memref<1x128x64xf32, #tpu.memory_space<vmem>>
        %dma_start3A_933 = tpu.memref_squeeze %dma_start3A_932 : memref<1x128x64xf32, #tpu.memory_space<vmem>> -> memref<128x64xf32, #tpu.memory_space<vmem>>
        %dma_start3A_934 = tpu.memref_slice %arg6[%add3A_929] : memref<10240xi32, #tpu.memory_space<vmem>> -> memref<128xi32, #tpu.memory_space<vmem>>
        %dma_start3A_935 = arith.constant 0 : i32
        %dma_start3A_936 = arith.constant 0 : i32
        %dma_start3A_937 = tpu.memref_slice %arg2[%dma_start3A_935, %dma_start3A_936] : memref<1000000x64xf32, #tpu.memory_space<hbm>> -> memref<1000000x64xf32, #tpu.memory_space<hbm>>
        %dma_start3A_938 = tpu.memref_slice %arg17[%sub3A_883] : memref<2x!tpu.dma_semaphore, #tpu.memory_space<semaphore_mem>> -> memref<1x!tpu.dma_semaphore, #tpu.memory_space<semaphore_mem>>
        %dma_start3A_939 = tpu.memref_squeeze %dma_start3A_938 : memref<1x!tpu.dma_semaphore, #tpu.memory_space<semaphore_mem>> -> memref<!tpu.dma_semaphore, #tpu.memory_space<semaphore_mem>>
        tpu.enqueue_indirect_dma source(%dma_start3A_937 : memref<1000000x64xf32, #tpu.memory_space<hbm>>) target(%dma_start3A_933 : memref<128x64xf32, #tpu.memory_space<vmem>>) offsets(%dma_start3A_934 : memref<128xi32, #tpu.memory_space<vmem>>) semaphore(%dma_start3A_939 : memref<!tpu.dma_semaphore, #tpu.memory_space<semaphore_mem>>)
        %mul3A_940 = arith.constant 640 : i32
        %mul3A_941 = arith.muli %add3A_882, %mul3A_940 : i32
        %add3A_942 = arith.constant 512 : i32
        %add3A_943 = arith.addi %mul3A_941, %add3A_942 : i32
        %dma_start3A_944 = arith.constant 512 : i32
        %dma_start3A_945 = arith.constant 0 : i32
        %dma_start3A_946 = tpu.memref_slice %arg10[%sub3A_883, %dma_start3A_944, %dma_start3A_945] : memref<2x640x64xf32, #tpu.memory_space<vmem>> -> memref<1x128x64xf32, #tpu.memory_space<vmem>>
        %dma_start3A_947 = tpu.memref_squeeze %dma_start3A_946 : memref<1x128x64xf32, #tpu.memory_space<vmem>> -> memref<128x64xf32, #tpu.memory_space<vmem>>
        %dma_start3A_948 = tpu.memref_slice %arg6[%add3A_943] : memref<10240xi32, #tpu.memory_space<vmem>> -> memref<128xi32, #tpu.memory_space<vmem>>
        %dma_start3A_949 = arith.constant 0 : i32
        %dma_start3A_950 = arith.constant 0 : i32
        %dma_start3A_951 = tpu.memref_slice %arg2[%dma_start3A_949, %dma_start3A_950] : memref<1000000x64xf32, #tpu.memory_space<hbm>> -> memref<1000000x64xf32, #tpu.memory_space<hbm>>
        %dma_start3A_952 = tpu.memref_slice %arg17[%sub3A_883] : memref<2x!tpu.dma_semaphore, #tpu.memory_space<semaphore_mem>> -> memref<1x!tpu.dma_semaphore, #tpu.memory_space<semaphore_mem>>
        %dma_start3A_953 = tpu.memref_squeeze %dma_start3A_952 : memref<1x!tpu.dma_semaphore, #tpu.memory_space<semaphore_mem>> -> memref<!tpu.dma_semaphore, #tpu.memory_space<semaphore_mem>>
        tpu.enqueue_indirect_dma source(%dma_start3A_951 : memref<1000000x64xf32, #tpu.memory_space<hbm>>) target(%dma_start3A_947 : memref<128x64xf32, #tpu.memory_space<vmem>>) offsets(%dma_start3A_948 : memref<128xi32, #tpu.memory_space<vmem>>) semaphore(%dma_start3A_953 : memref<!tpu.dma_semaphore, #tpu.memory_space<semaphore_mem>>)
        %mul3A_954 = arith.constant 32 : i32
        %mul3A_955 = arith.muli %add3A_882, %mul3A_954 : i32
        %dma_start3A_956 = arith.constant 0 : i32
        %dma_start3A_957 = arith.constant 0 : i32
        %dma_start3A_958 = tpu.memref_slice %arg11[%sub3A_883, %dma_start3A_956, %dma_start3A_957] : memref<2x32x64xf32, #tpu.memory_space<vmem>> -> memref<1x32x64xf32, #tpu.memory_space<vmem>>
        %dma_start3A_959 = tpu.memref_squeeze %dma_start3A_958 : memref<1x32x64xf32, #tpu.memory_space<vmem>> -> memref<32x64xf32, #tpu.memory_space<vmem>>
        %dma_start3A_960 = tpu.memref_slice %arg8[%mul3A_955] : memref<512xi32, #tpu.memory_space<vmem>> -> memref<32xi32, #tpu.memory_space<vmem>>
        %dma_start3A_961 = arith.constant 0 : i32
        %dma_start3A_962 = arith.constant 0 : i32
        %dma_start3A_963 = tpu.memref_slice %arg2[%dma_start3A_961, %dma_start3A_962] : memref<1000000x64xf32, #tpu.memory_space<hbm>> -> memref<1000000x64xf32, #tpu.memory_space<hbm>>
        %dma_start3A_964 = tpu.memref_slice %arg18[%sub3A_883] : memref<2x!tpu.dma_semaphore, #tpu.memory_space<semaphore_mem>> -> memref<1x!tpu.dma_semaphore, #tpu.memory_space<semaphore_mem>>
        %dma_start3A_965 = tpu.memref_squeeze %dma_start3A_964 : memref<1x!tpu.dma_semaphore, #tpu.memory_space<semaphore_mem>> -> memref<!tpu.dma_semaphore, #tpu.memory_space<semaphore_mem>>
        tpu.enqueue_indirect_dma source(%dma_start3A_963 : memref<1000000x64xf32, #tpu.memory_space<hbm>>) target(%dma_start3A_959 : memref<32x64xf32, #tpu.memory_space<vmem>>) offsets(%dma_start3A_960 : memref<32xi32, #tpu.memory_space<vmem>>) semaphore(%dma_start3A_965 : memref<!tpu.dma_semaphore, #tpu.memory_space<semaphore_mem>>)
      } else {
      }
      %mul3A_107 = arith.constant 640 : i32
      %mul3A_108 = arith.muli %scan3A_98, %mul3A_107 : i32
      %add3A_109 = arith.constant 0 : i32
      %add3A_110 = arith.addi %mul3A_108, %add3A_109 : i32
      %dma_wait3A = arith.constant 0 : i32
      %dma_wait3A_111 = arith.constant 0 : i32
      %dma_wait3A_112 = tpu.memref_slice %arg10[%rem3A_100, %dma_wait3A, %dma_wait3A_111] : memref<2x640x64xf32, #tpu.memory_space<vmem>> -> memref<1x128x64xf32, #tpu.memory_space<vmem>>
      %dma_wait3A_113 = tpu.memref_squeeze %dma_wait3A_112 : memref<1x128x64xf32, #tpu.memory_space<vmem>> -> memref<128x64xf32, #tpu.memory_space<vmem>>
      %dma_wait3A_114 = tpu.memref_slice %arg6[%add3A_110] : memref<10240xi32, #tpu.memory_space<vmem>> -> memref<128xi32, #tpu.memory_space<vmem>>
      %dma_wait3A_115 = arith.constant 0 : i32
      %dma_wait3A_116 = arith.constant 0 : i32
      %dma_wait3A_117 = tpu.memref_slice %arg2[%dma_wait3A_115, %dma_wait3A_116] : memref<1000000x64xf32, #tpu.memory_space<hbm>> -> memref<1000000x64xf32, #tpu.memory_space<hbm>>
      %dma_wait3A_118 = tpu.memref_slice %arg17[%rem3A_100] : memref<2x!tpu.dma_semaphore, #tpu.memory_space<semaphore_mem>> -> memref<1x!tpu.dma_semaphore, #tpu.memory_space<semaphore_mem>>
      %dma_wait3A_119 = tpu.memref_squeeze %dma_wait3A_118 : memref<1x!tpu.dma_semaphore, #tpu.memory_space<semaphore_mem>> -> memref<!tpu.dma_semaphore, #tpu.memory_space<semaphore_mem>>
      tpu.wait_indirect_dma semaphore(%dma_wait3A_119 : memref<!tpu.dma_semaphore, #tpu.memory_space<semaphore_mem>>) src(%dma_wait3A_117 : memref<1000000x64xf32, #tpu.memory_space<hbm>>) dst(%dma_wait3A_113 : memref<128x64xf32, #tpu.memory_space<vmem>>)
      %mul3A_120 = arith.constant 640 : i32
      %mul3A_121 = arith.muli %scan3A_98, %mul3A_120 : i32
      %add3A_122 = arith.constant 128 : i32
      %add3A_123 = arith.addi %mul3A_121, %add3A_122 : i32
      %dma_wait3A_124 = arith.constant 128 : i32
      %dma_wait3A_125 = arith.constant 0 : i32
      %dma_wait3A_126 = tpu.memref_slice %arg10[%rem3A_100, %dma_wait3A_124, %dma_wait3A_125] : memref<2x640x64xf32, #tpu.memory_space<vmem>> -> memref<1x128x64xf32, #tpu.memory_space<vmem>>
      %dma_wait3A_127 = tpu.memref_squeeze %dma_wait3A_126 : memref<1x128x64xf32, #tpu.memory_space<vmem>> -> memref<128x64xf32, #tpu.memory_space<vmem>>
      %dma_wait3A_128 = tpu.memref_slice %arg6[%add3A_123] : memref<10240xi32, #tpu.memory_space<vmem>> -> memref<128xi32, #tpu.memory_space<vmem>>
      %dma_wait3A_129 = arith.constant 0 : i32
      %dma_wait3A_130 = arith.constant 0 : i32
      %dma_wait3A_131 = tpu.memref_slice %arg2[%dma_wait3A_129, %dma_wait3A_130] : memref<1000000x64xf32, #tpu.memory_space<hbm>> -> memref<1000000x64xf32, #tpu.memory_space<hbm>>
      %dma_wait3A_132 = tpu.memref_slice %arg17[%rem3A_100] : memref<2x!tpu.dma_semaphore, #tpu.memory_space<semaphore_mem>> -> memref<1x!tpu.dma_semaphore, #tpu.memory_space<semaphore_mem>>
      %dma_wait3A_133 = tpu.memref_squeeze %dma_wait3A_132 : memref<1x!tpu.dma_semaphore, #tpu.memory_space<semaphore_mem>> -> memref<!tpu.dma_semaphore, #tpu.memory_space<semaphore_mem>>
      tpu.wait_indirect_dma semaphore(%dma_wait3A_133 : memref<!tpu.dma_semaphore, #tpu.memory_space<semaphore_mem>>) src(%dma_wait3A_131 : memref<1000000x64xf32, #tpu.memory_space<hbm>>) dst(%dma_wait3A_127 : memref<128x64xf32, #tpu.memory_space<vmem>>)
      %mul3A_134 = arith.constant 640 : i32
      %mul3A_135 = arith.muli %scan3A_98, %mul3A_134 : i32
      %add3A_136 = arith.constant 256 : i32
      %add3A_137 = arith.addi %mul3A_135, %add3A_136 : i32
      %dma_wait3A_138 = arith.constant 256 : i32
      %dma_wait3A_139 = arith.constant 0 : i32
      %dma_wait3A_140 = tpu.memref_slice %arg10[%rem3A_100, %dma_wait3A_138, %dma_wait3A_139] : memref<2x640x64xf32, #tpu.memory_space<vmem>> -> memref<1x128x64xf32, #tpu.memory_space<vmem>>
      %dma_wait3A_141 = tpu.memref_squeeze %dma_wait3A_140 : memref<1x128x64xf32, #tpu.memory_space<vmem>> -> memref<128x64xf32, #tpu.memory_space<vmem>>
      %dma_wait3A_142 = tpu.memref_slice %arg6[%add3A_137] : memref<10240xi32, #tpu.memory_space<vmem>> -> memref<128xi32, #tpu.memory_space<vmem>>
      %dma_wait3A_143 = arith.constant 0 : i32
      %dma_wait3A_144 = arith.constant 0 : i32
      %dma_wait3A_145 = tpu.memref_slice %arg2[%dma_wait3A_143, %dma_wait3A_144] : memref<1000000x64xf32, #tpu.memory_space<hbm>> -> memref<1000000x64xf32, #tpu.memory_space<hbm>>
      %dma_wait3A_146 = tpu.memref_slice %arg17[%rem3A_100] : memref<2x!tpu.dma_semaphore, #tpu.memory_space<semaphore_mem>> -> memref<1x!tpu.dma_semaphore, #tpu.memory_space<semaphore_mem>>
      %dma_wait3A_147 = tpu.memref_squeeze %dma_wait3A_146 : memref<1x!tpu.dma_semaphore, #tpu.memory_space<semaphore_mem>> -> memref<!tpu.dma_semaphore, #tpu.memory_space<semaphore_mem>>
      tpu.wait_indirect_dma semaphore(%dma_wait3A_147 : memref<!tpu.dma_semaphore, #tpu.memory_space<semaphore_mem>>) src(%dma_wait3A_145 : memref<1000000x64xf32, #tpu.memory_space<hbm>>) dst(%dma_wait3A_141 : memref<128x64xf32, #tpu.memory_space<vmem>>)
      %mul3A_148 = arith.constant 640 : i32
      %mul3A_149 = arith.muli %scan3A_98, %mul3A_148 : i32
      %add3A_150 = arith.constant 384 : i32
      %add3A_151 = arith.addi %mul3A_149, %add3A_150 : i32
      %dma_wait3A_152 = arith.constant 384 : i32
      %dma_wait3A_153 = arith.constant 0 : i32
      %dma_wait3A_154 = tpu.memref_slice %arg10[%rem3A_100, %dma_wait3A_152, %dma_wait3A_153] : memref<2x640x64xf32, #tpu.memory_space<vmem>> -> memref<1x128x64xf32, #tpu.memory_space<vmem>>
      %dma_wait3A_155 = tpu.memref_squeeze %dma_wait3A_154 : memref<1x128x64xf32, #tpu.memory_space<vmem>> -> memref<128x64xf32, #tpu.memory_space<vmem>>
      %dma_wait3A_156 = tpu.memref_slice %arg6[%add3A_151] : memref<10240xi32, #tpu.memory_space<vmem>> -> memref<128xi32, #tpu.memory_space<vmem>>
      %dma_wait3A_157 = arith.constant 0 : i32
      %dma_wait3A_158 = arith.constant 0 : i32
      %dma_wait3A_159 = tpu.memref_slice %arg2[%dma_wait3A_157, %dma_wait3A_158] : memref<1000000x64xf32, #tpu.memory_space<hbm>> -> memref<1000000x64xf32, #tpu.memory_space<hbm>>
      %dma_wait3A_160 = tpu.memref_slice %arg17[%rem3A_100] : memref<2x!tpu.dma_semaphore, #tpu.memory_space<semaphore_mem>> -> memref<1x!tpu.dma_semaphore, #tpu.memory_space<semaphore_mem>>
      %dma_wait3A_161 = tpu.memref_squeeze %dma_wait3A_160 : memref<1x!tpu.dma_semaphore, #tpu.memory_space<semaphore_mem>> -> memref<!tpu.dma_semaphore, #tpu.memory_space<semaphore_mem>>
      tpu.wait_indirect_dma semaphore(%dma_wait3A_161 : memref<!tpu.dma_semaphore, #tpu.memory_space<semaphore_mem>>) src(%dma_wait3A_159 : memref<1000000x64xf32, #tpu.memory_space<hbm>>) dst(%dma_wait3A_155 : memref<128x64xf32, #tpu.memory_space<vmem>>)
      %mul3A_162 = arith.constant 640 : i32
      %mul3A_163 = arith.muli %scan3A_98, %mul3A_162 : i32
      %add3A_164 = arith.constant 512 : i32
      %add3A_165 = arith.addi %mul3A_163, %add3A_164 : i32
      %dma_wait3A_166 = arith.constant 512 : i32
      %dma_wait3A_167 = arith.constant 0 : i32
      %dma_wait3A_168 = tpu.memref_slice %arg10[%rem3A_100, %dma_wait3A_166, %dma_wait3A_167] : memref<2x640x64xf32, #tpu.memory_space<vmem>> -> memref<1x128x64xf32, #tpu.memory_space<vmem>>
      %dma_wait3A_169 = tpu.memref_squeeze %dma_wait3A_168 : memref<1x128x64xf32, #tpu.memory_space<vmem>> -> memref<128x64xf32, #tpu.memory_space<vmem>>
      %dma_wait3A_170 = tpu.memref_slice %arg6[%add3A_165] : memref<10240xi32, #tpu.memory_space<vmem>> -> memref<128xi32, #tpu.memory_space<vmem>>
      %dma_wait3A_171 = arith.constant 0 : i32
      %dma_wait3A_172 = arith.constant 0 : i32
      %dma_wait3A_173 = tpu.memref_slice %arg2[%dma_wait3A_171, %dma_wait3A_172] : memref<1000000x64xf32, #tpu.memory_space<hbm>> -> memref<1000000x64xf32, #tpu.memory_space<hbm>>
      %dma_wait3A_174 = tpu.memref_slice %arg17[%rem3A_100] : memref<2x!tpu.dma_semaphore, #tpu.memory_space<semaphore_mem>> -> memref<1x!tpu.dma_semaphore, #tpu.memory_space<semaphore_mem>>
      %dma_wait3A_175 = tpu.memref_squeeze %dma_wait3A_174 : memref<1x!tpu.dma_semaphore, #tpu.memory_space<semaphore_mem>> -> memref<!tpu.dma_semaphore, #tpu.memory_space<semaphore_mem>>
      tpu.wait_indirect_dma semaphore(%dma_wait3A_175 : memref<!tpu.dma_semaphore, #tpu.memory_space<semaphore_mem>>) src(%dma_wait3A_173 : memref<1000000x64xf32, #tpu.memory_space<hbm>>) dst(%dma_wait3A_169 : memref<128x64xf32, #tpu.memory_space<vmem>>)
      %mul3A_176 = arith.constant 32 : i32
      %mul3A_177 = arith.muli %scan3A_98, %mul3A_176 : i32
      %dma_wait3A_178 = arith.constant 0 : i32
      %dma_wait3A_179 = arith.constant 0 : i32
      %dma_wait3A_180 = tpu.memref_slice %arg11[%rem3A_100, %dma_wait3A_178, %dma_wait3A_179] : memref<2x32x64xf32, #tpu.memory_space<vmem>> -> memref<1x32x64xf32, #tpu.memory_space<vmem>>
      %dma_wait3A_181 = tpu.memref_squeeze %dma_wait3A_180 : memref<1x32x64xf32, #tpu.memory_space<vmem>> -> memref<32x64xf32, #tpu.memory_space<vmem>>
      %dma_wait3A_182 = tpu.memref_slice %arg8[%mul3A_177] : memref<512xi32, #tpu.memory_space<vmem>> -> memref<32xi32, #tpu.memory_space<vmem>>
      %dma_wait3A_183 = arith.constant 0 : i32
      %dma_wait3A_184 = arith.constant 0 : i32
      %dma_wait3A_185 = tpu.memref_slice %arg2[%dma_wait3A_183, %dma_wait3A_184] : memref<1000000x64xf32, #tpu.memory_space<hbm>> -> memref<1000000x64xf32, #tpu.memory_space<hbm>>
      %dma_wait3A_186 = tpu.memref_slice %arg18[%rem3A_100] : memref<2x!tpu.dma_semaphore, #tpu.memory_space<semaphore_mem>> -> memref<1x!tpu.dma_semaphore, #tpu.memory_space<semaphore_mem>>
      %dma_wait3A_187 = tpu.memref_squeeze %dma_wait3A_186 : memref<1x!tpu.dma_semaphore, #tpu.memory_space<semaphore_mem>> -> memref<!tpu.dma_semaphore, #tpu.memory_space<semaphore_mem>>
      tpu.wait_indirect_dma semaphore(%dma_wait3A_187 : memref<!tpu.dma_semaphore, #tpu.memory_space<semaphore_mem>>) src(%dma_wait3A_185 : memref<1000000x64xf32, #tpu.memory_space<hbm>>) dst(%dma_wait3A_181 : memref<32x64xf32, #tpu.memory_space<vmem>>)
      %broadcast_in_dim3A_188 = arith.constant 0 : i32
      %broadcast_in_dim3A_189 = vector.broadcast %broadcast_in_dim3A_188 : i32 to vector<16xi32>
      %mul3A_190 = arith.constant 32 : i32
      %mul3A_191 = arith.muli %scan3A_98, %mul3A_190 : i32
      %add3A_192 = arith.constant 0 : i32
      %add3A_193 = arith.addi %mul3A_191, %add3A_192 : i32
      %get3A = arith.constant 0 : i32
      %get3A_194 = arith.index_cast %get3A : i32 to index
      %get3A_195 = arith.index_cast %add3A_193 : i32 to index
      %get3A_196 = tpu.vector_load %arg7[%get3A_194, %get3A_195] {strides = array<i32>} : memref<20x512xi32, #tpu.memory_space<vmem>>, vector<16xi32>,
      %eq3A_197 = arith.constant 0 : i32
      %eq3A_198 = vector.broadcast %eq3A_197 : i32 to vector<16xi32>
      %eq3A_199 = arith.cmpi eq, %get3A_196, %eq3A_198 : vector<16xi32>
      %jit3A = arith.constant 1 : i32
      %jit3A_200 = arith.constant 0 : i32
      %broadcast_in_dim3A_201 = vector.broadcast %jit3A : i32 to vector<16xi32>
      %broadcast_in_dim3A_202 = vector.broadcast %jit3A_200 : i32 to vector<16xi32>
      %select_n3A = arith.select %eq3A_199, %broadcast_in_dim3A_201, %broadcast_in_dim3A_202 : vector<16xi1>, vector<16xi32>
      %add3A_203 = arith.addi %broadcast_in_dim3A_189, %select_n3A : vector<16xi32>
      %mul3A_204 = arith.constant 32 : i32
      %mul3A_205 = arith.muli %scan3A_98, %mul3A_204 : i32
      %add3A_206 = arith.constant 0 : i32
      %add3A_207 = arith.addi %mul3A_205, %add3A_206 : i32
      %get3A_208 = arith.constant 1 : i32
      %get3A_209 = arith.index_cast %get3A_208 : i32 to index
      %get3A_210 = arith.index_cast %add3A_207 : i32 to index
      %get3A_211 = tpu.vector_load %arg7[%get3A_209, %get3A_210] {strides = array<i32>} : memref<20x512xi32, #tpu.memory_space<vmem>>, vector<16xi32>,
      %eq3A_212 = arith.constant 0 : i32
      %eq3A_213 = vector.broadcast %eq3A_212 : i32 to vector<16xi32>
      %eq3A_214 = arith.cmpi eq, %get3A_211, %eq3A_213 : vector<16xi32>
      %jit3A_215 = arith.constant 1 : i32
      %jit3A_216 = arith.constant 0 : i32
      %broadcast_in_dim3A_217 = vector.broadcast %jit3A_215 : i32 to vector<16xi32>
      %broadcast_in_dim3A_218 = vector.broadcast %jit3A_216 : i32 to vector<16xi32>
      %select_n3A_219 = arith.select %eq3A_214, %broadcast_in_dim3A_217, %broadcast_in_dim3A_218 : vector<16xi1>, vector<16xi32>
      %add3A_220 = arith.addi %add3A_203, %select_n3A_219 : vector<16xi32>
      %mul3A_221 = arith.constant 32 : i32
      %mul3A_222 = arith.muli %scan3A_98, %mul3A_221 : i32
      %add3A_223 = arith.constant 0 : i32
      %add3A_224 = arith.addi %mul3A_222, %add3A_223 : i32
      %get3A_225 = arith.constant 2 : i32
      %get3A_226 = arith.index_cast %get3A_225 : i32 to index
      %get3A_227 = arith.index_cast %add3A_224 : i32 to index
      %get3A_228 = tpu.vector_load %arg7[%get3A_226, %get3A_227] {strides = array<i32>} : memref<20x512xi32, #tpu.memory_space<vmem>>, vector<16xi32>,
      %eq3A_229 = arith.constant 0 : i32
      %eq3A_230 = vector.broadcast %eq3A_229 : i32 to vector<16xi32>
      %eq3A_231 = arith.cmpi eq, %get3A_228, %eq3A_230 : vector<16xi32>
      %jit3A_232 = arith.constant 1 : i32
      %jit3A_233 = arith.constant 0 : i32
      %broadcast_in_dim3A_234 = vector.broadcast %jit3A_232 : i32 to vector<16xi32>
      %broadcast_in_dim3A_235 = vector.broadcast %jit3A_233 : i32 to vector<16xi32>
      %select_n3A_236 = arith.select %eq3A_231, %broadcast_in_dim3A_234, %broadcast_in_dim3A_235 : vector<16xi1>, vector<16xi32>
      %add3A_237 = arith.addi %add3A_220, %select_n3A_236 : vector<16xi32>
      %mul3A_238 = arith.constant 32 : i32
      %mul3A_239 = arith.muli %scan3A_98, %mul3A_238 : i32
      %add3A_240 = arith.constant 0 : i32
      %add3A_241 = arith.addi %mul3A_239, %add3A_240 : i32
      %get3A_242 = arith.constant 3 : i32
      %get3A_243 = arith.index_cast %get3A_242 : i32 to index
      %get3A_244 = arith.index_cast %add3A_241 : i32 to index
      %get3A_245 = tpu.vector_load %arg7[%get3A_243, %get3A_244] {strides = array<i32>} : memref<20x512xi32, #tpu.memory_space<vmem>>, vector<16xi32>,
      %eq3A_246 = arith.constant 0 : i32
      %eq3A_247 = vector.broadcast %eq3A_246 : i32 to vector<16xi32>
      %eq3A_248 = arith.cmpi eq, %get3A_245, %eq3A_247 : vector<16xi32>
      %jit3A_249 = arith.constant 1 : i32
      %jit3A_250 = arith.constant 0 : i32
      %broadcast_in_dim3A_251 = vector.broadcast %jit3A_249 : i32 to vector<16xi32>
      %broadcast_in_dim3A_252 = vector.broadcast %jit3A_250 : i32 to vector<16xi32>
      %select_n3A_253 = arith.select %eq3A_248, %broadcast_in_dim3A_251, %broadcast_in_dim3A_252 : vector<16xi1>, vector<16xi32>
      %add3A_254 = arith.addi %add3A_237, %select_n3A_253 : vector<16xi32>
      %mul3A_255 = arith.constant 32 : i32
      %mul3A_256 = arith.muli %scan3A_98, %mul3A_255 : i32
      %add3A_257 = arith.constant 0 : i32
      %add3A_258 = arith.addi %mul3A_256, %add3A_257 : i32
      %get3A_259 = arith.constant 4 : i32
      %get3A_260 = arith.index_cast %get3A_259 : i32 to index
      %get3A_261 = arith.index_cast %add3A_258 : i32 to index
      %get3A_262 = tpu.vector_load %arg7[%get3A_260, %get3A_261] {strides = array<i32>} : memref<20x512xi32, #tpu.memory_space<vmem>>, vector<16xi32>,
      %eq3A_263 = arith.constant 0 : i32
      %eq3A_264 = vector.broadcast %eq3A_263 : i32 to vector<16xi32>
      %eq3A_265 = arith.cmpi eq, %get3A_262, %eq3A_264 : vector<16xi32>
      %jit3A_266 = arith.constant 1 : i32
      %jit3A_267 = arith.constant 0 : i32
      %broadcast_in_dim3A_268 = vector.broadcast %jit3A_266 : i32 to vector<16xi32>
      %broadcast_in_dim3A_269 = vector.broadcast %jit3A_267 : i32 to vector<16xi32>
      %select_n3A_270 = arith.select %eq3A_265, %broadcast_in_dim3A_268, %broadcast_in_dim3A_269 : vector<16xi1>, vector<16xi32>
      %add3A_271 = arith.addi %add3A_254, %select_n3A_270 : vector<16xi32>
      %mul3A_272 = arith.constant 32 : i32
      %mul3A_273 = arith.muli %scan3A_98, %mul3A_272 : i32
      %add3A_274 = arith.constant 0 : i32
      %add3A_275 = arith.addi %mul3A_273, %add3A_274 : i32
      %get3A_276 = arith.constant 5 : i32
      %get3A_277 = arith.index_cast %get3A_276 : i32 to index
      %get3A_278 = arith.index_cast %add3A_275 : i32 to index
      %get3A_279 = tpu.vector_load %arg7[%get3A_277, %get3A_278] {strides = array<i32>} : memref<20x512xi32, #tpu.memory_space<vmem>>, vector<16xi32>,
      %eq3A_280 = arith.constant 0 : i32
      %eq3A_281 = vector.broadcast %eq3A_280 : i32 to vector<16xi32>
      %eq3A_282 = arith.cmpi eq, %get3A_279, %eq3A_281 : vector<16xi32>
      %jit3A_283 = arith.constant 1 : i32
      %jit3A_284 = arith.constant 0 : i32
      %broadcast_in_dim3A_285 = vector.broadcast %jit3A_283 : i32 to vector<16xi32>
      %broadcast_in_dim3A_286 = vector.broadcast %jit3A_284 : i32 to vector<16xi32>
      %select_n3A_287 = arith.select %eq3A_282, %broadcast_in_dim3A_285, %broadcast_in_dim3A_286 : vector<16xi1>, vector<16xi32>
      %add3A_288 = arith.addi %add3A_271, %select_n3A_287 : vector<16xi32>
      %mul3A_289 = arith.constant 32 : i32
      %mul3A_290 = arith.muli %scan3A_98, %mul3A_289 : i32
      %add3A_291 = arith.constant 0 : i32
      %add3A_292 = arith.addi %mul3A_290, %add3A_291 : i32
      %get3A_293 = arith.constant 6 : i32
      %get3A_294 = arith.index_cast %get3A_293 : i32 to index
      %get3A_295 = arith.index_cast %add3A_292 : i32 to index
      %get3A_296 = tpu.vector_load %arg7[%get3A_294, %get3A_295] {strides = array<i32>} : memref<20x512xi32, #tpu.memory_space<vmem>>, vector<16xi32>,
      %eq3A_297 = arith.constant 0 : i32
      %eq3A_298 = vector.broadcast %eq3A_297 : i32 to vector<16xi32>
      %eq3A_299 = arith.cmpi eq, %get3A_296, %eq3A_298 : vector<16xi32>
      %jit3A_300 = arith.constant 1 : i32
      %jit3A_301 = arith.constant 0 : i32
      %broadcast_in_dim3A_302 = vector.broadcast %jit3A_300 : i32 to vector<16xi32>
      %broadcast_in_dim3A_303 = vector.broadcast %jit3A_301 : i32 to vector<16xi32>
      %select_n3A_304 = arith.select %eq3A_299, %broadcast_in_dim3A_302, %broadcast_in_dim3A_303 : vector<16xi1>, vector<16xi32>
      %add3A_305 = arith.addi %add3A_288, %select_n3A_304 : vector<16xi32>
      %mul3A_306 = arith.constant 32 : i32
      %mul3A_307 = arith.muli %scan3A_98, %mul3A_306 : i32
      %add3A_308 = arith.constant 0 : i32
      %add3A_309 = arith.addi %mul3A_307, %add3A_308 : i32
      %get3A_310 = arith.constant 7 : i32
      %get3A_311 = arith.index_cast %get3A_310 : i32 to index
      %get3A_312 = arith.index_cast %add3A_309 : i32 to index
      %get3A_313 = tpu.vector_load %arg7[%get3A_311, %get3A_312] {strides = array<i32>} : memref<20x512xi32, #tpu.memory_space<vmem>>, vector<16xi32>,
      %eq3A_314 = arith.constant 0 : i32
      %eq3A_315 = vector.broadcast %eq3A_314 : i32 to vector<16xi32>
      %eq3A_316 = arith.cmpi eq, %get3A_313, %eq3A_315 : vector<16xi32>
      %jit3A_317 = arith.constant 1 : i32
      %jit3A_318 = arith.constant 0 : i32
      %broadcast_in_dim3A_319 = vector.broadcast %jit3A_317 : i32 to vector<16xi32>
      %broadcast_in_dim3A_320 = vector.broadcast %jit3A_318 : i32 to vector<16xi32>
      %select_n3A_321 = arith.select %eq3A_316, %broadcast_in_dim3A_319, %broadcast_in_dim3A_320 : vector<16xi1>, vector<16xi32>
      %add3A_322 = arith.addi %add3A_305, %select_n3A_321 : vector<16xi32>
      %mul3A_323 = arith.constant 32 : i32
      %mul3A_324 = arith.muli %scan3A_98, %mul3A_323 : i32
      %add3A_325 = arith.constant 0 : i32
      %add3A_326 = arith.addi %mul3A_324, %add3A_325 : i32
      %get3A_327 = arith.constant 8 : i32
      %get3A_328 = arith.index_cast %get3A_327 : i32 to index
      %get3A_329 = arith.index_cast %add3A_326 : i32 to index
      %get3A_330 = tpu.vector_load %arg7[%get3A_328, %get3A_329] {strides = array<i32>} : memref<20x512xi32, #tpu.memory_space<vmem>>, vector<16xi32>,
      %eq3A_331 = arith.constant 0 : i32
      %eq3A_332 = vector.broadcast %eq3A_331 : i32 to vector<16xi32>
      %eq3A_333 = arith.cmpi eq, %get3A_330, %eq3A_332 : vector<16xi32>
      %jit3A_334 = arith.constant 1 : i32
      %jit3A_335 = arith.constant 0 : i32
      %broadcast_in_dim3A_336 = vector.broadcast %jit3A_334 : i32 to vector<16xi32>
      %broadcast_in_dim3A_337 = vector.broadcast %jit3A_335 : i32 to vector<16xi32>
      %select_n3A_338 = arith.select %eq3A_333, %broadcast_in_dim3A_336, %broadcast_in_dim3A_337 : vector<16xi1>, vector<16xi32>
      %add3A_339 = arith.addi %add3A_322, %select_n3A_338 : vector<16xi32>
      %mul3A_340 = arith.constant 32 : i32
      %mul3A_341 = arith.muli %scan3A_98, %mul3A_340 : i32
      %add3A_342 = arith.constant 0 : i32
      %add3A_343 = arith.addi %mul3A_341, %add3A_342 : i32
      %get3A_344 = arith.constant 9 : i32
      %get3A_345 = arith.index_cast %get3A_344 : i32 to index
      %get3A_346 = arith.index_cast %add3A_343 : i32 to index
      %get3A_347 = tpu.vector_load %arg7[%get3A_345, %get3A_346] {strides = array<i32>} : memref<20x512xi32, #tpu.memory_space<vmem>>, vector<16xi32>,
      %eq3A_348 = arith.constant 0 : i32
      %eq3A_349 = vector.broadcast %eq3A_348 : i32 to vector<16xi32>
      %eq3A_350 = arith.cmpi eq, %get3A_347, %eq3A_349 : vector<16xi32>
      %jit3A_351 = arith.constant 1 : i32
      %jit3A_352 = arith.constant 0 : i32
      %broadcast_in_dim3A_353 = vector.broadcast %jit3A_351 : i32 to vector<16xi32>
      %broadcast_in_dim3A_354 = vector.broadcast %jit3A_352 : i32 to vector<16xi32>
      %select_n3A_355 = arith.select %eq3A_350, %broadcast_in_dim3A_353, %broadcast_in_dim3A_354 : vector<16xi1>, vector<16xi32>
      %add3A_356 = arith.addi %add3A_339, %select_n3A_355 : vector<16xi32>
      %mul3A_357 = arith.constant 32 : i32
      %mul3A_358 = arith.muli %scan3A_98, %mul3A_357 : i32
      %add3A_359 = arith.constant 0 : i32
      %add3A_360 = arith.addi %mul3A_358, %add3A_359 : i32
      %get3A_361 = arith.constant 10 : i32
      %get3A_362 = arith.index_cast %get3A_361 : i32 to index
      %get3A_363 = arith.index_cast %add3A_360 : i32 to index
      %get3A_364 = tpu.vector_load %arg7[%get3A_362, %get3A_363] {strides = array<i32>} : memref<20x512xi32, #tpu.memory_space<vmem>>, vector<16xi32>,
      %eq3A_365 = arith.constant 0 : i32
      %eq3A_366 = vector.broadcast %eq3A_365 : i32 to vector<16xi32>
      %eq3A_367 = arith.cmpi eq, %get3A_364, %eq3A_366 : vector<16xi32>
      %jit3A_368 = arith.constant 1 : i32
      %jit3A_369 = arith.constant 0 : i32
      %broadcast_in_dim3A_370 = vector.broadcast %jit3A_368 : i32 to vector<16xi32>
      %broadcast_in_dim3A_371 = vector.broadcast %jit3A_369 : i32 to vector<16xi32>
      %select_n3A_372 = arith.select %eq3A_367, %broadcast_in_dim3A_370, %broadcast_in_dim3A_371 : vector<16xi1>, vector<16xi32>
      %add3A_373 = arith.addi %add3A_356, %select_n3A_372 : vector<16xi32>
      %mul3A_374 = arith.constant 32 : i32
      %mul3A_375 = arith.muli %scan3A_98, %mul3A_374 : i32
      %add3A_376 = arith.constant 0 : i32
      %add3A_377 = arith.addi %mul3A_375, %add3A_376 : i32
      %get3A_378 = arith.constant 11 : i32
      %get3A_379 = arith.index_cast %get3A_378 : i32 to index
      %get3A_380 = arith.index_cast %add3A_377 : i32 to index
      %get3A_381 = tpu.vector_load %arg7[%get3A_379, %get3A_380] {strides = array<i32>} : memref<20x512xi32, #tpu.memory_space<vmem>>, vector<16xi32>,
      %eq3A_382 = arith.constant 0 : i32
      %eq3A_383 = vector.broadcast %eq3A_382 : i32 to vector<16xi32>
      %eq3A_384 = arith.cmpi eq, %get3A_381, %eq3A_383 : vector<16xi32>
      %jit3A_385 = arith.constant 1 : i32
      %jit3A_386 = arith.constant 0 : i32
      %broadcast_in_dim3A_387 = vector.broadcast %jit3A_385 : i32 to vector<16xi32>
      %broadcast_in_dim3A_388 = vector.broadcast %jit3A_386 : i32 to vector<16xi32>
      %select_n3A_389 = arith.select %eq3A_384, %broadcast_in_dim3A_387, %broadcast_in_dim3A_388 : vector<16xi1>, vector<16xi32>
      %add3A_390 = arith.addi %add3A_373, %select_n3A_389 : vector<16xi32>
      %mul3A_391 = arith.constant 32 : i32
      %mul3A_392 = arith.muli %scan3A_98, %mul3A_391 : i32
      %add3A_393 = arith.constant 0 : i32
      %add3A_394 = arith.addi %mul3A_392, %add3A_393 : i32
      %get3A_395 = arith.constant 12 : i32
      %get3A_396 = arith.index_cast %get3A_395 : i32 to index
      %get3A_397 = arith.index_cast %add3A_394 : i32 to index
      %get3A_398 = tpu.vector_load %arg7[%get3A_396, %get3A_397] {strides = array<i32>} : memref<20x512xi32, #tpu.memory_space<vmem>>, vector<16xi32>,
      %eq3A_399 = arith.constant 0 : i32
      %eq3A_400 = vector.broadcast %eq3A_399 : i32 to vector<16xi32>
      %eq3A_401 = arith.cmpi eq, %get3A_398, %eq3A_400 : vector<16xi32>
      %jit3A_402 = arith.constant 1 : i32
      %jit3A_403 = arith.constant 0 : i32
      %broadcast_in_dim3A_404 = vector.broadcast %jit3A_402 : i32 to vector<16xi32>
      %broadcast_in_dim3A_405 = vector.broadcast %jit3A_403 : i32 to vector<16xi32>
      %select_n3A_406 = arith.select %eq3A_401, %broadcast_in_dim3A_404, %broadcast_in_dim3A_405 : vector<16xi1>, vector<16xi32>
      %add3A_407 = arith.addi %add3A_390, %select_n3A_406 : vector<16xi32>
      %mul3A_408 = arith.constant 32 : i32
      %mul3A_409 = arith.muli %scan3A_98, %mul3A_408 : i32
      %add3A_410 = arith.constant 0 : i32
      %add3A_411 = arith.addi %mul3A_409, %add3A_410 : i32
      %get3A_412 = arith.constant 13 : i32
      %get3A_413 = arith.index_cast %get3A_412 : i32 to index
      %get3A_414 = arith.index_cast %add3A_411 : i32 to index
      %get3A_415 = tpu.vector_load %arg7[%get3A_413, %get3A_414] {strides = array<i32>} : memref<20x512xi32, #tpu.memory_space<vmem>>, vector<16xi32>,
      %eq3A_416 = arith.constant 0 : i32
      %eq3A_417 = vector.broadcast %eq3A_416 : i32 to vector<16xi32>
      %eq3A_418 = arith.cmpi eq, %get3A_415, %eq3A_417 : vector<16xi32>
      %jit3A_419 = arith.constant 1 : i32
      %jit3A_420 = arith.constant 0 : i32
      %broadcast_in_dim3A_421 = vector.broadcast %jit3A_419 : i32 to vector<16xi32>
      %broadcast_in_dim3A_422 = vector.broadcast %jit3A_420 : i32 to vector<16xi32>
      %select_n3A_423 = arith.select %eq3A_418, %broadcast_in_dim3A_421, %broadcast_in_dim3A_422 : vector<16xi1>, vector<16xi32>
      %add3A_424 = arith.addi %add3A_407, %select_n3A_423 : vector<16xi32>
      %mul3A_425 = arith.constant 32 : i32
      %mul3A_426 = arith.muli %scan3A_98, %mul3A_425 : i32
      %add3A_427 = arith.constant 0 : i32
      %add3A_428 = arith.addi %mul3A_426, %add3A_427 : i32
      %get3A_429 = arith.constant 14 : i32
      %get3A_430 = arith.index_cast %get3A_429 : i32 to index
      %get3A_431 = arith.index_cast %add3A_428 : i32 to index
      %get3A_432 = tpu.vector_load %arg7[%get3A_430, %get3A_431] {strides = array<i32>} : memref<20x512xi32, #tpu.memory_space<vmem>>, vector<16xi32>,
      %eq3A_433 = arith.constant 0 : i32
      %eq3A_434 = vector.broadcast %eq3A_433 : i32 to vector<16xi32>
      %eq3A_435 = arith.cmpi eq, %get3A_432, %eq3A_434 : vector<16xi32>
      %jit3A_436 = arith.constant 1 : i32
      %jit3A_437 = arith.constant 0 : i32
      %broadcast_in_dim3A_438 = vector.broadcast %jit3A_436 : i32 to vector<16xi32>
      %broadcast_in_dim3A_439 = vector.broadcast %jit3A_437 : i32 to vector<16xi32>
      %select_n3A_440 = arith.select %eq3A_435, %broadcast_in_dim3A_438, %broadcast_in_dim3A_439 : vector<16xi1>, vector<16xi32>
      %add3A_441 = arith.addi %add3A_424, %select_n3A_440 : vector<16xi32>
      %mul3A_442 = arith.constant 32 : i32
      %mul3A_443 = arith.muli %scan3A_98, %mul3A_442 : i32
      %add3A_444 = arith.constant 0 : i32
      %add3A_445 = arith.addi %mul3A_443, %add3A_444 : i32
      %get3A_446 = arith.constant 15 : i32
      %get3A_447 = arith.index_cast %get3A_446 : i32 to index
      %get3A_448 = arith.index_cast %add3A_445 : i32 to index
      %get3A_449 = tpu.vector_load %arg7[%get3A_447, %get3A_448] {strides = array<i32>} : memref<20x512xi32, #tpu.memory_space<vmem>>, vector<16xi32>,
      %eq3A_450 = arith.constant 0 : i32
      %eq3A_451 = vector.broadcast %eq3A_450 : i32 to vector<16xi32>
      %eq3A_452 = arith.cmpi eq, %get3A_449, %eq3A_451 : vector<16xi32>
      %jit3A_453 = arith.constant 1 : i32
      %jit3A_454 = arith.constant 0 : i32
      %broadcast_in_dim3A_455 = vector.broadcast %jit3A_453 : i32 to vector<16xi32>
      %broadcast_in_dim3A_456 = vector.broadcast %jit3A_454 : i32 to vector<16xi32>
      %select_n3A_457 = arith.select %eq3A_452, %broadcast_in_dim3A_455, %broadcast_in_dim3A_456 : vector<16xi1>, vector<16xi32>
      %add3A_458 = arith.addi %add3A_441, %select_n3A_457 : vector<16xi32>
      %mul3A_459 = arith.constant 32 : i32
      %mul3A_460 = arith.muli %scan3A_98, %mul3A_459 : i32
      %add3A_461 = arith.constant 0 : i32
      %add3A_462 = arith.addi %mul3A_460, %add3A_461 : i32
      %get3A_463 = arith.constant 16 : i32
      %get3A_464 = arith.index_cast %get3A_463 : i32 to index
      %get3A_465 = arith.index_cast %add3A_462 : i32 to index
      %get3A_466 = tpu.vector_load %arg7[%get3A_464, %get3A_465] {strides = array<i32>} : memref<20x512xi32, #tpu.memory_space<vmem>>, vector<16xi32>,
      %eq3A_467 = arith.constant 0 : i32
      %eq3A_468 = vector.broadcast %eq3A_467 : i32 to vector<16xi32>
      %eq3A_469 = arith.cmpi eq, %get3A_466, %eq3A_468 : vector<16xi32>
      %jit3A_470 = arith.constant 1 : i32
      %jit3A_471 = arith.constant 0 : i32
      %broadcast_in_dim3A_472 = vector.broadcast %jit3A_470 : i32 to vector<16xi32>
      %broadcast_in_dim3A_473 = vector.broadcast %jit3A_471 : i32 to vector<16xi32>
      %select_n3A_474 = arith.select %eq3A_469, %broadcast_in_dim3A_472, %broadcast_in_dim3A_473 : vector<16xi1>, vector<16xi32>
      %add3A_475 = arith.addi %add3A_458, %select_n3A_474 : vector<16xi32>
      %mul3A_476 = arith.constant 32 : i32
      %mul3A_477 = arith.muli %scan3A_98, %mul3A_476 : i32
      %add3A_478 = arith.constant 0 : i32
      %add3A_479 = arith.addi %mul3A_477, %add3A_478 : i32
      %get3A_480 = arith.constant 17 : i32
      %get3A_481 = arith.index_cast %get3A_480 : i32 to index
      %get3A_482 = arith.index_cast %add3A_479 : i32 to index
      %get3A_483 = tpu.vector_load %arg7[%get3A_481, %get3A_482] {strides = array<i32>} : memref<20x512xi32, #tpu.memory_space<vmem>>, vector<16xi32>,
      %eq3A_484 = arith.constant 0 : i32
      %eq3A_485 = vector.broadcast %eq3A_484 : i32 to vector<16xi32>
      %eq3A_486 = arith.cmpi eq, %get3A_483, %eq3A_485 : vector<16xi32>
      %jit3A_487 = arith.constant 1 : i32
      %jit3A_488 = arith.constant 0 : i32
      %broadcast_in_dim3A_489 = vector.broadcast %jit3A_487 : i32 to vector<16xi32>
      %broadcast_in_dim3A_490 = vector.broadcast %jit3A_488 : i32 to vector<16xi32>
      %select_n3A_491 = arith.select %eq3A_486, %broadcast_in_dim3A_489, %broadcast_in_dim3A_490 : vector<16xi1>, vector<16xi32>
      %add3A_492 = arith.addi %add3A_475, %select_n3A_491 : vector<16xi32>
      %mul3A_493 = arith.constant 32 : i32
      %mul3A_494 = arith.muli %scan3A_98, %mul3A_493 : i32
      %add3A_495 = arith.constant 0 : i32
      %add3A_496 = arith.addi %mul3A_494, %add3A_495 : i32
      %get3A_497 = arith.constant 18 : i32
      %get3A_498 = arith.index_cast %get3A_497 : i32 to index
      %get3A_499 = arith.index_cast %add3A_496 : i32 to index
      %get3A_500 = tpu.vector_load %arg7[%get3A_498, %get3A_499] {strides = array<i32>} : memref<20x512xi32, #tpu.memory_space<vmem>>, vector<16xi32>,
      %eq3A_501 = arith.constant 0 : i32
      %eq3A_502 = vector.broadcast %eq3A_501 : i32 to vector<16xi32>
      %eq3A_503 = arith.cmpi eq, %get3A_500, %eq3A_502 : vector<16xi32>
      %jit3A_504 = arith.constant 1 : i32
      %jit3A_505 = arith.constant 0 : i32
      %broadcast_in_dim3A_506 = vector.broadcast %jit3A_504 : i32 to vector<16xi32>
      %broadcast_in_dim3A_507 = vector.broadcast %jit3A_505 : i32 to vector<16xi32>
      %select_n3A_508 = arith.select %eq3A_503, %broadcast_in_dim3A_506, %broadcast_in_dim3A_507 : vector<16xi1>, vector<16xi32>
      %add3A_509 = arith.addi %add3A_492, %select_n3A_508 : vector<16xi32>
      %mul3A_510 = arith.constant 32 : i32
      %mul3A_511 = arith.muli %scan3A_98, %mul3A_510 : i32
      %add3A_512 = arith.constant 0 : i32
      %add3A_513 = arith.addi %mul3A_511, %add3A_512 : i32
      %get3A_514 = arith.constant 19 : i32
      %get3A_515 = arith.index_cast %get3A_514 : i32 to index
      %get3A_516 = arith.index_cast %add3A_513 : i32 to index
      %get3A_517 = tpu.vector_load %arg7[%get3A_515, %get3A_516] {strides = array<i32>} : memref<20x512xi32, #tpu.memory_space<vmem>>, vector<16xi32>,
      %eq3A_518 = arith.constant 0 : i32
      %eq3A_519 = vector.broadcast %eq3A_518 : i32 to vector<16xi32>
      %eq3A_520 = arith.cmpi eq, %get3A_517, %eq3A_519 : vector<16xi32>
      %jit3A_521 = arith.constant 1 : i32
      %jit3A_522 = arith.constant 0 : i32
      %broadcast_in_dim3A_523 = vector.broadcast %jit3A_521 : i32 to vector<16xi32>
      %broadcast_in_dim3A_524 = vector.broadcast %jit3A_522 : i32 to vector<16xi32>
      %select_n3A_525 = arith.select %eq3A_520, %broadcast_in_dim3A_523, %broadcast_in_dim3A_524 : vector<16xi1>, vector<16xi32>
      %add3A_526 = arith.addi %add3A_509, %select_n3A_525 : vector<16xi32>
      %convert_element_type3A_527 = arith.sitofp %add3A_526 : vector<16xi32> to vector<16xf32>
      %swap3A_528 = arith.constant 0 : index
      %swap3A_529 = tpu.vector_load %arg12[%swap3A_528] {strides = array<i32>} : memref<48xf32, #tpu.memory_space<vmem>>, vector<16xf32>,
      tpu.vector_store %arg12[%swap3A_528], %convert_element_type3A_527 {strides = array<i32>} : memref<48xf32, #tpu.memory_space<vmem>>, vector<16xf32>,
      %broadcast_in_dim3A_530 = arith.constant 0 : i32
      %broadcast_in_dim3A_531 = vector.broadcast %broadcast_in_dim3A_530 : i32 to vector<16xi32>
      %mul3A_532 = arith.constant 32 : i32
      %mul3A_533 = arith.muli %scan3A_98, %mul3A_532 : i32
      %add3A_534 = arith.constant 16 : i32
      %add3A_535 = arith.addi %mul3A_533, %add3A_534 : i32
      %get3A_536 = arith.constant 0 : i32
      %get3A_537 = arith.index_cast %get3A_536 : i32 to index
      %get3A_538 = arith.index_cast %add3A_535 : i32 to index
      %get3A_539 = tpu.vector_load %arg7[%get3A_537, %get3A_538] {strides = array<i32>} : memref<20x512xi32, #tpu.memory_space<vmem>>, vector<16xi32>,
      %eq3A_540 = arith.constant 0 : i32
      %eq3A_541 = vector.broadcast %eq3A_540 : i32 to vector<16xi32>
      %eq3A_542 = arith.cmpi eq, %get3A_539, %eq3A_541 : vector<16xi32>
      %jit3A_543 = arith.constant 1 : i32
      %jit3A_544 = arith.constant 0 : i32
      %broadcast_in_dim3A_545 = vector.broadcast %jit3A_543 : i32 to vector<16xi32>
      %broadcast_in_dim3A_546 = vector.broadcast %jit3A_544 : i32 to vector<16xi32>
      %select_n3A_547 = arith.select %eq3A_542, %broadcast_in_dim3A_545, %broadcast_in_dim3A_546 : vector<16xi1>, vector<16xi32>
      %add3A_548 = arith.addi %broadcast_in_dim3A_531, %select_n3A_547 : vector<16xi32>
      %mul3A_549 = arith.constant 32 : i32
      %mul3A_550 = arith.muli %scan3A_98, %mul3A_549 : i32
      %add3A_551 = arith.constant 16 : i32
      %add3A_552 = arith.addi %mul3A_550, %add3A_551 : i32
      %get3A_553 = arith.constant 1 : i32
      %get3A_554 = arith.index_cast %get3A_553 : i32 to index
      %get3A_555 = arith.index_cast %add3A_552 : i32 to index
      %get3A_556 = tpu.vector_load %arg7[%get3A_554, %get3A_555] {strides = array<i32>} : memref<20x512xi32, #tpu.memory_space<vmem>>, vector<16xi32>,
      %eq3A_557 = arith.constant 0 : i32
      %eq3A_558 = vector.broadcast %eq3A_557 : i32 to vector<16xi32>
      %eq3A_559 = arith.cmpi eq, %get3A_556, %eq3A_558 : vector<16xi32>
      %jit3A_560 = arith.constant 1 : i32
      %jit3A_561 = arith.constant 0 : i32
      %broadcast_in_dim3A_562 = vector.broadcast %jit3A_560 : i32 to vector<16xi32>
      %broadcast_in_dim3A_563 = vector.broadcast %jit3A_561 : i32 to vector<16xi32>
      %select_n3A_564 = arith.select %eq3A_559, %broadcast_in_dim3A_562, %broadcast_in_dim3A_563 : vector<16xi1>, vector<16xi32>
      %add3A_565 = arith.addi %add3A_548, %select_n3A_564 : vector<16xi32>
      %mul3A_566 = arith.constant 32 : i32
      %mul3A_567 = arith.muli %scan3A_98, %mul3A_566 : i32
      %add3A_568 = arith.constant 16 : i32
      %add3A_569 = arith.addi %mul3A_567, %add3A_568 : i32
      %get3A_570 = arith.constant 2 : i32
      %get3A_571 = arith.index_cast %get3A_570 : i32 to index
      %get3A_572 = arith.index_cast %add3A_569 : i32 to index
      %get3A_573 = tpu.vector_load %arg7[%get3A_571, %get3A_572] {strides = array<i32>} : memref<20x512xi32, #tpu.memory_space<vmem>>, vector<16xi32>,
      %eq3A_574 = arith.constant 0 : i32
      %eq3A_575 = vector.broadcast %eq3A_574 : i32 to vector<16xi32>
      %eq3A_576 = arith.cmpi eq, %get3A_573, %eq3A_575 : vector<16xi32>
      %jit3A_577 = arith.constant 1 : i32
      %jit3A_578 = arith.constant 0 : i32
      %broadcast_in_dim3A_579 = vector.broadcast %jit3A_577 : i32 to vector<16xi32>
      %broadcast_in_dim3A_580 = vector.broadcast %jit3A_578 : i32 to vector<16xi32>
      %select_n3A_581 = arith.select %eq3A_576, %broadcast_in_dim3A_579, %broadcast_in_dim3A_580 : vector<16xi1>, vector<16xi32>
      %add3A_582 = arith.addi %add3A_565, %select_n3A_581 : vector<16xi32>
      %mul3A_583 = arith.constant 32 : i32
      %mul3A_584 = arith.muli %scan3A_98, %mul3A_583 : i32
      %add3A_585 = arith.constant 16 : i32
      %add3A_586 = arith.addi %mul3A_584, %add3A_585 : i32
      %get3A_587 = arith.constant 3 : i32
      %get3A_588 = arith.index_cast %get3A_587 : i32 to index
      %get3A_589 = arith.index_cast %add3A_586 : i32 to index
      %get3A_590 = tpu.vector_load %arg7[%get3A_588, %get3A_589] {strides = array<i32>} : memref<20x512xi32, #tpu.memory_space<vmem>>, vector<16xi32>,
      %eq3A_591 = arith.constant 0 : i32
      %eq3A_592 = vector.broadcast %eq3A_591 : i32 to vector<16xi32>
      %eq3A_593 = arith.cmpi eq, %get3A_590, %eq3A_592 : vector<16xi32>
      %jit3A_594 = arith.constant 1 : i32
      %jit3A_595 = arith.constant 0 : i32
      %broadcast_in_dim3A_596 = vector.broadcast %jit3A_594 : i32 to vector<16xi32>
      %broadcast_in_dim3A_597 = vector.broadcast %jit3A_595 : i32 to vector<16xi32>
      %select_n3A_598 = arith.select %eq3A_593, %broadcast_in_dim3A_596, %broadcast_in_dim3A_597 : vector<16xi1>, vector<16xi32>
      %add3A_599 = arith.addi %add3A_582, %select_n3A_598 : vector<16xi32>
      %mul3A_600 = arith.constant 32 : i32
      %mul3A_601 = arith.muli %scan3A_98, %mul3A_600 : i32
      %add3A_602 = arith.constant 16 : i32
      %add3A_603 = arith.addi %mul3A_601, %add3A_602 : i32
      %get3A_604 = arith.constant 4 : i32
      %get3A_605 = arith.index_cast %get3A_604 : i32 to index
      %get3A_606 = arith.index_cast %add3A_603 : i32 to index
      %get3A_607 = tpu.vector_load %arg7[%get3A_605, %get3A_606] {strides = array<i32>} : memref<20x512xi32, #tpu.memory_space<vmem>>, vector<16xi32>,
      %eq3A_608 = arith.constant 0 : i32
      %eq3A_609 = vector.broadcast %eq3A_608 : i32 to vector<16xi32>
      %eq3A_610 = arith.cmpi eq, %get3A_607, %eq3A_609 : vector<16xi32>
      %jit3A_611 = arith.constant 1 : i32
      %jit3A_612 = arith.constant 0 : i32
      %broadcast_in_dim3A_613 = vector.broadcast %jit3A_611 : i32 to vector<16xi32>
      %broadcast_in_dim3A_614 = vector.broadcast %jit3A_612 : i32 to vector<16xi32>
      %select_n3A_615 = arith.select %eq3A_610, %broadcast_in_dim3A_613, %broadcast_in_dim3A_614 : vector<16xi1>, vector<16xi32>
      %add3A_616 = arith.addi %add3A_599, %select_n3A_615 : vector<16xi32>
      %mul3A_617 = arith.constant 32 : i32
      %mul3A_618 = arith.muli %scan3A_98, %mul3A_617 : i32
      %add3A_619 = arith.constant 16 : i32
      %add3A_620 = arith.addi %mul3A_618, %add3A_619 : i32
      %get3A_621 = arith.constant 5 : i32
      %get3A_622 = arith.index_cast %get3A_621 : i32 to index
      %get3A_623 = arith.index_cast %add3A_620 : i32 to index
      %get3A_624 = tpu.vector_load %arg7[%get3A_622, %get3A_623] {strides = array<i32>} : memref<20x512xi32, #tpu.memory_space<vmem>>, vector<16xi32>,
      %eq3A_625 = arith.constant 0 : i32
      %eq3A_626 = vector.broadcast %eq3A_625 : i32 to vector<16xi32>
      %eq3A_627 = arith.cmpi eq, %get3A_624, %eq3A_626 : vector<16xi32>
      %jit3A_628 = arith.constant 1 : i32
      %jit3A_629 = arith.constant 0 : i32
      %broadcast_in_dim3A_630 = vector.broadcast %jit3A_628 : i32 to vector<16xi32>
      %broadcast_in_dim3A_631 = vector.broadcast %jit3A_629 : i32 to vector<16xi32>
      %select_n3A_632 = arith.select %eq3A_627, %broadcast_in_dim3A_630, %broadcast_in_dim3A_631 : vector<16xi1>, vector<16xi32>
      %add3A_633 = arith.addi %add3A_616, %select_n3A_632 : vector<16xi32>
      %mul3A_634 = arith.constant 32 : i32
      %mul3A_635 = arith.muli %scan3A_98, %mul3A_634 : i32
      %add3A_636 = arith.constant 16 : i32
      %add3A_637 = arith.addi %mul3A_635, %add3A_636 : i32
      %get3A_638 = arith.constant 6 : i32
      %get3A_639 = arith.index_cast %get3A_638 : i32 to index
      %get3A_640 = arith.index_cast %add3A_637 : i32 to index
      %get3A_641 = tpu.vector_load %arg7[%get3A_639, %get3A_640] {strides = array<i32>} : memref<20x512xi32, #tpu.memory_space<vmem>>, vector<16xi32>,
      %eq3A_642 = arith.constant 0 : i32
      %eq3A_643 = vector.broadcast %eq3A_642 : i32 to vector<16xi32>
      %eq3A_644 = arith.cmpi eq, %get3A_641, %eq3A_643 : vector<16xi32>
      %jit3A_645 = arith.constant 1 : i32
      %jit3A_646 = arith.constant 0 : i32
      %broadcast_in_dim3A_647 = vector.broadcast %jit3A_645 : i32 to vector<16xi32>
      %broadcast_in_dim3A_648 = vector.broadcast %jit3A_646 : i32 to vector<16xi32>
      %select_n3A_649 = arith.select %eq3A_644, %broadcast_in_dim3A_647, %broadcast_in_dim3A_648 : vector<16xi1>, vector<16xi32>
      %add3A_650 = arith.addi %add3A_633, %select_n3A_649 : vector<16xi32>
      %mul3A_651 = arith.constant 32 : i32
      %mul3A_652 = arith.muli %scan3A_98, %mul3A_651 : i32
      %add3A_653 = arith.constant 16 : i32
      %add3A_654 = arith.addi %mul3A_652, %add3A_653 : i32
      %get3A_655 = arith.constant 7 : i32
      %get3A_656 = arith.index_cast %get3A_655 : i32 to index
      %get3A_657 = arith.index_cast %add3A_654 : i32 to index
      %get3A_658 = tpu.vector_load %arg7[%get3A_656, %get3A_657] {strides = array<i32>} : memref<20x512xi32, #tpu.memory_space<vmem>>, vector<16xi32>,
      %eq3A_659 = arith.constant 0 : i32
      %eq3A_660 = vector.broadcast %eq3A_659 : i32 to vector<16xi32>
      %eq3A_661 = arith.cmpi eq, %get3A_658, %eq3A_660 : vector<16xi32>
      %jit3A_662 = arith.constant 1 : i32
      %jit3A_663 = arith.constant 0 : i32
      %broadcast_in_dim3A_664 = vector.broadcast %jit3A_662 : i32 to vector<16xi32>
      %broadcast_in_dim3A_665 = vector.broadcast %jit3A_663 : i32 to vector<16xi32>
      %select_n3A_666 = arith.select %eq3A_661, %broadcast_in_dim3A_664, %broadcast_in_dim3A_665 : vector<16xi1>, vector<16xi32>
      %add3A_667 = arith.addi %add3A_650, %select_n3A_666 : vector<16xi32>
      %mul3A_668 = arith.constant 32 : i32
      %mul3A_669 = arith.muli %scan3A_98, %mul3A_668 : i32
      %add3A_670 = arith.constant 16 : i32
      %add3A_671 = arith.addi %mul3A_669, %add3A_670 : i32
      %get3A_672 = arith.constant 8 : i32
      %get3A_673 = arith.index_cast %get3A_672 : i32 to index
      %get3A_674 = arith.index_cast %add3A_671 : i32 to index
      %get3A_675 = tpu.vector_load %arg7[%get3A_673, %get3A_674] {strides = array<i32>} : memref<20x512xi32, #tpu.memory_space<vmem>>, vector<16xi32>,
      %eq3A_676 = arith.constant 0 : i32
      %eq3A_677 = vector.broadcast %eq3A_676 : i32 to vector<16xi32>
      %eq3A_678 = arith.cmpi eq, %get3A_675, %eq3A_677 : vector<16xi32>
      %jit3A_679 = arith.constant 1 : i32
      %jit3A_680 = arith.constant 0 : i32
      %broadcast_in_dim3A_681 = vector.broadcast %jit3A_679 : i32 to vector<16xi32>
      %broadcast_in_dim3A_682 = vector.broadcast %jit3A_680 : i32 to vector<16xi32>
      %select_n3A_683 = arith.select %eq3A_678, %broadcast_in_dim3A_681, %broadcast_in_dim3A_682 : vector<16xi1>, vector<16xi32>
      %add3A_684 = arith.addi %add3A_667, %select_n3A_683 : vector<16xi32>
      %mul3A_685 = arith.constant 32 : i32
      %mul3A_686 = arith.muli %scan3A_98, %mul3A_685 : i32
      %add3A_687 = arith.constant 16 : i32
      %add3A_688 = arith.addi %mul3A_686, %add3A_687 : i32
      %get3A_689 = arith.constant 9 : i32
      %get3A_690 = arith.index_cast %get3A_689 : i32 to index
      %get3A_691 = arith.index_cast %add3A_688 : i32 to index
      %get3A_692 = tpu.vector_load %arg7[%get3A_690, %get3A_691] {strides = array<i32>} : memref<20x512xi32, #tpu.memory_space<vmem>>, vector<16xi32>,
      %eq3A_693 = arith.constant 0 : i32
      %eq3A_694 = vector.broadcast %eq3A_693 : i32 to vector<16xi32>
      %eq3A_695 = arith.cmpi eq, %get3A_692, %eq3A_694 : vector<16xi32>
      %jit3A_696 = arith.constant 1 : i32
      %jit3A_697 = arith.constant 0 : i32
      %broadcast_in_dim3A_698 = vector.broadcast %jit3A_696 : i32 to vector<16xi32>
      %broadcast_in_dim3A_699 = vector.broadcast %jit3A_697 : i32 to vector<16xi32>
      %select_n3A_700 = arith.select %eq3A_695, %broadcast_in_dim3A_698, %broadcast_in_dim3A_699 : vector<16xi1>, vector<16xi32>
      %add3A_701 = arith.addi %add3A_684, %select_n3A_700 : vector<16xi32>
      %mul3A_702 = arith.constant 32 : i32
      %mul3A_703 = arith.muli %scan3A_98, %mul3A_702 : i32
      %add3A_704 = arith.constant 16 : i32
      %add3A_705 = arith.addi %mul3A_703, %add3A_704 : i32
      %get3A_706 = arith.constant 10 : i32
      %get3A_707 = arith.index_cast %get3A_706 : i32 to index
      %get3A_708 = arith.index_cast %add3A_705 : i32 to index
      %get3A_709 = tpu.vector_load %arg7[%get3A_707, %get3A_708] {strides = array<i32>} : memref<20x512xi32, #tpu.memory_space<vmem>>, vector<16xi32>,
      %eq3A_710 = arith.constant 0 : i32
      %eq3A_711 = vector.broadcast %eq3A_710 : i32 to vector<16xi32>
      %eq3A_712 = arith.cmpi eq, %get3A_709, %eq3A_711 : vector<16xi32>
      %jit3A_713 = arith.constant 1 : i32
      %jit3A_714 = arith.constant 0 : i32
      %broadcast_in_dim3A_715 = vector.broadcast %jit3A_713 : i32 to vector<16xi32>
      %broadcast_in_dim3A_716 = vector.broadcast %jit3A_714 : i32 to vector<16xi32>
      %select_n3A_717 = arith.select %eq3A_712, %broadcast_in_dim3A_715, %broadcast_in_dim3A_716 : vector<16xi1>, vector<16xi32>
      %add3A_718 = arith.addi %add3A_701, %select_n3A_717 : vector<16xi32>
      %mul3A_719 = arith.constant 32 : i32
      %mul3A_720 = arith.muli %scan3A_98, %mul3A_719 : i32
      %add3A_721 = arith.constant 16 : i32
      %add3A_722 = arith.addi %mul3A_720, %add3A_721 : i32
      %get3A_723 = arith.constant 11 : i32
      %get3A_724 = arith.index_cast %get3A_723 : i32 to index
      %get3A_725 = arith.index_cast %add3A_722 : i32 to index
      %get3A_726 = tpu.vector_load %arg7[%get3A_724, %get3A_725] {strides = array<i32>} : memref<20x512xi32, #tpu.memory_space<vmem>>, vector<16xi32>,
      %eq3A_727 = arith.constant 0 : i32
      %eq3A_728 = vector.broadcast %eq3A_727 : i32 to vector<16xi32>
      %eq3A_729 = arith.cmpi eq, %get3A_726, %eq3A_728 : vector<16xi32>
      %jit3A_730 = arith.constant 1 : i32
      %jit3A_731 = arith.constant 0 : i32
      %broadcast_in_dim3A_732 = vector.broadcast %jit3A_730 : i32 to vector<16xi32>
      %broadcast_in_dim3A_733 = vector.broadcast %jit3A_731 : i32 to vector<16xi32>
      %select_n3A_734 = arith.select %eq3A_729, %broadcast_in_dim3A_732, %broadcast_in_dim3A_733 : vector<16xi1>, vector<16xi32>
      %add3A_735 = arith.addi %add3A_718, %select_n3A_734 : vector<16xi32>
      %mul3A_736 = arith.constant 32 : i32
      %mul3A_737 = arith.muli %scan3A_98, %mul3A_736 : i32
      %add3A_738 = arith.constant 16 : i32
      %add3A_739 = arith.addi %mul3A_737, %add3A_738 : i32
      %get3A_740 = arith.constant 12 : i32
      %get3A_741 = arith.index_cast %get3A_740 : i32 to index
      %get3A_742 = arith.index_cast %add3A_739 : i32 to index
      %get3A_743 = tpu.vector_load %arg7[%get3A_741, %get3A_742] {strides = array<i32>} : memref<20x512xi32, #tpu.memory_space<vmem>>, vector<16xi32>,
      %eq3A_744 = arith.constant 0 : i32
      %eq3A_745 = vector.broadcast %eq3A_744 : i32 to vector<16xi32>
      %eq3A_746 = arith.cmpi eq, %get3A_743, %eq3A_745 : vector<16xi32>
      %jit3A_747 = arith.constant 1 : i32
      %jit3A_748 = arith.constant 0 : i32
      %broadcast_in_dim3A_749 = vector.broadcast %jit3A_747 : i32 to vector<16xi32>
      %broadcast_in_dim3A_750 = vector.broadcast %jit3A_748 : i32 to vector<16xi32>
      %select_n3A_751 = arith.select %eq3A_746, %broadcast_in_dim3A_749, %broadcast_in_dim3A_750 : vector<16xi1>, vector<16xi32>
      %add3A_752 = arith.addi %add3A_735, %select_n3A_751 : vector<16xi32>
      %mul3A_753 = arith.constant 32 : i32
      %mul3A_754 = arith.muli %scan3A_98, %mul3A_753 : i32
      %add3A_755 = arith.constant 16 : i32
      %add3A_756 = arith.addi %mul3A_754, %add3A_755 : i32
      %get3A_757 = arith.constant 13 : i32
      %get3A_758 = arith.index_cast %get3A_757 : i32 to index
      %get3A_759 = arith.index_cast %add3A_756 : i32 to index
      %get3A_760 = tpu.vector_load %arg7[%get3A_758, %get3A_759] {strides = array<i32>} : memref<20x512xi32, #tpu.memory_space<vmem>>, vector<16xi32>,
      %eq3A_761 = arith.constant 0 : i32
      %eq3A_762 = vector.broadcast %eq3A_761 : i32 to vector<16xi32>
      %eq3A_763 = arith.cmpi eq, %get3A_760, %eq3A_762 : vector<16xi32>
      %jit3A_764 = arith.constant 1 : i32
      %jit3A_765 = arith.constant 0 : i32
      %broadcast_in_dim3A_766 = vector.broadcast %jit3A_764 : i32 to vector<16xi32>
      %broadcast_in_dim3A_767 = vector.broadcast %jit3A_765 : i32 to vector<16xi32>
      %select_n3A_768 = arith.select %eq3A_763, %broadcast_in_dim3A_766, %broadcast_in_dim3A_767 : vector<16xi1>, vector<16xi32>
      %add3A_769 = arith.addi %add3A_752, %select_n3A_768 : vector<16xi32>
      %mul3A_770 = arith.constant 32 : i32
      %mul3A_771 = arith.muli %scan3A_98, %mul3A_770 : i32
      %add3A_772 = arith.constant 16 : i32
      %add3A_773 = arith.addi %mul3A_771, %add3A_772 : i32
      %get3A_774 = arith.constant 14 : i32
      %get3A_775 = arith.index_cast %get3A_774 : i32 to index
      %get3A_776 = arith.index_cast %add3A_773 : i32 to index
      %get3A_777 = tpu.vector_load %arg7[%get3A_775, %get3A_776] {strides = array<i32>} : memref<20x512xi32, #tpu.memory_space<vmem>>, vector<16xi32>,
      %eq3A_778 = arith.constant 0 : i32
      %eq3A_779 = vector.broadcast %eq3A_778 : i32 to vector<16xi32>
      %eq3A_780 = arith.cmpi eq, %get3A_777, %eq3A_779 : vector<16xi32>
      %jit3A_781 = arith.constant 1 : i32
      %jit3A_782 = arith.constant 0 : i32
      %broadcast_in_dim3A_783 = vector.broadcast %jit3A_781 : i32 to vector<16xi32>
      %broadcast_in_dim3A_784 = vector.broadcast %jit3A_782 : i32 to vector<16xi32>
      %select_n3A_785 = arith.select %eq3A_780, %broadcast_in_dim3A_783, %broadcast_in_dim3A_784 : vector<16xi1>, vector<16xi32>
      %add3A_786 = arith.addi %add3A_769, %select_n3A_785 : vector<16xi32>
      %mul3A_787 = arith.constant 32 : i32
      %mul3A_788 = arith.muli %scan3A_98, %mul3A_787 : i32
      %add3A_789 = arith.constant 16 : i32
      %add3A_790 = arith.addi %mul3A_788, %add3A_789 : i32
      %get3A_791 = arith.constant 15 : i32
      %get3A_792 = arith.index_cast %get3A_791 : i32 to index
      %get3A_793 = arith.index_cast %add3A_790 : i32 to index
      %get3A_794 = tpu.vector_load %arg7[%get3A_792, %get3A_793] {strides = array<i32>} : memref<20x512xi32, #tpu.memory_space<vmem>>, vector<16xi32>,
      %eq3A_795 = arith.constant 0 : i32
      %eq3A_796 = vector.broadcast %eq3A_795 : i32 to vector<16xi32>
      %eq3A_797 = arith.cmpi eq, %get3A_794, %eq3A_796 : vector<16xi32>
      %jit3A_798 = arith.constant 1 : i32
      %jit3A_799 = arith.constant 0 : i32
      %broadcast_in_dim3A_800 = vector.broadcast %jit3A_798 : i32 to vector<16xi32>
      %broadcast_in_dim3A_801 = vector.broadcast %jit3A_799 : i32 to vector<16xi32>
      %select_n3A_802 = arith.select %eq3A_797, %broadcast_in_dim3A_800, %broadcast_in_dim3A_801 : vector<16xi1>, vector<16xi32>
      %add3A_803 = arith.addi %add3A_786, %select_n3A_802 : vector<16xi32>
      %mul3A_804 = arith.constant 32 : i32
      %mul3A_805 = arith.muli %scan3A_98, %mul3A_804 : i32
      %add3A_806 = arith.constant 16 : i32
      %add3A_807 = arith.addi %mul3A_805, %add3A_806 : i32
      %get3A_808 = arith.constant 16 : i32
      %get3A_809 = arith.index_cast %get3A_808 : i32 to index
      %get3A_810 = arith.index_cast %add3A_807 : i32 to index
      %get3A_811 = tpu.vector_load %arg7[%get3A_809, %get3A_810] {strides = array<i32>} : memref<20x512xi32, #tpu.memory_space<vmem>>, vector<16xi32>,
      %eq3A_812 = arith.constant 0 : i32
      %eq3A_813 = vector.broadcast %eq3A_812 : i32 to vector<16xi32>
      %eq3A_814 = arith.cmpi eq, %get3A_811, %eq3A_813 : vector<16xi32>
      %jit3A_815 = arith.constant 1 : i32
      %jit3A_816 = arith.constant 0 : i32
      %broadcast_in_dim3A_817 = vector.broadcast %jit3A_815 : i32 to vector<16xi32>
      %broadcast_in_dim3A_818 = vector.broadcast %jit3A_816 : i32 to vector<16xi32>
      %select_n3A_819 = arith.select %eq3A_814, %broadcast_in_dim3A_817, %broadcast_in_dim3A_818 : vector<16xi1>, vector<16xi32>
      %add3A_820 = arith.addi %add3A_803, %select_n3A_819 : vector<16xi32>
      %mul3A_821 = arith.constant 32 : i32
      %mul3A_822 = arith.muli %scan3A_98, %mul3A_821 : i32
      %add3A_823 = arith.constant 16 : i32
      %add3A_824 = arith.addi %mul3A_822, %add3A_823 : i32
      %get3A_825 = arith.constant 17 : i32
      %get3A_826 = arith.index_cast %get3A_825 : i32 to index
      %get3A_827 = arith.index_cast %add3A_824 : i32 to index
      %get3A_828 = tpu.vector_load %arg7[%get3A_826, %get3A_827] {strides = array<i32>} : memref<20x512xi32, #tpu.memory_space<vmem>>, vector<16xi32>,
      %eq3A_829 = arith.constant 0 : i32
      %eq3A_830 = vector.broadcast %eq3A_829 : i32 to vector<16xi32>
      %eq3A_831 = arith.cmpi eq, %get3A_828, %eq3A_830 : vector<16xi32>
      %jit3A_832 = arith.constant 1 : i32
      %jit3A_833 = arith.constant 0 : i32
      %broadcast_in_dim3A_834 = vector.broadcast %jit3A_832 : i32 to vector<16xi32>
      %broadcast_in_dim3A_835 = vector.broadcast %jit3A_833 : i32 to vector<16xi32>
      %select_n3A_836 = arith.select %eq3A_831, %broadcast_in_dim3A_834, %broadcast_in_dim3A_835 : vector<16xi1>, vector<16xi32>
      %add3A_837 = arith.addi %add3A_820, %select_n3A_836 : vector<16xi32>
      %mul3A_838 = arith.constant 32 : i32
      %mul3A_839 = arith.muli %scan3A_98, %mul3A_838 : i32
      %add3A_840 = arith.constant 16 : i32
      %add3A_841 = arith.addi %mul3A_839, %add3A_840 : i32
      %get3A_842 = arith.constant 18 : i32
      %get3A_843 = arith.index_cast %get3A_842 : i32 to index
      %get3A_844 = arith.index_cast %add3A_841 : i32 to index
      %get3A_845 = tpu.vector_load %arg7[%get3A_843, %get3A_844] {strides = array<i32>} : memref<20x512xi32, #tpu.memory_space<vmem>>, vector<16xi32>,
      %eq3A_846 = arith.constant 0 : i32
      %eq3A_847 = vector.broadcast %eq3A_846 : i32 to vector<16xi32>
      %eq3A_848 = arith.cmpi eq, %get3A_845, %eq3A_847 : vector<16xi32>
      %jit3A_849 = arith.constant 1 : i32
      %jit3A_850 = arith.constant 0 : i32
      %broadcast_in_dim3A_851 = vector.broadcast %jit3A_849 : i32 to vector<16xi32>
      %broadcast_in_dim3A_852 = vector.broadcast %jit3A_850 : i32 to vector<16xi32>
      %select_n3A_853 = arith.select %eq3A_848, %broadcast_in_dim3A_851, %broadcast_in_dim3A_852 : vector<16xi1>, vector<16xi32>
      %add3A_854 = arith.addi %add3A_837, %select_n3A_853 : vector<16xi32>
      %mul3A_855 = arith.constant 32 : i32
      %mul3A_856 = arith.muli %scan3A_98, %mul3A_855 : i32
      %add3A_857 = arith.constant 16 : i32
      %add3A_858 = arith.addi %mul3A_856, %add3A_857 : i32
      %get3A_859 = arith.constant 19 : i32
      %get3A_860 = arith.index_cast %get3A_859 : i32 to index
      %get3A_861 = arith.index_cast %add3A_858 : i32 to index
      %get3A_862 = tpu.vector_load %arg7[%get3A_860, %get3A_861] {strides = array<i32>} : memref<20x512xi32, #tpu.memory_space<vmem>>, vector<16xi32>,
      %eq3A_863 = arith.constant 0 : i32
      %eq3A_864 = vector.broadcast %eq3A_863 : i32 to vector<16xi32>
      %eq3A_865 = arith.cmpi eq, %get3A_862, %eq3A_864 : vector<16xi32>
      %jit3A_866 = arith.constant 1 : i32
      %jit3A_867 = arith.constant 0 : i32
      %broadcast_in_dim3A_868 = vector.broadcast %jit3A_866 : i32 to vector<16xi32>
      %broadcast_in_dim3A_869 = vector.broadcast %jit3A_867 : i32 to vector<16xi32>
      %select_n3A_870 = arith.select %eq3A_865, %broadcast_in_dim3A_868, %broadcast_in_dim3A_869 : vector<16xi1>, vector<16xi32>
      %add3A_871 = arith.addi %add3A_854, %select_n3A_870 : vector<16xi32>
      %convert_element_type3A_872 = arith.sitofp %add3A_871 : vector<16xi32> to vector<16xf32>
      %swap3A_873 = arith.constant 16 : index
      %swap3A_874 = tpu.vector_load %arg12[%swap3A_873] {strides = array<i32>} : memref<48xf32, #tpu.memory_space<vmem>>, vector<16xf32>,
      tpu.vector_store %arg12[%swap3A_873], %convert_element_type3A_872 {strides = array<i32>} : memref<48xf32, #tpu.memory_space<vmem>>, vector<16xf32>,
      %scan3A_875 = arith.constant 0 : i32
      %scan3A_876 = arith.constant 32 : i32
      %scan3A_877 = arith.addi %scan3A_875, %scan3A_876 : i32
      %scan3A_878 = arith.constant 1 : i32
      %scan3A_879 = scf.for %scan3A_881 = %scan3A_875 to %scan3A_877 step %scan3A_878 iter_args(%scan3A_882 = %scan3A_99) -> (vector<16xf32>)  : i32 {
        %mul3A_883 = arith.constant 20 : i32
        %mul3A_884 = arith.muli %scan3A_881, %mul3A_883 : i32
        %get3A_885 = arith.index_cast %rem3A_100 : i32 to index
        %get3A_886 = arith.index_cast %mul3A_884 : i32 to index
        %get3A_887 = arith.constant 0 : index
        %get3A_888 = tpu.vector_load %arg10[%get3A_885, %get3A_886, %get3A_887] {strides = array<i32>} : memref<2x640x64xf32, #tpu.memory_space<vmem>>, vector<16xf32>,
        %mul3A_889 = arith.constant 20 : i32
        %mul3A_890 = arith.muli %scan3A_881, %mul3A_889 : i32
        %get3A_891 = arith.index_cast %rem3A_100 : i32 to index
        %get3A_892 = arith.index_cast %mul3A_890 : i32 to index
        %get3A_893 = arith.constant 16 : index
        %get3A_894 = tpu.vector_load %arg10[%get3A_891, %get3A_892, %get3A_893] {strides = array<i32>} : memref<2x640x64xf32, #tpu.memory_space<vmem>>, vector<16xf32>,
        %mul3A_895 = arith.constant 20 : i32
        %mul3A_896 = arith.muli %scan3A_881, %mul3A_895 : i32
        %get3A_897 = arith.index_cast %rem3A_100 : i32 to index
        %get3A_898 = arith.index_cast %mul3A_896 : i32 to index
        %get3A_899 = arith.constant 32 : index
        %get3A_900 = tpu.vector_load %arg10[%get3A_897, %get3A_898, %get3A_899] {strides = array<i32>} : memref<2x640x64xf32, #tpu.memory_space<vmem>>, vector<16xf32>,
        %mul3A_901 = arith.constant 20 : i32
        %mul3A_902 = arith.muli %scan3A_881, %mul3A_901 : i32
        %get3A_903 = arith.index_cast %rem3A_100 : i32 to index
        %get3A_904 = arith.index_cast %mul3A_902 : i32 to index
        %get3A_905 = arith.constant 48 : index
        %get3A_906 = tpu.vector_load %arg10[%get3A_903, %get3A_904, %get3A_905] {strides = array<i32>} : memref<2x640x64xf32, #tpu.memory_space<vmem>>, vector<16xf32>,
        %mul3A_907 = arith.constant 20 : i32
        %mul3A_908 = arith.muli %scan3A_881, %mul3A_907 : i32
        %add3A_909 = arith.constant 1 : i32
        %add3A_910 = arith.addi %mul3A_908, %add3A_909 : i32
        %get3A_911 = arith.index_cast %rem3A_100 : i32 to index
        %get3A_912 = arith.index_cast %add3A_910 : i32 to index
        %get3A_913 = arith.constant 0 : index
        %get3A_914 = tpu.vector_load %arg10[%get3A_911, %get3A_912, %get3A_913] {strides = array<i32>} : memref<2x640x64xf32, #tpu.memory_space<vmem>>, vector<16xf32>,
        %add3A_915 = arith.addf %get3A_888, %get3A_914 : vector<16xf32>
        %mul3A_916 = arith.constant 20 : i32
        %mul3A_917 = arith.muli %scan3A_881, %mul3A_916 : i32
        %add3A_918 = arith.constant 1 : i32
        %add3A_919 = arith.addi %mul3A_917, %add3A_918 : i32
        %get3A_920 = arith.index_cast %rem3A_100 : i32 to index
        %get3A_921 = arith.index_cast %add3A_919 : i32 to index
        %get3A_922 = arith.constant 16 : index
        %get3A_923 = tpu.vector_load %arg10[%get3A_920, %get3A_921, %get3A_922] {strides = array<i32>} : memref<2x640x64xf32, #tpu.memory_space<vmem>>, vector<16xf32>,
        %add3A_924 = arith.addf %get3A_894, %get3A_923 : vector<16xf32>
        %mul3A_925 = arith.constant 20 : i32
        %mul3A_926 = arith.muli %scan3A_881, %mul3A_925 : i32
        %add3A_927 = arith.constant 1 : i32
        %add3A_928 = arith.addi %mul3A_926, %add3A_927 : i32
        %get3A_929 = arith.index_cast %rem3A_100 : i32 to index
        %get3A_930 = arith.index_cast %add3A_928 : i32 to index
        %get3A_931 = arith.constant 32 : index
        %get3A_932 = tpu.vector_load %arg10[%get3A_929, %get3A_930, %get3A_931] {strides = array<i32>} : memref<2x640x64xf32, #tpu.memory_space<vmem>>, vector<16xf32>,
        %add3A_933 = arith.addf %get3A_900, %get3A_932 : vector<16xf32>
        %mul3A_934 = arith.constant 20 : i32
        %mul3A_935 = arith.muli %scan3A_881, %mul3A_934 : i32
        %add3A_936 = arith.constant 1 : i32
        %add3A_937 = arith.addi %mul3A_935, %add3A_936 : i32
        %get3A_938 = arith.index_cast %rem3A_100 : i32 to index
        %get3A_939 = arith.index_cast %add3A_937 : i32 to index
        %get3A_940 = arith.constant 48 : index
        %get3A_941 = tpu.vector_load %arg10[%get3A_938, %get3A_939, %get3A_940] {strides = array<i32>} : memref<2x640x64xf32, #tpu.memory_space<vmem>>, vector<16xf32>,
        %add3A_942 = arith.addf %get3A_906, %get3A_941 : vector<16xf32>
        %mul3A_943 = arith.constant 20 : i32
        %mul3A_944 = arith.muli %scan3A_881, %mul3A_943 : i32
        %add3A_945 = arith.constant 2 : i32
        %add3A_946 = arith.addi %mul3A_944, %add3A_945 : i32
        %get3A_947 = arith.index_cast %rem3A_100 : i32 to index
        %get3A_948 = arith.index_cast %add3A_946 : i32 to index
        %get3A_949 = arith.constant 0 : index
        %get3A_950 = tpu.vector_load %arg10[%get3A_947, %get3A_948, %get3A_949] {strides = array<i32>} : memref<2x640x64xf32, #tpu.memory_space<vmem>>, vector<16xf32>,
        %add3A_951 = arith.addf %add3A_915, %get3A_950 : vector<16xf32>
        %mul3A_952 = arith.constant 20 : i32
        %mul3A_953 = arith.muli %scan3A_881, %mul3A_952 : i32
        %add3A_954 = arith.constant 2 : i32
        %add3A_955 = arith.addi %mul3A_953, %add3A_954 : i32
        %get3A_956 = arith.index_cast %rem3A_100 : i32 to index
        %get3A_957 = arith.index_cast %add3A_955 : i32 to index
        %get3A_958 = arith.constant 16 : index
        %get3A_959 = tpu.vector_load %arg10[%get3A_956, %get3A_957, %get3A_958] {strides = array<i32>} : memref<2x640x64xf32, #tpu.memory_space<vmem>>, vector<16xf32>,
        %add3A_960 = arith.addf %add3A_924, %get3A_959 : vector<16xf32>
        %mul3A_961 = arith.constant 20 : i32
        %mul3A_962 = arith.muli %scan3A_881, %mul3A_961 : i32
        %add3A_963 = arith.constant 2 : i32
        %add3A_964 = arith.addi %mul3A_962, %add3A_963 : i32
        %get3A_965 = arith.index_cast %rem3A_100 : i32 to index
        %get3A_966 = arith.index_cast %add3A_964 : i32 to index
        %get3A_967 = arith.constant 32 : index
        %get3A_968 = tpu.vector_load %arg10[%get3A_965, %get3A_966, %get3A_967] {strides = array<i32>} : memref<2x640x64xf32, #tpu.memory_space<vmem>>, vector<16xf32>,
        %add3A_969 = arith.addf %add3A_933, %get3A_968 : vector<16xf32>
        %mul3A_970 = arith.constant 20 : i32
        %mul3A_971 = arith.muli %scan3A_881, %mul3A_970 : i32
        %add3A_972 = arith.constant 2 : i32
        %add3A_973 = arith.addi %mul3A_971, %add3A_972 : i32
        %get3A_974 = arith.index_cast %rem3A_100 : i32 to index
        %get3A_975 = arith.index_cast %add3A_973 : i32 to index
        %get3A_976 = arith.constant 48 : index
        %get3A_977 = tpu.vector_load %arg10[%get3A_974, %get3A_975, %get3A_976] {strides = array<i32>} : memref<2x640x64xf32, #tpu.memory_space<vmem>>, vector<16xf32>,
        %add3A_978 = arith.addf %add3A_942, %get3A_977 : vector<16xf32>
        %mul3A_979 = arith.constant 20 : i32
        %mul3A_980 = arith.muli %scan3A_881, %mul3A_979 : i32
        %add3A_981 = arith.constant 3 : i32
        %add3A_982 = arith.addi %mul3A_980, %add3A_981 : i32
        %get3A_983 = arith.index_cast %rem3A_100 : i32 to index
        %get3A_984 = arith.index_cast %add3A_982 : i32 to index
        %get3A_985 = arith.constant 0 : index
        %get3A_986 = tpu.vector_load %arg10[%get3A_983, %get3A_984, %get3A_985] {strides = array<i32>} : memref<2x640x64xf32, #tpu.memory_space<vmem>>, vector<16xf32>,
        %add3A_987 = arith.addf %add3A_951, %get3A_986 : vector<16xf32>
        %mul3A_988 = arith.constant 20 : i32
        %mul3A_989 = arith.muli %scan3A_881, %mul3A_988 : i32
        %add3A_990 = arith.constant 3 : i32
        %add3A_991 = arith.addi %mul3A_989, %add3A_990 : i32
        %get3A_992 = arith.index_cast %rem3A_100 : i32 to index
        %get3A_993 = arith.index_cast %add3A_991 : i32 to index
        %get3A_994 = arith.constant 16 : index
        %get3A_995 = tpu.vector_load %arg10[%get3A_992, %get3A_993, %get3A_994] {strides = array<i32>} : memref<2x640x64xf32, #tpu.memory_space<vmem>>, vector<16xf32>,
        %add3A_996 = arith.addf %add3A_960, %get3A_995 : vector<16xf32>
        %mul3A_997 = arith.constant 20 : i32
        %mul3A_998 = arith.muli %scan3A_881, %mul3A_997 : i32
        %add3A_999 = arith.constant 3 : i32
        %add3A_1000 = arith.addi %mul3A_998, %add3A_999 : i32
        %get3A_1001 = arith.index_cast %rem3A_100 : i32 to index
        %get3A_1002 = arith.index_cast %add3A_1000 : i32 to index
        %get3A_1003 = arith.constant 32 : index
        %get3A_1004 = tpu.vector_load %arg10[%get3A_1001, %get3A_1002, %get3A_1003] {strides = array<i32>} : memref<2x640x64xf32, #tpu.memory_space<vmem>>, vector<16xf32>,
        %add3A_1005 = arith.addf %add3A_969, %get3A_1004 : vector<16xf32>
        %mul3A_1006 = arith.constant 20 : i32
        %mul3A_1007 = arith.muli %scan3A_881, %mul3A_1006 : i32
        %add3A_1008 = arith.constant 3 : i32
        %add3A_1009 = arith.addi %mul3A_1007, %add3A_1008 : i32
        %get3A_1010 = arith.index_cast %rem3A_100 : i32 to index
        %get3A_1011 = arith.index_cast %add3A_1009 : i32 to index
        %get3A_1012 = arith.constant 48 : index
        %get3A_1013 = tpu.vector_load %arg10[%get3A_1010, %get3A_1011, %get3A_1012] {strides = array<i32>} : memref<2x640x64xf32, #tpu.memory_space<vmem>>, vector<16xf32>,
        %add3A_1014 = arith.addf %add3A_978, %get3A_1013 : vector<16xf32>
        %mul3A_1015 = arith.constant 20 : i32
        %mul3A_1016 = arith.muli %scan3A_881, %mul3A_1015 : i32
        %add3A_1017 = arith.constant 4 : i32
        %add3A_1018 = arith.addi %mul3A_1016, %add3A_1017 : i32
        %get3A_1019 = arith.index_cast %rem3A_100 : i32 to index
        %get3A_1020 = arith.index_cast %add3A_1018 : i32 to index
        %get3A_1021 = arith.constant 0 : index
        %get3A_1022 = tpu.vector_load %arg10[%get3A_1019, %get3A_1020, %get3A_1021] {strides = array<i32>} : memref<2x640x64xf32, #tpu.memory_space<vmem>>, vector<16xf32>,
        %add3A_1023 = arith.addf %add3A_987, %get3A_1022 : vector<16xf32>
        %mul3A_1024 = arith.constant 20 : i32
        %mul3A_1025 = arith.muli %scan3A_881, %mul3A_1024 : i32
        %add3A_1026 = arith.constant 4 : i32
        %add3A_1027 = arith.addi %mul3A_1025, %add3A_1026 : i32
        %get3A_1028 = arith.index_cast %rem3A_100 : i32 to index
        %get3A_1029 = arith.index_cast %add3A_1027 : i32 to index
        %get3A_1030 = arith.constant 16 : index
        %get3A_1031 = tpu.vector_load %arg10[%get3A_1028, %get3A_1029, %get3A_1030] {strides = array<i32>} : memref<2x640x64xf32, #tpu.memory_space<vmem>>, vector<16xf32>,
        %add3A_1032 = arith.addf %add3A_996, %get3A_1031 : vector<16xf32>
        %mul3A_1033 = arith.constant 20 : i32
        %mul3A_1034 = arith.muli %scan3A_881, %mul3A_1033 : i32
        %add3A_1035 = arith.constant 4 : i32
        %add3A_1036 = arith.addi %mul3A_1034, %add3A_1035 : i32
        %get3A_1037 = arith.index_cast %rem3A_100 : i32 to index
        %get3A_1038 = arith.index_cast %add3A_1036 : i32 to index
        %get3A_1039 = arith.constant 32 : index
        %get3A_1040 = tpu.vector_load %arg10[%get3A_1037, %get3A_1038, %get3A_1039] {strides = array<i32>} : memref<2x640x64xf32, #tpu.memory_space<vmem>>, vector<16xf32>,
        %add3A_1041 = arith.addf %add3A_1005, %get3A_1040 : vector<16xf32>
        %mul3A_1042 = arith.constant 20 : i32
        %mul3A_1043 = arith.muli %scan3A_881, %mul3A_1042 : i32
        %add3A_1044 = arith.constant 4 : i32
        %add3A_1045 = arith.addi %mul3A_1043, %add3A_1044 : i32
        %get3A_1046 = arith.index_cast %rem3A_100 : i32 to index
        %get3A_1047 = arith.index_cast %add3A_1045 : i32 to index
        %get3A_1048 = arith.constant 48 : index
        %get3A_1049 = tpu.vector_load %arg10[%get3A_1046, %get3A_1047, %get3A_1048] {strides = array<i32>} : memref<2x640x64xf32, #tpu.memory_space<vmem>>, vector<16xf32>,
        %add3A_1050 = arith.addf %add3A_1014, %get3A_1049 : vector<16xf32>
        %mul3A_1051 = arith.constant 20 : i32
        %mul3A_1052 = arith.muli %scan3A_881, %mul3A_1051 : i32
        %add3A_1053 = arith.constant 5 : i32
        %add3A_1054 = arith.addi %mul3A_1052, %add3A_1053 : i32
        %get3A_1055 = arith.index_cast %rem3A_100 : i32 to index
        %get3A_1056 = arith.index_cast %add3A_1054 : i32 to index
        %get3A_1057 = arith.constant 0 : index
        %get3A_1058 = tpu.vector_load %arg10[%get3A_1055, %get3A_1056, %get3A_1057] {strides = array<i32>} : memref<2x640x64xf32, #tpu.memory_space<vmem>>, vector<16xf32>,
        %add3A_1059 = arith.addf %add3A_1023, %get3A_1058 : vector<16xf32>
        %mul3A_1060 = arith.constant 20 : i32
        %mul3A_1061 = arith.muli %scan3A_881, %mul3A_1060 : i32
        %add3A_1062 = arith.constant 5 : i32
        %add3A_1063 = arith.addi %mul3A_1061, %add3A_1062 : i32
        %get3A_1064 = arith.index_cast %rem3A_100 : i32 to index
        %get3A_1065 = arith.index_cast %add3A_1063 : i32 to index
        %get3A_1066 = arith.constant 16 : index
        %get3A_1067 = tpu.vector_load %arg10[%get3A_1064, %get3A_1065, %get3A_1066] {strides = array<i32>} : memref<2x640x64xf32, #tpu.memory_space<vmem>>, vector<16xf32>,
        %add3A_1068 = arith.addf %add3A_1032, %get3A_1067 : vector<16xf32>
        %mul3A_1069 = arith.constant 20 : i32
        %mul3A_1070 = arith.muli %scan3A_881, %mul3A_1069 : i32
        %add3A_1071 = arith.constant 5 : i32
        %add3A_1072 = arith.addi %mul3A_1070, %add3A_1071 : i32
        %get3A_1073 = arith.index_cast %rem3A_100 : i32 to index
        %get3A_1074 = arith.index_cast %add3A_1072 : i32 to index
        %get3A_1075 = arith.constant 32 : index
        %get3A_1076 = tpu.vector_load %arg10[%get3A_1073, %get3A_1074, %get3A_1075] {strides = array<i32>} : memref<2x640x64xf32, #tpu.memory_space<vmem>>, vector<16xf32>,
        %add3A_1077 = arith.addf %add3A_1041, %get3A_1076 : vector<16xf32>
        %mul3A_1078 = arith.constant 20 : i32
        %mul3A_1079 = arith.muli %scan3A_881, %mul3A_1078 : i32
        %add3A_1080 = arith.constant 5 : i32
        %add3A_1081 = arith.addi %mul3A_1079, %add3A_1080 : i32
        %get3A_1082 = arith.index_cast %rem3A_100 : i32 to index
        %get3A_1083 = arith.index_cast %add3A_1081 : i32 to index
        %get3A_1084 = arith.constant 48 : index
        %get3A_1085 = tpu.vector_load %arg10[%get3A_1082, %get3A_1083, %get3A_1084] {strides = array<i32>} : memref<2x640x64xf32, #tpu.memory_space<vmem>>, vector<16xf32>,
        %add3A_1086 = arith.addf %add3A_1050, %get3A_1085 : vector<16xf32>
        %mul3A_1087 = arith.constant 20 : i32
        %mul3A_1088 = arith.muli %scan3A_881, %mul3A_1087 : i32
        %add3A_1089 = arith.constant 6 : i32
        %add3A_1090 = arith.addi %mul3A_1088, %add3A_1089 : i32
        %get3A_1091 = arith.index_cast %rem3A_100 : i32 to index
        %get3A_1092 = arith.index_cast %add3A_1090 : i32 to index
        %get3A_1093 = arith.constant 0 : index
        %get3A_1094 = tpu.vector_load %arg10[%get3A_1091, %get3A_1092, %get3A_1093] {strides = array<i32>} : memref<2x640x64xf32, #tpu.memory_space<vmem>>, vector<16xf32>,
        %add3A_1095 = arith.addf %add3A_1059, %get3A_1094 : vector<16xf32>
        %mul3A_1096 = arith.constant 20 : i32
        %mul3A_1097 = arith.muli %scan3A_881, %mul3A_1096 : i32
        %add3A_1098 = arith.constant 6 : i32
        %add3A_1099 = arith.addi %mul3A_1097, %add3A_1098 : i32
        %get3A_1100 = arith.index_cast %rem3A_100 : i32 to index
        %get3A_1101 = arith.index_cast %add3A_1099 : i32 to index
        %get3A_1102 = arith.constant 16 : index
        %get3A_1103 = tpu.vector_load %arg10[%get3A_1100, %get3A_1101, %get3A_1102] {strides = array<i32>} : memref<2x640x64xf32, #tpu.memory_space<vmem>>, vector<16xf32>,
        %add3A_1104 = arith.addf %add3A_1068, %get3A_1103 : vector<16xf32>
        %mul3A_1105 = arith.constant 20 : i32
        %mul3A_1106 = arith.muli %scan3A_881, %mul3A_1105 : i32
        %add3A_1107 = arith.constant 6 : i32
        %add3A_1108 = arith.addi %mul3A_1106, %add3A_1107 : i32
        %get3A_1109 = arith.index_cast %rem3A_100 : i32 to index
        %get3A_1110 = arith.index_cast %add3A_1108 : i32 to index
        %get3A_1111 = arith.constant 32 : index
        %get3A_1112 = tpu.vector_load %arg10[%get3A_1109, %get3A_1110, %get3A_1111] {strides = array<i32>} : memref<2x640x64xf32, #tpu.memory_space<vmem>>, vector<16xf32>,
        %add3A_1113 = arith.addf %add3A_1077, %get3A_1112 : vector<16xf32>
        %mul3A_1114 = arith.constant 20 : i32
        %mul3A_1115 = arith.muli %scan3A_881, %mul3A_1114 : i32
        %add3A_1116 = arith.constant 6 : i32
        %add3A_1117 = arith.addi %mul3A_1115, %add3A_1116 : i32
        %get3A_1118 = arith.index_cast %rem3A_100 : i32 to index
        %get3A_1119 = arith.index_cast %add3A_1117 : i32 to index
        %get3A_1120 = arith.constant 48 : index
        %get3A_1121 = tpu.vector_load %arg10[%get3A_1118, %get3A_1119, %get3A_1120] {strides = array<i32>} : memref<2x640x64xf32, #tpu.memory_space<vmem>>, vector<16xf32>,
        %add3A_1122 = arith.addf %add3A_1086, %get3A_1121 : vector<16xf32>
        %mul3A_1123 = arith.constant 20 : i32
        %mul3A_1124 = arith.muli %scan3A_881, %mul3A_1123 : i32
        %add3A_1125 = arith.constant 7 : i32
        %add3A_1126 = arith.addi %mul3A_1124, %add3A_1125 : i32
        %get3A_1127 = arith.index_cast %rem3A_100 : i32 to index
        %get3A_1128 = arith.index_cast %add3A_1126 : i32 to index
        %get3A_1129 = arith.constant 0 : index
        %get3A_1130 = tpu.vector_load %arg10[%get3A_1127, %get3A_1128, %get3A_1129] {strides = array<i32>} : memref<2x640x64xf32, #tpu.memory_space<vmem>>, vector<16xf32>,
        %add3A_1131 = arith.addf %add3A_1095, %get3A_1130 : vector<16xf32>
        %mul3A_1132 = arith.constant 20 : i32
        %mul3A_1133 = arith.muli %scan3A_881, %mul3A_1132 : i32
        %add3A_1134 = arith.constant 7 : i32
        %add3A_1135 = arith.addi %mul3A_1133, %add3A_1134 : i32
        %get3A_1136 = arith.index_cast %rem3A_100 : i32 to index
        %get3A_1137 = arith.index_cast %add3A_1135 : i32 to index
        %get3A_1138 = arith.constant 16 : index
        %get3A_1139 = tpu.vector_load %arg10[%get3A_1136, %get3A_1137, %get3A_1138] {strides = array<i32>} : memref<2x640x64xf32, #tpu.memory_space<vmem>>, vector<16xf32>,
        %add3A_1140 = arith.addf %add3A_1104, %get3A_1139 : vector<16xf32>
        %mul3A_1141 = arith.constant 20 : i32
        %mul3A_1142 = arith.muli %scan3A_881, %mul3A_1141 : i32
        %add3A_1143 = arith.constant 7 : i32
        %add3A_1144 = arith.addi %mul3A_1142, %add3A_1143 : i32
        %get3A_1145 = arith.index_cast %rem3A_100 : i32 to index
        %get3A_1146 = arith.index_cast %add3A_1144 : i32 to index
        %get3A_1147 = arith.constant 32 : index
        %get3A_1148 = tpu.vector_load %arg10[%get3A_1145, %get3A_1146, %get3A_1147] {strides = array<i32>} : memref<2x640x64xf32, #tpu.memory_space<vmem>>, vector<16xf32>,
        %add3A_1149 = arith.addf %add3A_1113, %get3A_1148 : vector<16xf32>
        %mul3A_1150 = arith.constant 20 : i32
        %mul3A_1151 = arith.muli %scan3A_881, %mul3A_1150 : i32
        %add3A_1152 = arith.constant 7 : i32
        %add3A_1153 = arith.addi %mul3A_1151, %add3A_1152 : i32
        %get3A_1154 = arith.index_cast %rem3A_100 : i32 to index
        %get3A_1155 = arith.index_cast %add3A_1153 : i32 to index
        %get3A_1156 = arith.constant 48 : index
        %get3A_1157 = tpu.vector_load %arg10[%get3A_1154, %get3A_1155, %get3A_1156] {strides = array<i32>} : memref<2x640x64xf32, #tpu.memory_space<vmem>>, vector<16xf32>,
        %add3A_1158 = arith.addf %add3A_1122, %get3A_1157 : vector<16xf32>
        %mul3A_1159 = arith.constant 20 : i32
        %mul3A_1160 = arith.muli %scan3A_881, %mul3A_1159 : i32
        %add3A_1161 = arith.constant 8 : i32
        %add3A_1162 = arith.addi %mul3A_1160, %add3A_1161 : i32
        %get3A_1163 = arith.index_cast %rem3A_100 : i32 to index
        %get3A_1164 = arith.index_cast %add3A_1162 : i32 to index
        %get3A_1165 = arith.constant 0 : index
        %get3A_1166 = tpu.vector_load %arg10[%get3A_1163, %get3A_1164, %get3A_1165] {strides = array<i32>} : memref<2x640x64xf32, #tpu.memory_space<vmem>>, vector<16xf32>,
        %add3A_1167 = arith.addf %add3A_1131, %get3A_1166 : vector<16xf32>
        %mul3A_1168 = arith.constant 20 : i32
        %mul3A_1169 = arith.muli %scan3A_881, %mul3A_1168 : i32
        %add3A_1170 = arith.constant 8 : i32
        %add3A_1171 = arith.addi %mul3A_1169, %add3A_1170 : i32
        %get3A_1172 = arith.index_cast %rem3A_100 : i32 to index
        %get3A_1173 = arith.index_cast %add3A_1171 : i32 to index
        %get3A_1174 = arith.constant 16 : index
        %get3A_1175 = tpu.vector_load %arg10[%get3A_1172, %get3A_1173, %get3A_1174] {strides = array<i32>} : memref<2x640x64xf32, #tpu.memory_space<vmem>>, vector<16xf32>,
        %add3A_1176 = arith.addf %add3A_1140, %get3A_1175 : vector<16xf32>
        %mul3A_1177 = arith.constant 20 : i32
        %mul3A_1178 = arith.muli %scan3A_881, %mul3A_1177 : i32
        %add3A_1179 = arith.constant 8 : i32
        %add3A_1180 = arith.addi %mul3A_1178, %add3A_1179 : i32
        %get3A_1181 = arith.index_cast %rem3A_100 : i32 to index
        %get3A_1182 = arith.index_cast %add3A_1180 : i32 to index
        %get3A_1183 = arith.constant 32 : index
        %get3A_1184 = tpu.vector_load %arg10[%get3A_1181, %get3A_1182, %get3A_1183] {strides = array<i32>} : memref<2x640x64xf32, #tpu.memory_space<vmem>>, vector<16xf32>,
        %add3A_1185 = arith.addf %add3A_1149, %get3A_1184 : vector<16xf32>
        %mul3A_1186 = arith.constant 20 : i32
        %mul3A_1187 = arith.muli %scan3A_881, %mul3A_1186 : i32
        %add3A_1188 = arith.constant 8 : i32
        %add3A_1189 = arith.addi %mul3A_1187, %add3A_1188 : i32
        %get3A_1190 = arith.index_cast %rem3A_100 : i32 to index
        %get3A_1191 = arith.index_cast %add3A_1189 : i32 to index
        %get3A_1192 = arith.constant 48 : index
        %get3A_1193 = tpu.vector_load %arg10[%get3A_1190, %get3A_1191, %get3A_1192] {strides = array<i32>} : memref<2x640x64xf32, #tpu.memory_space<vmem>>, vector<16xf32>,
        %add3A_1194 = arith.addf %add3A_1158, %get3A_1193 : vector<16xf32>
        %mul3A_1195 = arith.constant 20 : i32
        %mul3A_1196 = arith.muli %scan3A_881, %mul3A_1195 : i32
        %add3A_1197 = arith.constant 9 : i32
        %add3A_1198 = arith.addi %mul3A_1196, %add3A_1197 : i32
        %get3A_1199 = arith.index_cast %rem3A_100 : i32 to index
        %get3A_1200 = arith.index_cast %add3A_1198 : i32 to index
        %get3A_1201 = arith.constant 0 : index
        %get3A_1202 = tpu.vector_load %arg10[%get3A_1199, %get3A_1200, %get3A_1201] {strides = array<i32>} : memref<2x640x64xf32, #tpu.memory_space<vmem>>, vector<16xf32>,
        %add3A_1203 = arith.addf %add3A_1167, %get3A_1202 : vector<16xf32>
        %mul3A_1204 = arith.constant 20 : i32
        %mul3A_1205 = arith.muli %scan3A_881, %mul3A_1204 : i32
        %add3A_1206 = arith.constant 9 : i32
        %add3A_1207 = arith.addi %mul3A_1205, %add3A_1206 : i32
        %get3A_1208 = arith.index_cast %rem3A_100 : i32 to index
        %get3A_1209 = arith.index_cast %add3A_1207 : i32 to index
        %get3A_1210 = arith.constant 16 : index
        %get3A_1211 = tpu.vector_load %arg10[%get3A_1208, %get3A_1209, %get3A_1210] {strides = array<i32>} : memref<2x640x64xf32, #tpu.memory_space<vmem>>, vector<16xf32>,
        %add3A_1212 = arith.addf %add3A_1176, %get3A_1211 : vector<16xf32>
        %mul3A_1213 = arith.constant 20 : i32
        %mul3A_1214 = arith.muli %scan3A_881, %mul3A_1213 : i32
        %add3A_1215 = arith.constant 9 : i32
        %add3A_1216 = arith.addi %mul3A_1214, %add3A_1215 : i32
        %get3A_1217 = arith.index_cast %rem3A_100 : i32 to index
        %get3A_1218 = arith.index_cast %add3A_1216 : i32 to index
        %get3A_1219 = arith.constant 32 : index
        %get3A_1220 = tpu.vector_load %arg10[%get3A_1217, %get3A_1218, %get3A_1219] {strides = array<i32>} : memref<2x640x64xf32, #tpu.memory_space<vmem>>, vector<16xf32>,
        %add3A_1221 = arith.addf %add3A_1185, %get3A_1220 : vector<16xf32>
        %mul3A_1222 = arith.constant 20 : i32
        %mul3A_1223 = arith.muli %scan3A_881, %mul3A_1222 : i32
        %add3A_1224 = arith.constant 9 : i32
        %add3A_1225 = arith.addi %mul3A_1223, %add3A_1224 : i32
        %get3A_1226 = arith.index_cast %rem3A_100 : i32 to index
        %get3A_1227 = arith.index_cast %add3A_1225 : i32 to index
        %get3A_1228 = arith.constant 48 : index
        %get3A_1229 = tpu.vector_load %arg10[%get3A_1226, %get3A_1227, %get3A_1228] {strides = array<i32>} : memref<2x640x64xf32, #tpu.memory_space<vmem>>, vector<16xf32>,
        %add3A_1230 = arith.addf %add3A_1194, %get3A_1229 : vector<16xf32>
        %mul3A_1231 = arith.constant 20 : i32
        %mul3A_1232 = arith.muli %scan3A_881, %mul3A_1231 : i32
        %add3A_1233 = arith.constant 10 : i32
        %add3A_1234 = arith.addi %mul3A_1232, %add3A_1233 : i32
        %get3A_1235 = arith.index_cast %rem3A_100 : i32 to index
        %get3A_1236 = arith.index_cast %add3A_1234 : i32 to index
        %get3A_1237 = arith.constant 0 : index
        %get3A_1238 = tpu.vector_load %arg10[%get3A_1235, %get3A_1236, %get3A_1237] {strides = array<i32>} : memref<2x640x64xf32, #tpu.memory_space<vmem>>, vector<16xf32>,
        %add3A_1239 = arith.addf %add3A_1203, %get3A_1238 : vector<16xf32>
        %mul3A_1240 = arith.constant 20 : i32
        %mul3A_1241 = arith.muli %scan3A_881, %mul3A_1240 : i32
        %add3A_1242 = arith.constant 10 : i32
        %add3A_1243 = arith.addi %mul3A_1241, %add3A_1242 : i32
        %get3A_1244 = arith.index_cast %rem3A_100 : i32 to index
        %get3A_1245 = arith.index_cast %add3A_1243 : i32 to index
        %get3A_1246 = arith.constant 16 : index
        %get3A_1247 = tpu.vector_load %arg10[%get3A_1244, %get3A_1245, %get3A_1246] {strides = array<i32>} : memref<2x640x64xf32, #tpu.memory_space<vmem>>, vector<16xf32>,
        %add3A_1248 = arith.addf %add3A_1212, %get3A_1247 : vector<16xf32>
        %mul3A_1249 = arith.constant 20 : i32
        %mul3A_1250 = arith.muli %scan3A_881, %mul3A_1249 : i32
        %add3A_1251 = arith.constant 10 : i32
        %add3A_1252 = arith.addi %mul3A_1250, %add3A_1251 : i32
        %get3A_1253 = arith.index_cast %rem3A_100 : i32 to index
        %get3A_1254 = arith.index_cast %add3A_1252 : i32 to index
        %get3A_1255 = arith.constant 32 : index
        %get3A_1256 = tpu.vector_load %arg10[%get3A_1253, %get3A_1254, %get3A_1255] {strides = array<i32>} : memref<2x640x64xf32, #tpu.memory_space<vmem>>, vector<16xf32>,
        %add3A_1257 = arith.addf %add3A_1221, %get3A_1256 : vector<16xf32>
        %mul3A_1258 = arith.constant 20 : i32
        %mul3A_1259 = arith.muli %scan3A_881, %mul3A_1258 : i32
        %add3A_1260 = arith.constant 10 : i32
        %add3A_1261 = arith.addi %mul3A_1259, %add3A_1260 : i32
        %get3A_1262 = arith.index_cast %rem3A_100 : i32 to index
        %get3A_1263 = arith.index_cast %add3A_1261 : i32 to index
        %get3A_1264 = arith.constant 48 : index
        %get3A_1265 = tpu.vector_load %arg10[%get3A_1262, %get3A_1263, %get3A_1264] {strides = array<i32>} : memref<2x640x64xf32, #tpu.memory_space<vmem>>, vector<16xf32>,
        %add3A_1266 = arith.addf %add3A_1230, %get3A_1265 : vector<16xf32>
        %mul3A_1267 = arith.constant 20 : i32
        %mul3A_1268 = arith.muli %scan3A_881, %mul3A_1267 : i32
        %add3A_1269 = arith.constant 11 : i32
        %add3A_1270 = arith.addi %mul3A_1268, %add3A_1269 : i32
        %get3A_1271 = arith.index_cast %rem3A_100 : i32 to index
        %get3A_1272 = arith.index_cast %add3A_1270 : i32 to index
        %get3A_1273 = arith.constant 0 : index
        %get3A_1274 = tpu.vector_load %arg10[%get3A_1271, %get3A_1272, %get3A_1273] {strides = array<i32>} : memref<2x640x64xf32, #tpu.memory_space<vmem>>, vector<16xf32>,
        %add3A_1275 = arith.addf %add3A_1239, %get3A_1274 : vector<16xf32>
        %mul3A_1276 = arith.constant 20 : i32
        %mul3A_1277 = arith.muli %scan3A_881, %mul3A_1276 : i32
        %add3A_1278 = arith.constant 11 : i32
        %add3A_1279 = arith.addi %mul3A_1277, %add3A_1278 : i32
        %get3A_1280 = arith.index_cast %rem3A_100 : i32 to index
        %get3A_1281 = arith.index_cast %add3A_1279 : i32 to index
        %get3A_1282 = arith.constant 16 : index
        %get3A_1283 = tpu.vector_load %arg10[%get3A_1280, %get3A_1281, %get3A_1282] {strides = array<i32>} : memref<2x640x64xf32, #tpu.memory_space<vmem>>, vector<16xf32>,
        %add3A_1284 = arith.addf %add3A_1248, %get3A_1283 : vector<16xf32>
        %mul3A_1285 = arith.constant 20 : i32
        %mul3A_1286 = arith.muli %scan3A_881, %mul3A_1285 : i32
        %add3A_1287 = arith.constant 11 : i32
        %add3A_1288 = arith.addi %mul3A_1286, %add3A_1287 : i32
        %get3A_1289 = arith.index_cast %rem3A_100 : i32 to index
        %get3A_1290 = arith.index_cast %add3A_1288 : i32 to index
        %get3A_1291 = arith.constant 32 : index
        %get3A_1292 = tpu.vector_load %arg10[%get3A_1289, %get3A_1290, %get3A_1291] {strides = array<i32>} : memref<2x640x64xf32, #tpu.memory_space<vmem>>, vector<16xf32>,
        %add3A_1293 = arith.addf %add3A_1257, %get3A_1292 : vector<16xf32>
        %mul3A_1294 = arith.constant 20 : i32
        %mul3A_1295 = arith.muli %scan3A_881, %mul3A_1294 : i32
        %add3A_1296 = arith.constant 11 : i32
        %add3A_1297 = arith.addi %mul3A_1295, %add3A_1296 : i32
        %get3A_1298 = arith.index_cast %rem3A_100 : i32 to index
        %get3A_1299 = arith.index_cast %add3A_1297 : i32 to index
        %get3A_1300 = arith.constant 48 : index
        %get3A_1301 = tpu.vector_load %arg10[%get3A_1298, %get3A_1299, %get3A_1300] {strides = array<i32>} : memref<2x640x64xf32, #tpu.memory_space<vmem>>, vector<16xf32>,
        %add3A_1302 = arith.addf %add3A_1266, %get3A_1301 : vector<16xf32>
        %mul3A_1303 = arith.constant 20 : i32
        %mul3A_1304 = arith.muli %scan3A_881, %mul3A_1303 : i32
        %add3A_1305 = arith.constant 12 : i32
        %add3A_1306 = arith.addi %mul3A_1304, %add3A_1305 : i32
        %get3A_1307 = arith.index_cast %rem3A_100 : i32 to index
        %get3A_1308 = arith.index_cast %add3A_1306 : i32 to index
        %get3A_1309 = arith.constant 0 : index
        %get3A_1310 = tpu.vector_load %arg10[%get3A_1307, %get3A_1308, %get3A_1309] {strides = array<i32>} : memref<2x640x64xf32, #tpu.memory_space<vmem>>, vector<16xf32>,
        %add3A_1311 = arith.addf %add3A_1275, %get3A_1310 : vector<16xf32>
        %mul3A_1312 = arith.constant 20 : i32
        %mul3A_1313 = arith.muli %scan3A_881, %mul3A_1312 : i32
        %add3A_1314 = arith.constant 12 : i32
        %add3A_1315 = arith.addi %mul3A_1313, %add3A_1314 : i32
        %get3A_1316 = arith.index_cast %rem3A_100 : i32 to index
        %get3A_1317 = arith.index_cast %add3A_1315 : i32 to index
        %get3A_1318 = arith.constant 16 : index
        %get3A_1319 = tpu.vector_load %arg10[%get3A_1316, %get3A_1317, %get3A_1318] {strides = array<i32>} : memref<2x640x64xf32, #tpu.memory_space<vmem>>, vector<16xf32>,
        %add3A_1320 = arith.addf %add3A_1284, %get3A_1319 : vector<16xf32>
        %mul3A_1321 = arith.constant 20 : i32
        %mul3A_1322 = arith.muli %scan3A_881, %mul3A_1321 : i32
        %add3A_1323 = arith.constant 12 : i32
        %add3A_1324 = arith.addi %mul3A_1322, %add3A_1323 : i32
        %get3A_1325 = arith.index_cast %rem3A_100 : i32 to index
        %get3A_1326 = arith.index_cast %add3A_1324 : i32 to index
        %get3A_1327 = arith.constant 32 : index
        %get3A_1328 = tpu.vector_load %arg10[%get3A_1325, %get3A_1326, %get3A_1327] {strides = array<i32>} : memref<2x640x64xf32, #tpu.memory_space<vmem>>, vector<16xf32>,
        %add3A_1329 = arith.addf %add3A_1293, %get3A_1328 : vector<16xf32>
        %mul3A_1330 = arith.constant 20 : i32
        %mul3A_1331 = arith.muli %scan3A_881, %mul3A_1330 : i32
        %add3A_1332 = arith.constant 12 : i32
        %add3A_1333 = arith.addi %mul3A_1331, %add3A_1332 : i32
        %get3A_1334 = arith.index_cast %rem3A_100 : i32 to index
        %get3A_1335 = arith.index_cast %add3A_1333 : i32 to index
        %get3A_1336 = arith.constant 48 : index
        %get3A_1337 = tpu.vector_load %arg10[%get3A_1334, %get3A_1335, %get3A_1336] {strides = array<i32>} : memref<2x640x64xf32, #tpu.memory_space<vmem>>, vector<16xf32>,
        %add3A_1338 = arith.addf %add3A_1302, %get3A_1337 : vector<16xf32>
        %mul3A_1339 = arith.constant 20 : i32
        %mul3A_1340 = arith.muli %scan3A_881, %mul3A_1339 : i32
        %add3A_1341 = arith.constant 13 : i32
        %add3A_1342 = arith.addi %mul3A_1340, %add3A_1341 : i32
        %get3A_1343 = arith.index_cast %rem3A_100 : i32 to index
        %get3A_1344 = arith.index_cast %add3A_1342 : i32 to index
        %get3A_1345 = arith.constant 0 : index
        %get3A_1346 = tpu.vector_load %arg10[%get3A_1343, %get3A_1344, %get3A_1345] {strides = array<i32>} : memref<2x640x64xf32, #tpu.memory_space<vmem>>, vector<16xf32>,
        %add3A_1347 = arith.addf %add3A_1311, %get3A_1346 : vector<16xf32>
        %mul3A_1348 = arith.constant 20 : i32
        %mul3A_1349 = arith.muli %scan3A_881, %mul3A_1348 : i32
        %add3A_1350 = arith.constant 13 : i32
        %add3A_1351 = arith.addi %mul3A_1349, %add3A_1350 : i32
        %get3A_1352 = arith.index_cast %rem3A_100 : i32 to index
        %get3A_1353 = arith.index_cast %add3A_1351 : i32 to index
        %get3A_1354 = arith.constant 16 : index
        %get3A_1355 = tpu.vector_load %arg10[%get3A_1352, %get3A_1353, %get3A_1354] {strides = array<i32>} : memref<2x640x64xf32, #tpu.memory_space<vmem>>, vector<16xf32>,
        %add3A_1356 = arith.addf %add3A_1320, %get3A_1355 : vector<16xf32>
        %mul3A_1357 = arith.constant 20 : i32
        %mul3A_1358 = arith.muli %scan3A_881, %mul3A_1357 : i32
        %add3A_1359 = arith.constant 13 : i32
        %add3A_1360 = arith.addi %mul3A_1358, %add3A_1359 : i32
        %get3A_1361 = arith.index_cast %rem3A_100 : i32 to index
        %get3A_1362 = arith.index_cast %add3A_1360 : i32 to index
        %get3A_1363 = arith.constant 32 : index
        %get3A_1364 = tpu.vector_load %arg10[%get3A_1361, %get3A_1362, %get3A_1363] {strides = array<i32>} : memref<2x640x64xf32, #tpu.memory_space<vmem>>, vector<16xf32>,
        %add3A_1365 = arith.addf %add3A_1329, %get3A_1364 : vector<16xf32>
        %mul3A_1366 = arith.constant 20 : i32
        %mul3A_1367 = arith.muli %scan3A_881, %mul3A_1366 : i32
        %add3A_1368 = arith.constant 13 : i32
        %add3A_1369 = arith.addi %mul3A_1367, %add3A_1368 : i32
        %get3A_1370 = arith.index_cast %rem3A_100 : i32 to index
        %get3A_1371 = arith.index_cast %add3A_1369 : i32 to index
        %get3A_1372 = arith.constant 48 : index
        %get3A_1373 = tpu.vector_load %arg10[%get3A_1370, %get3A_1371, %get3A_1372] {strides = array<i32>} : memref<2x640x64xf32, #tpu.memory_space<vmem>>, vector<16xf32>,
        %add3A_1374 = arith.addf %add3A_1338, %get3A_1373 : vector<16xf32>
        %mul3A_1375 = arith.constant 20 : i32
        %mul3A_1376 = arith.muli %scan3A_881, %mul3A_1375 : i32
        %add3A_1377 = arith.constant 14 : i32
        %add3A_1378 = arith.addi %mul3A_1376, %add3A_1377 : i32
        %get3A_1379 = arith.index_cast %rem3A_100 : i32 to index
        %get3A_1380 = arith.index_cast %add3A_1378 : i32 to index
        %get3A_1381 = arith.constant 0 : index
        %get3A_1382 = tpu.vector_load %arg10[%get3A_1379, %get3A_1380, %get3A_1381] {strides = array<i32>} : memref<2x640x64xf32, #tpu.memory_space<vmem>>, vector<16xf32>,
        %add3A_1383 = arith.addf %add3A_1347, %get3A_1382 : vector<16xf32>
        %mul3A_1384 = arith.constant 20 : i32
        %mul3A_1385 = arith.muli %scan3A_881, %mul3A_1384 : i32
        %add3A_1386 = arith.constant 14 : i32
        %add3A_1387 = arith.addi %mul3A_1385, %add3A_1386 : i32
        %get3A_1388 = arith.index_cast %rem3A_100 : i32 to index
        %get3A_1389 = arith.index_cast %add3A_1387 : i32 to index
        %get3A_1390 = arith.constant 16 : index
        %get3A_1391 = tpu.vector_load %arg10[%get3A_1388, %get3A_1389, %get3A_1390] {strides = array<i32>} : memref<2x640x64xf32, #tpu.memory_space<vmem>>, vector<16xf32>,
        %add3A_1392 = arith.addf %add3A_1356, %get3A_1391 : vector<16xf32>
        %mul3A_1393 = arith.constant 20 : i32
        %mul3A_1394 = arith.muli %scan3A_881, %mul3A_1393 : i32
        %add3A_1395 = arith.constant 14 : i32
        %add3A_1396 = arith.addi %mul3A_1394, %add3A_1395 : i32
        %get3A_1397 = arith.index_cast %rem3A_100 : i32 to index
        %get3A_1398 = arith.index_cast %add3A_1396 : i32 to index
        %get3A_1399 = arith.constant 32 : index
        %get3A_1400 = tpu.vector_load %arg10[%get3A_1397, %get3A_1398, %get3A_1399] {strides = array<i32>} : memref<2x640x64xf32, #tpu.memory_space<vmem>>, vector<16xf32>,
        %add3A_1401 = arith.addf %add3A_1365, %get3A_1400 : vector<16xf32>
        %mul3A_1402 = arith.constant 20 : i32
        %mul3A_1403 = arith.muli %scan3A_881, %mul3A_1402 : i32
        %add3A_1404 = arith.constant 14 : i32
        %add3A_1405 = arith.addi %mul3A_1403, %add3A_1404 : i32
        %get3A_1406 = arith.index_cast %rem3A_100 : i32 to index
        %get3A_1407 = arith.index_cast %add3A_1405 : i32 to index
        %get3A_1408 = arith.constant 48 : index
        %get3A_1409 = tpu.vector_load %arg10[%get3A_1406, %get3A_1407, %get3A_1408] {strides = array<i32>} : memref<2x640x64xf32, #tpu.memory_space<vmem>>, vector<16xf32>,
        %add3A_1410 = arith.addf %add3A_1374, %get3A_1409 : vector<16xf32>
        %mul3A_1411 = arith.constant 20 : i32
        %mul3A_1412 = arith.muli %scan3A_881, %mul3A_1411 : i32
        %add3A_1413 = arith.constant 15 : i32
        %add3A_1414 = arith.addi %mul3A_1412, %add3A_1413 : i32
        %get3A_1415 = arith.index_cast %rem3A_100 : i32 to index
        %get3A_1416 = arith.index_cast %add3A_1414 : i32 to index
        %get3A_1417 = arith.constant 0 : index
        %get3A_1418 = tpu.vector_load %arg10[%get3A_1415, %get3A_1416, %get3A_1417] {strides = array<i32>} : memref<2x640x64xf32, #tpu.memory_space<vmem>>, vector<16xf32>,
        %add3A_1419 = arith.addf %add3A_1383, %get3A_1418 : vector<16xf32>
        %mul3A_1420 = arith.constant 20 : i32
        %mul3A_1421 = arith.muli %scan3A_881, %mul3A_1420 : i32
        %add3A_1422 = arith.constant 15 : i32
        %add3A_1423 = arith.addi %mul3A_1421, %add3A_1422 : i32
        %get3A_1424 = arith.index_cast %rem3A_100 : i32 to index
        %get3A_1425 = arith.index_cast %add3A_1423 : i32 to index
        %get3A_1426 = arith.constant 16 : index
        %get3A_1427 = tpu.vector_load %arg10[%get3A_1424, %get3A_1425, %get3A_1426] {strides = array<i32>} : memref<2x640x64xf32, #tpu.memory_space<vmem>>, vector<16xf32>,
        %add3A_1428 = arith.addf %add3A_1392, %get3A_1427 : vector<16xf32>
        %mul3A_1429 = arith.constant 20 : i32
        %mul3A_1430 = arith.muli %scan3A_881, %mul3A_1429 : i32
        %add3A_1431 = arith.constant 15 : i32
        %add3A_1432 = arith.addi %mul3A_1430, %add3A_1431 : i32
        %get3A_1433 = arith.index_cast %rem3A_100 : i32 to index
        %get3A_1434 = arith.index_cast %add3A_1432 : i32 to index
        %get3A_1435 = arith.constant 32 : index
        %get3A_1436 = tpu.vector_load %arg10[%get3A_1433, %get3A_1434, %get3A_1435] {strides = array<i32>} : memref<2x640x64xf32, #tpu.memory_space<vmem>>, vector<16xf32>,
        %add3A_1437 = arith.addf %add3A_1401, %get3A_1436 : vector<16xf32>
        %mul3A_1438 = arith.constant 20 : i32
        %mul3A_1439 = arith.muli %scan3A_881, %mul3A_1438 : i32
        %add3A_1440 = arith.constant 15 : i32
        %add3A_1441 = arith.addi %mul3A_1439, %add3A_1440 : i32
        %get3A_1442 = arith.index_cast %rem3A_100 : i32 to index
        %get3A_1443 = arith.index_cast %add3A_1441 : i32 to index
        %get3A_1444 = arith.constant 48 : index
        %get3A_1445 = tpu.vector_load %arg10[%get3A_1442, %get3A_1443, %get3A_1444] {strides = array<i32>} : memref<2x640x64xf32, #tpu.memory_space<vmem>>, vector<16xf32>,
        %add3A_1446 = arith.addf %add3A_1410, %get3A_1445 : vector<16xf32>
        %mul3A_1447 = arith.constant 20 : i32
        %mul3A_1448 = arith.muli %scan3A_881, %mul3A_1447 : i32
        %add3A_1449 = arith.constant 16 : i32
        %add3A_1450 = arith.addi %mul3A_1448, %add3A_1449 : i32
        %get3A_1451 = arith.index_cast %rem3A_100 : i32 to index
        %get3A_1452 = arith.index_cast %add3A_1450 : i32 to index
        %get3A_1453 = arith.constant 0 : index
        %get3A_1454 = tpu.vector_load %arg10[%get3A_1451, %get3A_1452, %get3A_1453] {strides = array<i32>} : memref<2x640x64xf32, #tpu.memory_space<vmem>>, vector<16xf32>,
        %add3A_1455 = arith.addf %add3A_1419, %get3A_1454 : vector<16xf32>
        %mul3A_1456 = arith.constant 20 : i32
        %mul3A_1457 = arith.muli %scan3A_881, %mul3A_1456 : i32
        %add3A_1458 = arith.constant 16 : i32
        %add3A_1459 = arith.addi %mul3A_1457, %add3A_1458 : i32
        %get3A_1460 = arith.index_cast %rem3A_100 : i32 to index
        %get3A_1461 = arith.index_cast %add3A_1459 : i32 to index
        %get3A_1462 = arith.constant 16 : index
        %get3A_1463 = tpu.vector_load %arg10[%get3A_1460, %get3A_1461, %get3A_1462] {strides = array<i32>} : memref<2x640x64xf32, #tpu.memory_space<vmem>>, vector<16xf32>,
        %add3A_1464 = arith.addf %add3A_1428, %get3A_1463 : vector<16xf32>
        %mul3A_1465 = arith.constant 20 : i32
        %mul3A_1466 = arith.muli %scan3A_881, %mul3A_1465 : i32
        %add3A_1467 = arith.constant 16 : i32
        %add3A_1468 = arith.addi %mul3A_1466, %add3A_1467 : i32
        %get3A_1469 = arith.index_cast %rem3A_100 : i32 to index
        %get3A_1470 = arith.index_cast %add3A_1468 : i32 to index
        %get3A_1471 = arith.constant 32 : index
        %get3A_1472 = tpu.vector_load %arg10[%get3A_1469, %get3A_1470, %get3A_1471] {strides = array<i32>} : memref<2x640x64xf32, #tpu.memory_space<vmem>>, vector<16xf32>,
        %add3A_1473 = arith.addf %add3A_1437, %get3A_1472 : vector<16xf32>
        %mul3A_1474 = arith.constant 20 : i32
        %mul3A_1475 = arith.muli %scan3A_881, %mul3A_1474 : i32
        %add3A_1476 = arith.constant 16 : i32
        %add3A_1477 = arith.addi %mul3A_1475, %add3A_1476 : i32
        %get3A_1478 = arith.index_cast %rem3A_100 : i32 to index
        %get3A_1479 = arith.index_cast %add3A_1477 : i32 to index
        %get3A_1480 = arith.constant 48 : index
        %get3A_1481 = tpu.vector_load %arg10[%get3A_1478, %get3A_1479, %get3A_1480] {strides = array<i32>} : memref<2x640x64xf32, #tpu.memory_space<vmem>>, vector<16xf32>,
        %add3A_1482 = arith.addf %add3A_1446, %get3A_1481 : vector<16xf32>
        %mul3A_1483 = arith.constant 20 : i32
        %mul3A_1484 = arith.muli %scan3A_881, %mul3A_1483 : i32
        %add3A_1485 = arith.constant 17 : i32
        %add3A_1486 = arith.addi %mul3A_1484, %add3A_1485 : i32
        %get3A_1487 = arith.index_cast %rem3A_100 : i32 to index
        %get3A_1488 = arith.index_cast %add3A_1486 : i32 to index
        %get3A_1489 = arith.constant 0 : index
        %get3A_1490 = tpu.vector_load %arg10[%get3A_1487, %get3A_1488, %get3A_1489] {strides = array<i32>} : memref<2x640x64xf32, #tpu.memory_space<vmem>>, vector<16xf32>,
        %add3A_1491 = arith.addf %add3A_1455, %get3A_1490 : vector<16xf32>
        %mul3A_1492 = arith.constant 20 : i32
        %mul3A_1493 = arith.muli %scan3A_881, %mul3A_1492 : i32
        %add3A_1494 = arith.constant 17 : i32
        %add3A_1495 = arith.addi %mul3A_1493, %add3A_1494 : i32
        %get3A_1496 = arith.index_cast %rem3A_100 : i32 to index
        %get3A_1497 = arith.index_cast %add3A_1495 : i32 to index
        %get3A_1498 = arith.constant 16 : index
        %get3A_1499 = tpu.vector_load %arg10[%get3A_1496, %get3A_1497, %get3A_1498] {strides = array<i32>} : memref<2x640x64xf32, #tpu.memory_space<vmem>>, vector<16xf32>,
        %add3A_1500 = arith.addf %add3A_1464, %get3A_1499 : vector<16xf32>
        %mul3A_1501 = arith.constant 20 : i32
        %mul3A_1502 = arith.muli %scan3A_881, %mul3A_1501 : i32
        %add3A_1503 = arith.constant 17 : i32
        %add3A_1504 = arith.addi %mul3A_1502, %add3A_1503 : i32
        %get3A_1505 = arith.index_cast %rem3A_100 : i32 to index
        %get3A_1506 = arith.index_cast %add3A_1504 : i32 to index
        %get3A_1507 = arith.constant 32 : index
        %get3A_1508 = tpu.vector_load %arg10[%get3A_1505, %get3A_1506, %get3A_1507] {strides = array<i32>} : memref<2x640x64xf32, #tpu.memory_space<vmem>>, vector<16xf32>,
        %add3A_1509 = arith.addf %add3A_1473, %get3A_1508 : vector<16xf32>
        %mul3A_1510 = arith.constant 20 : i32
        %mul3A_1511 = arith.muli %scan3A_881, %mul3A_1510 : i32
        %add3A_1512 = arith.constant 17 : i32
        %add3A_1513 = arith.addi %mul3A_1511, %add3A_1512 : i32
        %get3A_1514 = arith.index_cast %rem3A_100 : i32 to index
        %get3A_1515 = arith.index_cast %add3A_1513 : i32 to index
        %get3A_1516 = arith.constant 48 : index
        %get3A_1517 = tpu.vector_load %arg10[%get3A_1514, %get3A_1515, %get3A_1516] {strides = array<i32>} : memref<2x640x64xf32, #tpu.memory_space<vmem>>, vector<16xf32>,
        %add3A_1518 = arith.addf %add3A_1482, %get3A_1517 : vector<16xf32>
        %mul3A_1519 = arith.constant 20 : i32
        %mul3A_1520 = arith.muli %scan3A_881, %mul3A_1519 : i32
        %add3A_1521 = arith.constant 18 : i32
        %add3A_1522 = arith.addi %mul3A_1520, %add3A_1521 : i32
        %get3A_1523 = arith.index_cast %rem3A_100 : i32 to index
        %get3A_1524 = arith.index_cast %add3A_1522 : i32 to index
        %get3A_1525 = arith.constant 0 : index
        %get3A_1526 = tpu.vector_load %arg10[%get3A_1523, %get3A_1524, %get3A_1525] {strides = array<i32>} : memref<2x640x64xf32, #tpu.memory_space<vmem>>, vector<16xf32>,
        %add3A_1527 = arith.addf %add3A_1491, %get3A_1526 : vector<16xf32>
        %mul3A_1528 = arith.constant 20 : i32
        %mul3A_1529 = arith.muli %scan3A_881, %mul3A_1528 : i32
        %add3A_1530 = arith.constant 18 : i32
        %add3A_1531 = arith.addi %mul3A_1529, %add3A_1530 : i32
        %get3A_1532 = arith.index_cast %rem3A_100 : i32 to index
        %get3A_1533 = arith.index_cast %add3A_1531 : i32 to index
        %get3A_1534 = arith.constant 16 : index
        %get3A_1535 = tpu.vector_load %arg10[%get3A_1532, %get3A_1533, %get3A_1534] {strides = array<i32>} : memref<2x640x64xf32, #tpu.memory_space<vmem>>, vector<16xf32>,
        %add3A_1536 = arith.addf %add3A_1500, %get3A_1535 : vector<16xf32>
        %mul3A_1537 = arith.constant 20 : i32
        %mul3A_1538 = arith.muli %scan3A_881, %mul3A_1537 : i32
        %add3A_1539 = arith.constant 18 : i32
        %add3A_1540 = arith.addi %mul3A_1538, %add3A_1539 : i32
        %get3A_1541 = arith.index_cast %rem3A_100 : i32 to index
        %get3A_1542 = arith.index_cast %add3A_1540 : i32 to index
        %get3A_1543 = arith.constant 32 : index
        %get3A_1544 = tpu.vector_load %arg10[%get3A_1541, %get3A_1542, %get3A_1543] {strides = array<i32>} : memref<2x640x64xf32, #tpu.memory_space<vmem>>, vector<16xf32>,
        %add3A_1545 = arith.addf %add3A_1509, %get3A_1544 : vector<16xf32>
        %mul3A_1546 = arith.constant 20 : i32
        %mul3A_1547 = arith.muli %scan3A_881, %mul3A_1546 : i32
        %add3A_1548 = arith.constant 18 : i32
        %add3A_1549 = arith.addi %mul3A_1547, %add3A_1548 : i32
        %get3A_1550 = arith.index_cast %rem3A_100 : i32 to index
        %get3A_1551 = arith.index_cast %add3A_1549 : i32 to index
        %get3A_1552 = arith.constant 48 : index
        %get3A_1553 = tpu.vector_load %arg10[%get3A_1550, %get3A_1551, %get3A_1552] {strides = array<i32>} : memref<2x640x64xf32, #tpu.memory_space<vmem>>, vector<16xf32>,
        %add3A_1554 = arith.addf %add3A_1518, %get3A_1553 : vector<16xf32>
        %mul3A_1555 = arith.constant 20 : i32
        %mul3A_1556 = arith.muli %scan3A_881, %mul3A_1555 : i32
        %add3A_1557 = arith.constant 19 : i32
        %add3A_1558 = arith.addi %mul3A_1556, %add3A_1557 : i32
        %get3A_1559 = arith.index_cast %rem3A_100 : i32 to index
        %get3A_1560 = arith.index_cast %add3A_1558 : i32 to index
        %get3A_1561 = arith.constant 0 : index
        %get3A_1562 = tpu.vector_load %arg10[%get3A_1559, %get3A_1560, %get3A_1561] {strides = array<i32>} : memref<2x640x64xf32, #tpu.memory_space<vmem>>, vector<16xf32>,
        %add3A_1563 = arith.addf %add3A_1527, %get3A_1562 : vector<16xf32>
        %mul3A_1564 = arith.constant 20 : i32
        %mul3A_1565 = arith.muli %scan3A_881, %mul3A_1564 : i32
        %add3A_1566 = arith.constant 19 : i32
        %add3A_1567 = arith.addi %mul3A_1565, %add3A_1566 : i32
        %get3A_1568 = arith.index_cast %rem3A_100 : i32 to index
        %get3A_1569 = arith.index_cast %add3A_1567 : i32 to index
        %get3A_1570 = arith.constant 16 : index
        %get3A_1571 = tpu.vector_load %arg10[%get3A_1568, %get3A_1569, %get3A_1570] {strides = array<i32>} : memref<2x640x64xf32, #tpu.memory_space<vmem>>, vector<16xf32>,
        %add3A_1572 = arith.addf %add3A_1536, %get3A_1571 : vector<16xf32>
        %mul3A_1573 = arith.constant 20 : i32
        %mul3A_1574 = arith.muli %scan3A_881, %mul3A_1573 : i32
        %add3A_1575 = arith.constant 19 : i32
        %add3A_1576 = arith.addi %mul3A_1574, %add3A_1575 : i32
        %get3A_1577 = arith.index_cast %rem3A_100 : i32 to index
        %get3A_1578 = arith.index_cast %add3A_1576 : i32 to index
        %get3A_1579 = arith.constant 32 : index
        %get3A_1580 = tpu.vector_load %arg10[%get3A_1577, %get3A_1578, %get3A_1579] {strides = array<i32>} : memref<2x640x64xf32, #tpu.memory_space<vmem>>, vector<16xf32>,
        %add3A_1581 = arith.addf %add3A_1545, %get3A_1580 : vector<16xf32>
        %mul3A_1582 = arith.constant 20 : i32
        %mul3A_1583 = arith.muli %scan3A_881, %mul3A_1582 : i32
        %add3A_1584 = arith.constant 19 : i32
        %add3A_1585 = arith.addi %mul3A_1583, %add3A_1584 : i32
        %get3A_1586 = arith.index_cast %rem3A_100 : i32 to index
        %get3A_1587 = arith.index_cast %add3A_1585 : i32 to index
        %get3A_1588 = arith.constant 48 : index
        %get3A_1589 = tpu.vector_load %arg10[%get3A_1586, %get3A_1587, %get3A_1588] {strides = array<i32>} : memref<2x640x64xf32, #tpu.memory_space<vmem>>, vector<16xf32>,
        %add3A_1590 = arith.addf %add3A_1554, %get3A_1589 : vector<16xf32>
        %get3A_1591 = arith.index_cast %scan3A_881 : i32 to index
        %get3A_1592 = tpu.vector_load %arg12[%get3A_1591] {strides = array<i32>} : memref<48xf32, #tpu.memory_space<vmem>>, vector<16xf32>,
        %slice3A = vector.extract_strided_slice %get3A_1592 {offsets = [0], sizes = [1], strides = [1]} : vector<16xf32> to vector<1xf32>
        %squeeze3A = vector.extract %slice3A[0] : f32 from vector<1xf32>
        %broadcast_in_dim3A_1593 = vector.broadcast %squeeze3A : f32 to vector<16xf32>
        %sub3A = arith.constant 2.000000e+01 : f32
        %sub3A_1594 = vector.broadcast %sub3A : f32 to vector<16xf32>
        %sub3A_1595 = arith.subf %sub3A_1594, %broadcast_in_dim3A_1593 : vector<16xf32>
        %add3A_1596 = arith.constant 9.99999997E-7 : f32
        %add3A_1597 = vector.broadcast %add3A_1596 : f32 to vector<16xf32>
        %add3A_1598 = arith.addf %sub3A_1595, %add3A_1597 : vector<16xf32>
        %div3A = arith.constant 1.000000e+00 : f32
        %div3A_1599 = vector.broadcast %div3A : f32 to vector<16xf32>
        %div3A_1600 = arith.divf %div3A_1599, %add3A_1598 : vector<16xf32>
        %get3A_1601 = arith.constant 0 : index
        %get3A_1602 = tpu.vector_load %arg9[%get3A_1601] {strides = array<i32>} : memref<64xf32, #tpu.memory_space<vmem>>, vector<16xf32>,
        %mul3A_1603 = arith.mulf %broadcast_in_dim3A_1593, %get3A_1602 : vector<16xf32>
        %sub3A_1604 = arith.subf %add3A_1563, %mul3A_1603 : vector<16xf32>
        %mul3A_1605 = arith.mulf %sub3A_1604, %div3A_1600 : vector<16xf32>
        %get3A_1606 = arith.constant 16 : index
        %get3A_1607 = tpu.vector_load %arg9[%get3A_1606] {strides = array<i32>} : memref<64xf32, #tpu.memory_space<vmem>>, vector<16xf32>,
        %mul3A_1608 = arith.mulf %broadcast_in_dim3A_1593, %get3A_1607 : vector<16xf32>
        %sub3A_1609 = arith.subf %add3A_1572, %mul3A_1608 : vector<16xf32>
        %mul3A_1610 = arith.mulf %sub3A_1609, %div3A_1600 : vector<16xf32>
        %get3A_1611 = arith.constant 32 : index
        %get3A_1612 = tpu.vector_load %arg9[%get3A_1611] {strides = array<i32>} : memref<64xf32, #tpu.memory_space<vmem>>, vector<16xf32>,
        %mul3A_1613 = arith.mulf %broadcast_in_dim3A_1593, %get3A_1612 : vector<16xf32>
        %sub3A_1614 = arith.subf %add3A_1581, %mul3A_1613 : vector<16xf32>
        %mul3A_1615 = arith.mulf %sub3A_1614, %div3A_1600 : vector<16xf32>
        %get3A_1616 = arith.constant 48 : index
        %get3A_1617 = tpu.vector_load %arg9[%get3A_1616] {strides = array<i32>} : memref<64xf32, #tpu.memory_space<vmem>>, vector<16xf32>,
        %mul3A_1618 = arith.mulf %broadcast_in_dim3A_1593, %get3A_1617 : vector<16xf32>
        %sub3A_1619 = arith.subf %add3A_1590, %mul3A_1618 : vector<16xf32>
        %mul3A_1620 = arith.mulf %sub3A_1619, %div3A_1600 : vector<16xf32>
        %get3A_1621 = arith.index_cast %rem3A_100 : i32 to index
        %get3A_1622 = arith.index_cast %scan3A_881 : i32 to index
        %get3A_1623 = arith.constant 0 : index
        %get3A_1624 = tpu.vector_load %arg11[%get3A_1621, %get3A_1622, %get3A_1623] {strides = array<i32>} : memref<2x32x64xf32, #tpu.memory_space<vmem>>, vector<16xf32>,
        %get3A_1625 = arith.index_cast %rem3A_100 : i32 to index
        %get3A_1626 = arith.index_cast %scan3A_881 : i32 to index
        %get3A_1627 = arith.constant 16 : index
        %get3A_1628 = tpu.vector_load %arg11[%get3A_1625, %get3A_1626, %get3A_1627] {strides = array<i32>} : memref<2x32x64xf32, #tpu.memory_space<vmem>>, vector<16xf32>,
        %get3A_1629 = arith.index_cast %rem3A_100 : i32 to index
        %get3A_1630 = arith.index_cast %scan3A_881 : i32 to index
        %get3A_1631 = arith.constant 32 : index
        %get3A_1632 = tpu.vector_load %arg11[%get3A_1629, %get3A_1630, %get3A_1631] {strides = array<i32>} : memref<2x32x64xf32, #tpu.memory_space<vmem>>, vector<16xf32>,
        %get3A_1633 = arith.index_cast %rem3A_100 : i32 to index
        %get3A_1634 = arith.index_cast %scan3A_881 : i32 to index
        %get3A_1635 = arith.constant 48 : index
        %get3A_1636 = tpu.vector_load %arg11[%get3A_1633, %get3A_1634, %get3A_1635] {strides = array<i32>} : memref<2x32x64xf32, #tpu.memory_space<vmem>>, vector<16xf32>,
        %mul3A_1637 = arith.mulf %mul3A_1605, %get3A_1624 : vector<16xf32>
        %mul3A_1638 = arith.mulf %mul3A_1605, %mul3A_1605 : vector<16xf32>
        %mul3A_1639 = arith.mulf %get3A_1624, %get3A_1624 : vector<16xf32>
        %mul3A_1640 = arith.mulf %mul3A_1610, %get3A_1628 : vector<16xf32>
        %add3A_1641 = arith.addf %mul3A_1637, %mul3A_1640 : vector<16xf32>
        %mul3A_1642 = arith.mulf %mul3A_1610, %mul3A_1610 : vector<16xf32>
        %add3A_1643 = arith.addf %mul3A_1638, %mul3A_1642 : vector<16xf32>
        %mul3A_1644 = arith.mulf %get3A_1628, %get3A_1628 : vector<16xf32>
        %add3A_1645 = arith.addf %mul3A_1639, %mul3A_1644 : vector<16xf32>
        %mul3A_1646 = arith.mulf %mul3A_1615, %get3A_1632 : vector<16xf32>
        %add3A_1647 = arith.addf %add3A_1641, %mul3A_1646 : vector<16xf32>
        %mul3A_1648 = arith.mulf %mul3A_1615, %mul3A_1615 : vector<16xf32>
        %add3A_1649 = arith.addf %add3A_1643, %mul3A_1648 : vector<16xf32>
        %mul3A_1650 = arith.mulf %get3A_1632, %get3A_1632 : vector<16xf32>
        %add3A_1651 = arith.addf %add3A_1645, %mul3A_1650 : vector<16xf32>
        %mul3A_1652 = arith.mulf %mul3A_1620, %get3A_1636 : vector<16xf32>
        %add3A_1653 = arith.addf %add3A_1647, %mul3A_1652 : vector<16xf32>
        %mul3A_1654 = arith.mulf %mul3A_1620, %mul3A_1620 : vector<16xf32>
        %add3A_1655 = arith.addf %add3A_1649, %mul3A_1654 : vector<16xf32>
        %mul3A_1656 = arith.mulf %get3A_1636, %get3A_1636 : vector<16xf32>
        %add3A_1657 = arith.addf %add3A_1651, %mul3A_1656 : vector<16xf32>
        %reduce_sum3A = arith.constant true
        %reduce_sum3A_1658 = vector.broadcast %reduce_sum3A : i1 to vector<16xi1>
        %reduce_sum3A_1659 = tpu.scan <sum>, %add3A_1653 masked %reduce_sum3A_1658 : vector<16xf32>, vector<16xi1> -> vector<16xf32>
        %reduce_sum3A_1660 = vector.extract %reduce_sum3A_1659[15] : f32 from vector<16xf32>
        %broadcast_in_dim3A_1661 = vector.broadcast %reduce_sum3A_1660 : f32 to vector<16xf32>
        %reduce_sum3A_1662 = arith.constant true
        %reduce_sum3A_1663 = vector.broadcast %reduce_sum3A_1662 : i1 to vector<16xi1>
        %reduce_sum3A_1664 = tpu.scan <sum>, %add3A_1655 masked %reduce_sum3A_1663 : vector<16xf32>, vector<16xi1> -> vector<16xf32>
        %reduce_sum3A_1665 = vector.extract %reduce_sum3A_1664[15] : f32 from vector<16xf32>
        %broadcast_in_dim3A_1666 = vector.broadcast %reduce_sum3A_1665 : f32 to vector<16xf32>
        %reduce_sum3A_1667 = arith.constant true
        %reduce_sum3A_1668 = vector.broadcast %reduce_sum3A_1667 : i1 to vector<16xi1>
        %reduce_sum3A_1669 = tpu.scan <sum>, %add3A_1657 masked %reduce_sum3A_1668 : vector<16xf32>, vector<16xi1> -> vector<16xf32>
        %reduce_sum3A_1670 = vector.extract %reduce_sum3A_1669[15] : f32 from vector<16xf32>
        %broadcast_in_dim3A_1671 = vector.broadcast %reduce_sum3A_1670 : f32 to vector<16xf32>
        %max3A = arith.constant 1.000000e-30 : f32
        %max3A_1672 = vector.broadcast %max3A : f32 to vector<16xf32>
        %max3A_1673 = arith.maximumf %broadcast_in_dim3A_1666, %max3A_1672 : vector<16xf32>
        %bitcast3A = vector.bitcast %max3A_1673 : vector<16xf32> to vector<16xi32>
        %shift_right_arithmetic3A = arith.constant 1 : i32
        %shift_right_arithmetic3A_1674 = vector.broadcast %shift_right_arithmetic3A : i32 to vector<16xi32>
        %shift_right_arithmetic3A_1675 = arith.shrsi %bitcast3A, %shift_right_arithmetic3A_1674 : vector<16xi32>
        %sub3A_1676 = arith.constant 1597463007 : i32
        %sub3A_1677 = vector.broadcast %sub3A_1676 : i32 to vector<16xi32>
        %sub3A_1678 = arith.subi %sub3A_1677, %shift_right_arithmetic3A_1675 : vector<16xi32>
        %bitcast3A_1679 = vector.bitcast %sub3A_1678 : vector<16xi32> to vector<16xf32>
        %mul3A_1680 = arith.constant 5.000000e-01 : f32
        %mul3A_1681 = vector.broadcast %mul3A_1680 : f32 to vector<16xf32>
        %mul3A_1682 = arith.mulf %mul3A_1681, %max3A_1673 : vector<16xf32>
        %mul3A_1683 = arith.mulf %mul3A_1682, %bitcast3A_1679 : vector<16xf32>
        %mul3A_1684 = arith.mulf %mul3A_1683, %bitcast3A_1679 : vector<16xf32>
        %sub3A_1685 = arith.constant 1.500000e+00 : f32
        %sub3A_1686 = vector.broadcast %sub3A_1685 : f32 to vector<16xf32>
        %sub3A_1687 = arith.subf %sub3A_1686, %mul3A_1684 : vector<16xf32>
        %mul3A_1688 = arith.mulf %bitcast3A_1679, %sub3A_1687 : vector<16xf32>
        %mul3A_1689 = arith.constant 5.000000e-01 : f32
        %mul3A_1690 = vector.broadcast %mul3A_1689 : f32 to vector<16xf32>
        %mul3A_1691 = arith.mulf %mul3A_1690, %max3A_1673 : vector<16xf32>
        %mul3A_1692 = arith.mulf %mul3A_1691, %mul3A_1688 : vector<16xf32>
        %mul3A_1693 = arith.mulf %mul3A_1692, %mul3A_1688 : vector<16xf32>
        %sub3A_1694 = arith.constant 1.500000e+00 : f32
        %sub3A_1695 = vector.broadcast %sub3A_1694 : f32 to vector<16xf32>
        %sub3A_1696 = arith.subf %sub3A_1695, %mul3A_1693 : vector<16xf32>
        %mul3A_1697 = arith.mulf %mul3A_1688, %sub3A_1696 : vector<16xf32>
        %mul3A_1698 = arith.constant 5.000000e-01 : f32
        %mul3A_1699 = vector.broadcast %mul3A_1698 : f32 to vector<16xf32>
        %mul3A_1700 = arith.mulf %mul3A_1699, %max3A_1673 : vector<16xf32>
        %mul3A_1701 = arith.mulf %mul3A_1700, %mul3A_1697 : vector<16xf32>
        %mul3A_1702 = arith.mulf %mul3A_1701, %mul3A_1697 : vector<16xf32>
        %sub3A_1703 = arith.constant 1.500000e+00 : f32
        %sub3A_1704 = vector.broadcast %sub3A_1703 : f32 to vector<16xf32>
        %sub3A_1705 = arith.subf %sub3A_1704, %mul3A_1702 : vector<16xf32>
        %mul3A_1706 = arith.mulf %mul3A_1697, %sub3A_1705 : vector<16xf32>
        %mul3A_1707 = arith.mulf %max3A_1673, %mul3A_1706 : vector<16xf32>
        %max3A_1708 = arith.constant 1.000000e-30 : f32
        %max3A_1709 = vector.broadcast %max3A_1708 : f32 to vector<16xf32>
        %max3A_1710 = arith.maximumf %broadcast_in_dim3A_1671, %max3A_1709 : vector<16xf32>
        %bitcast3A_1711 = vector.bitcast %max3A_1710 : vector<16xf32> to vector<16xi32>
        %shift_right_arithmetic3A_1712 = arith.constant 1 : i32
        %shift_right_arithmetic3A_1713 = vector.broadcast %shift_right_arithmetic3A_1712 : i32 to vector<16xi32>
        %shift_right_arithmetic3A_1714 = arith.shrsi %bitcast3A_1711, %shift_right_arithmetic3A_1713 : vector<16xi32>
        %sub3A_1715 = arith.constant 1597463007 : i32
        %sub3A_1716 = vector.broadcast %sub3A_1715 : i32 to vector<16xi32>
        %sub3A_1717 = arith.subi %sub3A_1716, %shift_right_arithmetic3A_1714 : vector<16xi32>
        %bitcast3A_1718 = vector.bitcast %sub3A_1717 : vector<16xi32> to vector<16xf32>
        %mul3A_1719 = arith.constant 5.000000e-01 : f32
        %mul3A_1720 = vector.broadcast %mul3A_1719 : f32 to vector<16xf32>
        %mul3A_1721 = arith.mulf %mul3A_1720, %max3A_1710 : vector<16xf32>
        %mul3A_1722 = arith.mulf %mul3A_1721, %bitcast3A_1718 : vector<16xf32>
        %mul3A_1723 = arith.mulf %mul3A_1722, %bitcast3A_1718 : vector<16xf32>
        %sub3A_1724 = arith.constant 1.500000e+00 : f32
        %sub3A_1725 = vector.broadcast %sub3A_1724 : f32 to vector<16xf32>
        %sub3A_1726 = arith.subf %sub3A_1725, %mul3A_1723 : vector<16xf32>
        %mul3A_1727 = arith.mulf %bitcast3A_1718, %sub3A_1726 : vector<16xf32>
        %mul3A_1728 = arith.constant 5.000000e-01 : f32
        %mul3A_1729 = vector.broadcast %mul3A_1728 : f32 to vector<16xf32>
        %mul3A_1730 = arith.mulf %mul3A_1729, %max3A_1710 : vector<16xf32>
        %mul3A_1731 = arith.mulf %mul3A_1730, %mul3A_1727 : vector<16xf32>
        %mul3A_1732 = arith.mulf %mul3A_1731, %mul3A_1727 : vector<16xf32>
        %sub3A_1733 = arith.constant 1.500000e+00 : f32
        %sub3A_1734 = vector.broadcast %sub3A_1733 : f32 to vector<16xf32>
        %sub3A_1735 = arith.subf %sub3A_1734, %mul3A_1732 : vector<16xf32>
        %mul3A_1736 = arith.mulf %mul3A_1727, %sub3A_1735 : vector<16xf32>
        %mul3A_1737 = arith.constant 5.000000e-01 : f32
        %mul3A_1738 = vector.broadcast %mul3A_1737 : f32 to vector<16xf32>
        %mul3A_1739 = arith.mulf %mul3A_1738, %max3A_1710 : vector<16xf32>
        %mul3A_1740 = arith.mulf %mul3A_1739, %mul3A_1736 : vector<16xf32>
        %mul3A_1741 = arith.mulf %mul3A_1740, %mul3A_1736 : vector<16xf32>
        %sub3A_1742 = arith.constant 1.500000e+00 : f32
        %sub3A_1743 = vector.broadcast %sub3A_1742 : f32 to vector<16xf32>
        %sub3A_1744 = arith.subf %sub3A_1743, %mul3A_1741 : vector<16xf32>
        %mul3A_1745 = arith.mulf %mul3A_1736, %sub3A_1744 : vector<16xf32>
        %mul3A_1746 = arith.mulf %max3A_1710, %mul3A_1745 : vector<16xf32>
        %max3A_1747 = vector.broadcast %scan3A_88 : f32 to vector<16xf32>
        %max3A_1748 = arith.maximumf %mul3A_1707, %max3A_1747 : vector<16xf32>
        %max3A_1749 = vector.broadcast %scan3A_88 : f32 to vector<16xf32>
        %max3A_1750 = arith.maximumf %mul3A_1746, %max3A_1749 : vector<16xf32>
        %mul3A_1751 = arith.mulf %max3A_1748, %max3A_1750 : vector<16xf32>
        %div3A_1752 = arith.divf %broadcast_in_dim3A_1661, %mul3A_1751 : vector<16xf32>
        %add3A_1753 = arith.addf %scan3A_882, %div3A_1752 : vector<16xf32>
        scf.yield %add3A_1753 : vector<16xf32>
      }
      %scan3A_880 = arith.constant 32 : i32
      scf.yield %scan3A_879 : vector<16xf32>
    }
    %scan3A_94 = arith.constant 16 : i32
    %swap3A = arith.constant 0 : index
    %swap3A_95 = tpu.vector_load %arg13[%swap3A] {strides = array<i32>} : memref<16xf32, #tpu.memory_space<vmem>>, vector<16xf32>,
    tpu.vector_store %arg13[%swap3A], %scan3A_93 {strides = array<i32>} : memref<16xf32, #tpu.memory_space<vmem>>, vector<16xf32>,
    "tpu.region"() ({
      %run_scoped3A_98 = tpu.sem_alloc : memref<!tpu.dma_semaphore, #tpu.memory_space<semaphore_mem>>
      %dma_start3A_99 = arith.constant 0 : i32
      %dma_start3A_100 = tpu.memref_slice %arg16[%arg1, %dma_start3A_99] : memref<16x16xf32, #tpu.memory_space<vmem_shared>> -> memref<1x16xf32, #tpu.memory_space<vmem_shared>>
      %dma_start3A_101 = tpu.memref_squeeze %dma_start3A_100 : memref<1x16xf32, #tpu.memory_space<vmem_shared>> -> memref<16xf32, #tpu.memory_space<vmem_shared>>
      %dma_start3A_102 = arith.constant 0 : i32
      %dma_start3A_103 = tpu.memref_slice %arg16[%arg1, %dma_start3A_102] : memref<16x16xf32, #tpu.memory_space<vmem_shared>> -> memref<1x16xf32, #tpu.memory_space<vmem_shared>>
      %dma_start3A_104 = tpu.memref_squeeze %dma_start3A_103 : memref<1x16xf32, #tpu.memory_space<vmem_shared>> -> memref<16xf32, #tpu.memory_space<vmem_shared>>
      tpu.enqueue_dma source(%arg13 : memref<16xf32, #tpu.memory_space<vmem>>) target(%dma_start3A_104 : memref<16xf32, #tpu.memory_space<vmem_shared>>) target_semaphore(%run_scoped3A_98 : memref<!tpu.dma_semaphore, #tpu.memory_space<semaphore_mem>>)
      %dma_wait3A = arith.constant 0 : i32
      %dma_wait3A_105 = tpu.memref_slice %arg16[%arg1, %dma_wait3A] : memref<16x16xf32, #tpu.memory_space<vmem_shared>> -> memref<1x16xf32, #tpu.memory_space<vmem_shared>>
      %dma_wait3A_106 = tpu.memref_squeeze %dma_wait3A_105 : memref<1x16xf32, #tpu.memory_space<vmem_shared>> -> memref<16xf32, #tpu.memory_space<vmem_shared>>
      %dma_wait3A_107 = arith.constant 0 : i32
      %dma_wait3A_108 = tpu.memref_slice %arg16[%arg1, %dma_wait3A_107] : memref<16x16xf32, #tpu.memory_space<vmem_shared>> -> memref<1x16xf32, #tpu.memory_space<vmem_shared>>
      %dma_wait3A_109 = tpu.memref_squeeze %dma_wait3A_108 : memref<1x16xf32, #tpu.memory_space<vmem_shared>> -> memref<16xf32, #tpu.memory_space<vmem_shared>>
      tpu.wait_dma2 semaphore(%run_scoped3A_98 : memref<!tpu.dma_semaphore, #tpu.memory_space<semaphore_mem>>) src(%arg13 : memref<16xf32, #tpu.memory_space<vmem>>) dst(%dma_wait3A_109 : memref<16xf32, #tpu.memory_space<vmem_shared>>)
      tpu.yield
    }) : () -> ()
    %barrier3A = arith.constant 0 : index
    tpu.barrier barrier_id(%barrier3A)
    %eq3A = arith.constant 0 : i32
    %eq3A_96 = arith.cmpi eq, %arg1, %eq3A : i32
    %convert_element_type3A = arith.extui %eq3A_96 : i1 to i32
    %cond3A = arith.constant 0 : i32
    %cond3A_97 = arith.cmpi ne, %convert_element_type3A, %cond3A : i32
    scf.if %cond3A_97 {
      "tpu.region"() ({
        %run_scoped3A_182 = tpu.sem_alloc : memref<!tpu.dma_semaphore, #tpu.memory_space<semaphore_mem>>
        tpu.enqueue_dma source(%arg16 : memref<16x16xf32, #tpu.memory_space<vmem_shared>>) target(%arg14 : memref<16x16xf32, #tpu.memory_space<vmem>>) target_semaphore(%run_scoped3A_182 : memref<!tpu.dma_semaphore, #tpu.memory_space<semaphore_mem>>)
        tpu.wait_dma2 semaphore(%run_scoped3A_182 : memref<!tpu.dma_semaphore, #tpu.memory_space<semaphore_mem>>) src(%arg16 : memref<16x16xf32, #tpu.memory_space<vmem_shared>>) dst(%arg14 : memref<16x16xf32, #tpu.memory_space<vmem>>)
        tpu.yield
      }) : () -> ()
      %get3A = arith.constant 0 : i32
      %get3A_98 = arith.index_cast %get3A : i32 to index
      %get3A_99 = arith.constant 0 : index
      %get3A_100 = tpu.vector_load %arg14[%get3A_98, %get3A_99] {strides = array<i32>} : memref<16x16xf32, #tpu.memory_space<vmem>>, vector<16xf32>,
      %get3A_101 = arith.constant 1 : i32
      %get3A_102 = arith.index_cast %get3A_101 : i32 to index
      %get3A_103 = arith.constant 0 : index
      %get3A_104 = tpu.vector_load %arg14[%get3A_102, %get3A_103] {strides = array<i32>} : memref<16x16xf32, #tpu.memory_space<vmem>>, vector<16xf32>,
      %add3A_105 = arith.addf %get3A_100, %get3A_104 : vector<16xf32>
      %get3A_106 = arith.constant 2 : i32
      %get3A_107 = arith.index_cast %get3A_106 : i32 to index
      %get3A_108 = arith.constant 0 : index
      %get3A_109 = tpu.vector_load %arg14[%get3A_107, %get3A_108] {strides = array<i32>} : memref<16x16xf32, #tpu.memory_space<vmem>>, vector<16xf32>,
      %add3A_110 = arith.addf %add3A_105, %get3A_109 : vector<16xf32>
      %get3A_111 = arith.constant 3 : i32
      %get3A_112 = arith.index_cast %get3A_111 : i32 to index
      %get3A_113 = arith.constant 0 : index
      %get3A_114 = tpu.vector_load %arg14[%get3A_112, %get3A_113] {strides = array<i32>} : memref<16x16xf32, #tpu.memory_space<vmem>>, vector<16xf32>,
      %add3A_115 = arith.addf %add3A_110, %get3A_114 : vector<16xf32>
      %get3A_116 = arith.constant 4 : i32
      %get3A_117 = arith.index_cast %get3A_116 : i32 to index
      %get3A_118 = arith.constant 0 : index
      %get3A_119 = tpu.vector_load %arg14[%get3A_117, %get3A_118] {strides = array<i32>} : memref<16x16xf32, #tpu.memory_space<vmem>>, vector<16xf32>,
      %add3A_120 = arith.addf %add3A_115, %get3A_119 : vector<16xf32>
      %get3A_121 = arith.constant 5 : i32
      %get3A_122 = arith.index_cast %get3A_121 : i32 to index
      %get3A_123 = arith.constant 0 : index
      %get3A_124 = tpu.vector_load %arg14[%get3A_122, %get3A_123] {strides = array<i32>} : memref<16x16xf32, #tpu.memory_space<vmem>>, vector<16xf32>,
      %add3A_125 = arith.addf %add3A_120, %get3A_124 : vector<16xf32>
      %get3A_126 = arith.constant 6 : i32
      %get3A_127 = arith.index_cast %get3A_126 : i32 to index
      %get3A_128 = arith.constant 0 : index
      %get3A_129 = tpu.vector_load %arg14[%get3A_127, %get3A_128] {strides = array<i32>} : memref<16x16xf32, #tpu.memory_space<vmem>>, vector<16xf32>,
      %add3A_130 = arith.addf %add3A_125, %get3A_129 : vector<16xf32>
      %get3A_131 = arith.constant 7 : i32
      %get3A_132 = arith.index_cast %get3A_131 : i32 to index
      %get3A_133 = arith.constant 0 : index
      %get3A_134 = tpu.vector_load %arg14[%get3A_132, %get3A_133] {strides = array<i32>} : memref<16x16xf32, #tpu.memory_space<vmem>>, vector<16xf32>,
      %add3A_135 = arith.addf %add3A_130, %get3A_134 : vector<16xf32>
      %get3A_136 = arith.constant 8 : i32
      %get3A_137 = arith.index_cast %get3A_136 : i32 to index
      %get3A_138 = arith.constant 0 : index
      %get3A_139 = tpu.vector_load %arg14[%get3A_137, %get3A_138] {strides = array<i32>} : memref<16x16xf32, #tpu.memory_space<vmem>>, vector<16xf32>,
      %add3A_140 = arith.addf %add3A_135, %get3A_139 : vector<16xf32>
      %get3A_141 = arith.constant 9 : i32
      %get3A_142 = arith.index_cast %get3A_141 : i32 to index
      %get3A_143 = arith.constant 0 : index
      %get3A_144 = tpu.vector_load %arg14[%get3A_142, %get3A_143] {strides = array<i32>} : memref<16x16xf32, #tpu.memory_space<vmem>>, vector<16xf32>,
      %add3A_145 = arith.addf %add3A_140, %get3A_144 : vector<16xf32>
      %get3A_146 = arith.constant 10 : i32
      %get3A_147 = arith.index_cast %get3A_146 : i32 to index
      %get3A_148 = arith.constant 0 : index
      %get3A_149 = tpu.vector_load %arg14[%get3A_147, %get3A_148] {strides = array<i32>} : memref<16x16xf32, #tpu.memory_space<vmem>>, vector<16xf32>,
      %add3A_150 = arith.addf %add3A_145, %get3A_149 : vector<16xf32>
      %get3A_151 = arith.constant 11 : i32
      %get3A_152 = arith.index_cast %get3A_151 : i32 to index
      %get3A_153 = arith.constant 0 : index
      %get3A_154 = tpu.vector_load %arg14[%get3A_152, %get3A_153] {strides = array<i32>} : memref<16x16xf32, #tpu.memory_space<vmem>>, vector<16xf32>,
      %add3A_155 = arith.addf %add3A_150, %get3A_154 : vector<16xf32>
      %get3A_156 = arith.constant 12 : i32
      %get3A_157 = arith.index_cast %get3A_156 : i32 to index
      %get3A_158 = arith.constant 0 : index
      %get3A_159 = tpu.vector_load %arg14[%get3A_157, %get3A_158] {strides = array<i32>} : memref<16x16xf32, #tpu.memory_space<vmem>>, vector<16xf32>,
      %add3A_160 = arith.addf %add3A_155, %get3A_159 : vector<16xf32>
      %get3A_161 = arith.constant 13 : i32
      %get3A_162 = arith.index_cast %get3A_161 : i32 to index
      %get3A_163 = arith.constant 0 : index
      %get3A_164 = tpu.vector_load %arg14[%get3A_162, %get3A_163] {strides = array<i32>} : memref<16x16xf32, #tpu.memory_space<vmem>>, vector<16xf32>,
      %add3A_165 = arith.addf %add3A_160, %get3A_164 : vector<16xf32>
      %get3A_166 = arith.constant 14 : i32
      %get3A_167 = arith.index_cast %get3A_166 : i32 to index
      %get3A_168 = arith.constant 0 : index
      %get3A_169 = tpu.vector_load %arg14[%get3A_167, %get3A_168] {strides = array<i32>} : memref<16x16xf32, #tpu.memory_space<vmem>>, vector<16xf32>,
      %add3A_170 = arith.addf %add3A_165, %get3A_169 : vector<16xf32>
      %get3A_171 = arith.constant 15 : i32
      %get3A_172 = arith.index_cast %get3A_171 : i32 to index
      %get3A_173 = arith.constant 0 : index
      %get3A_174 = tpu.vector_load %arg14[%get3A_172, %get3A_173] {strides = array<i32>} : memref<16x16xf32, #tpu.memory_space<vmem>>, vector<16xf32>,
      %add3A_175 = arith.addf %add3A_170, %get3A_174 : vector<16xf32>
      %neg3A = arith.constant 0.000000e+00 : f32
      %neg3A_176 = vector.broadcast %neg3A : f32 to vector<16xf32>
      %neg3A_177 = arith.subf %neg3A_176, %add3A_175 : vector<16xf32>
      %div3A = arith.constant 1.638400e+04 : f32
      %div3A_178 = vector.broadcast %div3A : f32 to vector<16xf32>
      %div3A_179 = arith.divf %neg3A_177, %div3A_178 : vector<16xf32>
      %swap3A_180 = arith.constant 0 : index
      %swap3A_181 = tpu.vector_load %arg15[%swap3A_180] {strides = array<i32>} : memref<16xf32, #tpu.memory_space<vmem>>, vector<16xf32>,
      tpu.vector_store %arg15[%swap3A_180], %div3A_179 {strides = array<i32>} : memref<16xf32, #tpu.memory_space<vmem>>, vector<16xf32>,
      "tpu.region"() ({
        %run_scoped3A_182 = tpu.sem_alloc : memref<!tpu.dma_semaphore, #tpu.memory_space<semaphore_mem>>
        %dma_start3A_183 = arith.constant 0 : i32
        %dma_start3A_184 = tpu.memref_slice %arg5[%arg0, %dma_start3A_183] : memref<2x16xf32, #tpu.memory_space<hbm>> -> memref<1x16xf32, #tpu.memory_space<hbm>>
        %dma_start3A_185 = tpu.memref_squeeze %dma_start3A_184 : memref<1x16xf32, #tpu.memory_space<hbm>> -> memref<16xf32, #tpu.memory_space<hbm>>
        %dma_start3A_186 = arith.constant 0 : i32
        %dma_start3A_187 = tpu.memref_slice %arg5[%arg0, %dma_start3A_186] : memref<2x16xf32, #tpu.memory_space<hbm>> -> memref<1x16xf32, #tpu.memory_space<hbm>>
        %dma_start3A_188 = tpu.memref_squeeze %dma_start3A_187 : memref<1x16xf32, #tpu.memory_space<hbm>> -> memref<16xf32, #tpu.memory_space<hbm>>
        tpu.enqueue_dma source(%arg15 : memref<16xf32, #tpu.memory_space<vmem>>) target(%dma_start3A_188 : memref<16xf32, #tpu.memory_space<hbm>>) target_semaphore(%run_scoped3A_182 : memref<!tpu.dma_semaphore, #tpu.memory_space<semaphore_mem>>)
        %dma_wait3A = arith.constant 0 : i32
        %dma_wait3A_189 = tpu.memref_slice %arg5[%arg0, %dma_wait3A] : memref<2x16xf32, #tpu.memory_space<hbm>> -> memref<1x16xf32, #tpu.memory_space<hbm>>
        %dma_wait3A_190 = tpu.memref_squeeze %dma_wait3A_189 : memref<1x16xf32, #tpu.memory_space<hbm>> -> memref<16xf32, #tpu.memory_space<hbm>>
        %dma_wait3A_191 = arith.constant 0 : i32
        %dma_wait3A_192 = tpu.memref_slice %arg5[%arg0, %dma_wait3A_191] : memref<2x16xf32, #tpu.memory_space<hbm>> -> memref<1x16xf32, #tpu.memory_space<hbm>>
        %dma_wait3A_193 = tpu.memref_squeeze %dma_wait3A_192 : memref<1x16xf32, #tpu.memory_space<hbm>> -> memref<16xf32, #tpu.memory_space<hbm>>
        tpu.wait_dma2 semaphore(%run_scoped3A_182 : memref<!tpu.dma_semaphore, #tpu.memory_space<semaphore_mem>>) src(%arg15 : memref<16xf32, #tpu.memory_space<vmem>>) dst(%dma_wait3A_193 : memref<16xf32, #tpu.memory_space<hbm>>)
        tpu.yield
      }) : () -> ()
    } else {
    }
    return
  }
}

</mosaic_0001>

<sc_bundles>
// kernel: _cbow_loss.3.cloned.1.call-start
scs
__scs_entry_jumppad:
0x0: {  	(pc) =	sbr.rel $0x88, $3  }
0x1: {  	(tag) =	ssettag $0x0;
	lr =	simm.s32 $0x1  }
0x2: {  	[smem:$0x3F9E] =	sst lr;
	_ =	strace $0xD0000000  }
0x3: {  	_ = 	snop  }
0x4: {  	_ = 	snop  }
0x5: {  	_ = 	snop  }
0x6: {  	_ = 	snop  }
0x7: {  	_ = 	snop  }
__scs_overlays_trampoline_lowered:
0x8: {  	[smem:$0x3FAD] =	sst s0  }
0x9: {  	[smem:$0x3FAE] =	sst s1  }
0xa: {  	[smem:$0x3FAF] =	sst s2  }
0xb: {  	[smem:$0x3FB0] =	sst s3  }
0xc: {  	[smem:$0x3FB1] =	sst s4  }
0xd: {  	[smem:$0x3FB2] =	sst s5  }
0xe: {  	[smem:$0x3FB3] =	sst s6  }
0xf: {  	[smem:$0x3FB4] =	sst s7  }
0x10: {  	[smem:$0x3FB5] =	sst s8  }
0x11: {  	[smem:$0x3FB6] =	sst s9;
	s0 =	simm.s32 @!p0 $0x0  }
0x12: {  	s1 =	sld [smem:$0x3F9C];
	s0 =	simm.s32 @p0 $0x1  }
0x13: {  	[smem:$0x3FB7] =	sst s0;
	s0 =	simm.s32 @!p1 $0x0  }
0x14: {  	s2 =	sld [smem:$0x3F9B];
	s0 =	simm.s32 @p1 $0x1  }
0x15: {  	[smem:$0x3FB8] =	sst s0;
	s0 =	simm.s32 @!p2 $0x0  }
0x16: {  	s3 =	sld [smem:$0x3FDB];
	s0 =	simm.s32 @p2 $0x1  }
0x17: {  	s4 =	simm.s32 $0x1BF5;
	[smem:$0x3FBA] =	sst s0  }
0x18: {  	s0 =	sld [smem:$0x3F9D];
	_ =	swait.ge [sflag:s4], $0x0  }
0x19: {  	s7 =	sld [smem:$0x3F9E]  }
0x1a: {  	s8 =	sadd.s32 $0xFFFFE003, lr  }
0x1b: {  	s9 =	sadd.s32 $0xFFFFFEF7, lr;
	s5 =	simm.s32 $0xFFFFFFFF;
	p2 =	slt.u32 s8, $0xFFFFF086  }
0x1c: {  	p1 =	slt.u32 s9, $0xF7A;
	s5 =	simm.s32 @!p2 $0x0  }
0x1d: {  	s5 =	simm.s32 @p1 $0x1;
	p0 =	seq.s32 s7, s2  }
0x1e: {  	s7 =	smul.u32 @!p0 $0xF7A, s2;
	p2 =	seq.s32 @!p0 s5, $0x0  }
0x1f: {  	s9 =	smul.u32 $0xF7A, s1;
	s8 =	simm.s32 @!p0 $0x1BF5;
	p2 =	por !p2, p0  }
0x20: {  	[sflag:s8] =	ssyncset.s32 @!p0 $0xFFFFF086;
	s6 =	sadd.s32 @!p0 s3, s7;
	s7 =	simm.s32 @!p0 $0x108  }
0x21: {  	s3 =	sadd.s32 s3, s9;
	s6 =	sadd.s32 @!p0 $0x88, s6;
	s7 =	simm.s32 @p2 $0x1082  }
0x22: {  	[simem:s7], [sflag:s8] =	dma.local @!p0 [hbm:s6], $0xF7A  }
0x23: {  	s9 =	sor.u32 $0xD0000000, s2;
	s6 =	simm.s32 $0x108;
	_ =	swait.ge @!p0 [sflag:s8], $0x0  }
0x24: {  	s3 =	sadd.s32 $0x88, s3;
	s6 =	simm.s32 @!p1 $0x1082;
	[sflag:s4] =	ssyncset.s32 $0xFFFFF086  }
0x25: {  	[simem:s6], [sflag:s4] =	dma.local [hbm:s3], $0xF7A  }
0x26: {  	[smem:$0x3F9E] =	sst s1;
	(tag) =	ssettag s2;
	_ =	strace s9  }
0x27: {  	s1 =	sld [smem:$0x3FAE]  }
0x28: {  	s2 =	sld [smem:$0x3FAF]  }
0x29: {  	s4 =	sld [smem:$0x3FB1]  }
0x2a: {  	p0 =	seq.s32 s5, $0x0;
	s5 =	sld [smem:$0x3FB2]  }
0x2b: {  	s6 =	sld [smem:$0x3FB3]  }
0x2c: {  	s7 =	sld [smem:$0x3FB4]  }
0x2d: {  	s3 =	simm.s32 $0x108;
	s8 =	sld [smem:$0x3FB5]  }
0x2e: {  	s3 =	simm.s32 @!p0 $0x1082;
	s9 =	sld [smem:$0x3FB6]  }
0x2f: {  	lr =	sadd.s32 s0, s3;
	s0 =	sld [smem:$0x3FAD]  }
0x30: {  	s3 =	sld [smem:$0x3FB0]  }
0x31: {  	[smem:$0x3FB9] =	sst s10  }
0x32: {  	s10 =	sld [smem:$0x3FB7];
	_ =	sdelay $0x3  }
0x33: {  	p0 =	seq.s32 s10, $0x1;
	s10 =	sld [smem:$0x3FB9];
	_ =	sdelay $0x3  }
0x34: {  	[smem:$0x3FB9] =	sst s10  }
0x35: {  	s10 =	sld [smem:$0x3FB8];
	_ =	sdelay $0x3  }
0x36: {  	p1 =	seq.s32 s10, $0x1;
	s10 =	sld [smem:$0x3FB9];
	_ =	sdelay $0x3  }
0x37: {  	[smem:$0x3FB9] =	sst s10  }
0x38: {  	s10 =	sld [smem:$0x3FBA]  }
0x39: {  	_ = 	snop;
	(pc) =	sbr.ind lr, $3  }
0x3a: {  	_ = 	snop  }
0x3b: {  	_ = 	snop  }
0x3c: {  	p2 =	seq.s32 s10, $0x1;
	s10 =	sld [smem:$0x3FB9]  }
0x3d: {  	_ =	shalt  }
0x3e: {  	_ =	shalt  }
0x3f: {  	_ =	shalt  }
0x40: {  	_ =	shalt  }
0x41: {  	_ =	shalt  }
0x42: {  	_ =	shalt  }
0x43: {  	_ =	shalt  }
0x44: {  	_ =	shalt  }
0x45: {  	_ =	shalt  }
0x46: {  	_ =	shalt  }
0x47: {  	_ =	shalt  }
0x48: {  	_ =	shalt  }
0x49: {  	_ =	shalt  }
0x4a: {  	_ =	shalt  }
0x4b: {  	_ =	shalt  }
0x4c: {  	_ =	shalt  }
0x4d: {  	_ =	shalt  }
0x4e: {  	_ =	shalt  }
0x4f: {  	_ =	shalt  }
0x50: {  	_ =	shalt  }
0x51: {  	_ =	shalt  }
0x52: {  	_ =	shalt  }
0x53: {  	_ =	shalt  }
0x54: {  	_ =	shalt  }
0x55: {  	_ =	shalt  }
0x56: {  	_ =	shalt  }
0x57: {  	_ =	shalt  }
0x58: {  	_ =	shalt  }
0x59: {  	_ =	shalt  }
0x5a: {  	_ =	shalt  }
0x5b: {  	_ =	shalt  }
0x5c: {  	_ =	shalt  }
0x5d: {  	_ =	shalt  }
0x5e: {  	_ =	shalt  }
0x5f: {  	_ =	shalt  }
0x60: {  	_ =	shalt  }
0x61: {  	_ =	shalt  }
0x62: {  	_ =	shalt  }
0x63: {  	_ =	shalt  }
0x64: {  	_ =	shalt  }
0x65: {  	_ =	shalt  }
0x66: {  	_ =	shalt  }
0x67: {  	_ =	shalt  }
0x68: {  	_ =	shalt  }
0x69: {  	_ =	shalt  }
0x6a: {  	_ =	shalt  }
0x6b: {  	_ =	shalt  }
0x6c: {  	_ =	shalt  }
0x6d: {  	_ =	shalt  }
0x6e: {  	_ =	shalt  }
0x6f: {  	_ =	shalt  }
0x70: {  	_ =	shalt  }
0x71: {  	_ =	shalt  }
0x72: {  	_ =	shalt  }
0x73: {  	_ =	shalt  }
0x74: {  	_ =	shalt  }
0x75: {  	_ =	shalt  }
0x76: {  	_ =	shalt  }
0x77: {  	_ =	shalt  }
0x78: {  	_ =	shalt  }
0x79: {  	_ =	shalt  }
0x7a: {  	_ =	shalt  }
0x7b: {  	_ =	shalt  }
0x7c: {  	_ =	shalt  }
0x7d: {  	_ =	shalt  }
0x7e: {  	_ =	shalt  }
0x7f: {  	_ =	shalt  }
0x80: {  	_ =	shalt  }
0x81: {  	_ =	shalt  }
0x82: {  	_ =	shalt  }
0x83: {  	_ =	shalt  }
0x84: {  	_ =	shalt  }
0x85: {  	_ =	shalt  }
0x86: {  	_ =	shalt  }
0x87: {  	_ =	shalt  }
.Lfunc_end0:
.L_simem_size_0:
called_computation_lowered:
.L_overlay_start_0:
0x88: {  	s2 =	sld [smem:$0x3FD9]  }
0x89: {  	s3 =	sld [smem:$0x3FFE];
	_ =	sdelay $0x1  }
0x8a: {  	s1 =	srdreg.scid  }
0x8b: {  	s0 =	sand.u32 $0x1, s1  }
0x8c: {  	s17 =	sshll.u32 s0, $0xA;
	s2 =	sadd.s32 s3, s2  }
0x8d: {  	s2 =	sadd.s32 s2, s17  }
0x8e: {  	[smem:$0x3FC5] =	sst s2  }
0x8f: {  	_ = 	snop  }
0x90: {  	s2 =	sld [smem:$0x3FC8]  }
0x91: {  	s18 =	sld [smem:$0x3FD0];
	(tm) =	ssettm $0x1  }
0x92: {  	s4 =	sld [smem:$0x3FFB];
	_ =	sdelay $0x3  }
0x93: {  	_ =	strace s4  }
0x94: {  	s4 =	sld [smem:$0x3FFC];
	_ =	sdelay $0x3  }
0x95: {  	_ =	strace s4  }
0x96: {  	s4 =	sld [smem:$0x3FFD];
	_ =	sdelay $0x3  }
0x97: {  	_ =	strace s4  }
0x98: {  	_ =	strace $0x8FFFFFFF  }
0x99: {  	s19 =	sld [smem:$0x3FDB];
	_ =	sdelay $0x1  }
0x9a: {  	s5 =	simm.s32 $_scs_section_size  }
0x9b: {  	s6 =	simm.s32 $_size__tile_overlayer_lowered;
	s7 =	simm.s32 $_tile_overlayer_lowered  }
0x9c: {  	s22 =	simm.s32 $0x1BFF;
	s21 =	sshll.u32 s7, $0x1;
	s4 =	sadd.s32 s5, s19  }
0x9d: {  	s8 =	simm.s32 $0x0;
	s20 =	sshll.u32 s6, $0x1;
	s6 =	sadd.s32 s21, s4  }
0x9e: {  	[timem:s8], [sflag:s22] =	dma.local [hbm:s6], s20  }
0x9f: {  	_ =	swait.ge [sflag:s22], s20  }
0xa0: {  	s5 =	ssub.s32 $0x0, s20;
	[sflag:s22] =	ssyncset.done $0x0  }
0xa1: {  	[sflag:s22] =	ssyncadd.s32 s5;
	_ =	sdelay $0x1  }
0xa2: {  	s23 =	simm.s32 $0x1B8B  }
0xa3: {  	_ =	swait.ge [sflag:s23], $0x1  }
0xa4: {  	[sflag:s23] =	ssyncset.done $0x0  }
0xa5: {  	s25 =	simm.s32 $0x1B8E;
	s24 =	sld [smem:$0x3FFE];
	[sflag:s23] =	ssyncadd.s32 $0xFFFFFFFF  }
0xa6: {  	s26 =	simm.s32 $execute0_lowered;
	[smem:$0x3FD2] =	sst s25  }
0xa7: {  	s6 =	sshll.u32 s26, $0x1;
	_ =	strace $0x80000046;
	[dreg:$0x1] =	wrdreg $0xFFFFFFFF  }
0xa8: {  	s28 =	simm.s32 $_size_execute0_lowered;
	s4 =	sadd.s32 s4, s6;
	[dreg:$0x0] =	wrdreg $0x0  }
0xa9: {  	s6 =	sshll.u32 s28, $0x1;
	[dreg:$0x2] =	wrdreg s4  }
0xaa: {  	[dreg:$0x3] =	wrdreg s6  }
0xab: {  	[dreg:$0x4] =	wrdreg $0xC0  }
0xac: {  	_ =	task [dreg:s8], $0x5FFFF  }
0xad: {  	[dreg:$0x1] =	wrdreg $0xFFFFFFFF  }
0xae: {  	[dreg:$0x0] =	wrdreg $0x60  }
0xaf: {  	[dreg:$0x2] =	wrdreg s24  }
0xb0: {  	[dreg:$0x3] =	wrdreg s2  }
0xb1: {  	[dreg:$0x4] =	wrdreg s18  }
0xb2: {  	[dreg:$0x5] =	wrdreg $0x1A3900  }
0xb3: {  	[dreg:$0x6] =	wrdreg $0x9  }
0xb4: {  	_ =	task.clear_ibuf [dreg:s8], $0x7FFFF;
	_ =	strace $0x90000046  }
0xb5: {  	s29 =	simm.s32 $0x9;
	_ =	strace $0x80000048  }
0xb6: {  	_ =	swait.ge [sflag:s29], $0x1  }
0xb7: {  	[sflag:s29] =	ssyncadd.s32 $0xFFFFFFFF  }
0xb8: {  	_ =	strace $0x90000048  }
0xb9: {  	_ =	sfence  }
0xba: {  	s30 =	sld [smem:$0x0];
	_ =	sdelay $0x2  }
0xbb: {  	s31 =	sshll.u32 s1, $0xD;
	s1 =	sshrl.u32 s1, $0x2  }
0xbc: {  	s3 =	sand.u32 $0x4000, s31;
	s1 =	sadd.s32 s1, s30  }
0xbd: {  	s0 =	sor.u32 s3, s0;
	s1 =	sshll.u32 s1, $0x11  }
0xbe: {  	s0 =	sor.u32 s1, s0  }
0xbf: {  	s0 =	sadd.s32 $0x8F2B, s0  }
0xc0: {  	[sflag:s0] =	ssyncadd.remote.s32 $0x1  }
0xc1: {  	_ =	sfence.sel $0xFFFF  }
0xc2: {  	[dreg:$0x0] =	wrdreg $0xFFFFFFFF;
	(pc) =	sbr.abs _section_cstart, $3  }
0xc3: {  	[dreg:$0x1] =	wrdreg $0xFFFFFFFF  }
0xc4: {  	_ =	task.clear_ibuf [dreg:s8], $0x2FFFF;
	_ =	strace $0x9FFFFFFF  }
0xc5: {  	(tm) =	ssettm $0x7FFFFFFF  }
tec
execute0_lowered:
.L_overlay_start_1:
0x0: {  	(tag) =	ssettag $0x1  }
0x1: {  	s4 =	rddreg [dreg:$0x0]  }
0x2: {  	s5 =	rddreg [dreg:$0x1];
	v0 =	vlaneseq.u32  }
0x3: {  	s7 =	rddreg [dreg:$0x2];
	s2 =	simm.s32 $0x0;
	v1 =	vmul.u32 $0x14, v0;
	v0 =	vand.u32 $0x1, v0  }
0x4: {  	[smem:$0x7FF] =	sst s2;
	v3 =	vmul.u32 $0x4, v0  }
0x5: {  	s0 =	rddreg [dreg:$0x3];
	_ =	strace $0x80000047;
	[tilespmem:$0x1FE40] =	vst v1  }
0x6: {  	v5 =	vor.u32 $0x1, v1;
	[tilespmem:$0x1FE50] =	vst v3  }
0x7: {  	v8 =	vor.u32 $0x2, v1;
	[tilespmem:$0x1FE60] =	vst v5  }
0x8: {  	v10 =	vor.u32 $0x3, v1;
	[tilespmem:$0x1FE80] =	vst v8  }
0x9: {  	v12 =	vadd.s32 $0x4, v1;
	[tilespmem:$0x1FEA0] =	vst v10  }
0xa: {  	v14 =	vadd.s32 $0x5, v1;
	[tilespmem:$0x1FEC0] =	vst v12  }
0xb: {  	v16 =	vadd.s32 $0x6, v1;
	[tilespmem:$0x1FEE0] =	vst v14  }
0xc: {  	v18 =	vadd.s32 $0x7, v1;
	[tilespmem:$0x1FF00] =	vst v16  }
0xd: {  	v20 =	vadd.s32 $0x8, v1;
	[tilespmem:$0x1FF20] =	vst v18  }
0xe: {  	v21 =	vadd.s32 $0x9, v1;
	[tilespmem:$0x1FF40] =	vst v20  }
0xf: {  	v22 =	vadd.s32 $0xA, v1;
	[tilespmem:$0x1FF50] =	vst v21  }
0x10: {  	v23 =	vadd.s32 $0xB, v1;
	[tilespmem:$0x1FF60] =	vst v22  }
0x11: {  	v24 =	vadd.s32 $0xC, v1;
	[tilespmem:$0x1FF70] =	vst v23  }
0x12: {  	v25 =	vadd.s32 $0xD, v1;
	[tilespmem:$0x1FF80] =	vst v24  }
0x13: {  	v26 =	vadd.s32 $0xE, v1;
	[tilespmem:$0x1FF90] =	vst v25  }
0x14: {  	v27 =	vadd.s32 $0xF, v1;
	[tilespmem:$0x1FFA0] =	vst v26  }
0x15: {  	v28 =	vadd.s32 $0x10, v1;
	[tilespmem:$0x1FFB0] =	vst v27  }
0x16: {  	v2 =	vimm.f32 $1.638400000e+04;
	v29 =	vadd.s32 $0x11, v1;
	[tilespmem:$0x1FFC0] =	vst v28  }
0x17: {  	s3 =	srdreg.scid;
	s25 =	stileid.u32;
	s12 =	simm.s32 $0x5;
	(erf) = vrcp.f32 v2;
	v30 =	vadd.s32 $0x12, v1;
	[tilespmem:$0x1FFD0] =	vst v29  }
0x18: {  	s13 =	simm.s32 $0x5000;
	s15 =	simm.s32 $0x80;
	s17 =	simm.s32 $0x7240;
	v31 =	vadd.s32 $0x13, v1;
	[tilespmem:$0x1FFE0] =	vst v30  }
0x19: {  	s18 =	simm.s32 $0x100;
	s19 =	simm.s32 $0x9240;
	s20 =	simm.s32 $0x180;
	v7 =	vor.u32 $0x1, v3;
	[tilespmem:$0x1FFF0] =	vst v31  }
0x1a: {  	s21 =	simm.s32 $0xB240;
	s22 =	simm.s32 $0xD240;
	s23 =	simm.s32 $0x20;
	v0 =	vmul.u32 $0xFFFFFFFC, v0;
	v9 =	vor.u32 $0x2, v3;
	[tilespmem:$0x1FE70] =	vst v7  }
0x1b: {  	s24 =	simm.s32 $0x19240;
	s26 =	simm.s32 $0x0;
	s8 =	sand.u32 $0x1, s3;
	v11 =	vor.u32 $0x3, v3;
	[tilespmem:$0x1FE90] =	vst v9  }
0x1c: {  	s30 =	sshll.u32 s25, $0x7;
	s3 =	sadd.s32 $0xF42C00, s4;
	s31 =	sshll.u32 s25, $0x4;
	v13 =	vadd.s32 $0x4, v0;
	[tilespmem:$0x1FEB0] =	vst v11  }
0x1d: {  	p0 =	sne.s32 s25, $0x0;
	s25 =	simm.s32 $0x1A270;
	s6 =	sshll.u32 s8, $0x6;
	v15 =	vadd.s32 $0x5, v0;
	[tilespmem:$0x1FED0] =	vst v13  }
0x1e: {  	s9 =	ssub.s32 $0x2, s8;
	s8 =	sshll.u32 s8, $0x1;
	s6 =	sor.u32 s6, s30;
	v17 =	vadd.s32 $0x6, v0;
	[tilespmem:$0x1FEF0] =	vst v15  }
0x1f: {  	s10 =	sshrl.u32 s9, $0x1;
	s7 =	sadd.s32 s7, s8;
	s4 =	sadd.s32 s6, s4;
	v19 =	vadd.s32 $0x7, v0;
	[tilespmem:$0x1FF10] =	vst v17  }
0x20: {  	s9 =	ssub.s32 s9, s10;
	s5 =	sadd.s32 s5, s6;
	s6 =	sadd.s32 s31, s0;
	[tilespmem:$0x1FF30] =	vst v19;
	v0 =	vpop (erf)  }
0x21: {  	s4 =	sadd.s32 $0x800, s4;
	s8 =	smax.u32 s9, $0x1;
	s9 =	simm.s32 $0x200;
	[tilespmem:$0x1FE30] =	vst v0  }
.LBB2_1:
0x22: {  	s0 =	simm.s32 $0x4000;
	s1 =	simm.s32 $0x2800  }
0x23: {  	[tilespmem:s1], [sflag:$0x5] =	stream.strided.gather [hbm4b:s4+s9], $0x2800, s0, s9, $0x38;
	[tilespmem:$0x1A3A0] =	vst v63  }
0x24: {  	_ =	swait.ge [sflag:s12], $0x2800  }
0x25: {  	[sflag:s12] =	ssyncset.done $0x0  }
0x26: {  	[sflag:s12] =	ssyncadd.s32 $0xFFFFD800  }
0x27: {  	[tilespmem:s13], [sflag:$0x5] =	stream.linear.gather [hbm4b:s5+s2], $0x200, $0x38;
	[tilespmem:$0x1A3A0] =	vst v63  }
0x28: {  	v0 =	vmov s2;
	_ =	swait.ge [sflag:s12], $0x200  }
0x29: {  	v0 =	vmul.u32 $0x14, v0;
	[sflag:s12] =	ssyncset.done $0x0  }
0x2a: {  	s31 =	simm.s32 $0x5200;
	[sflag:s12] =	ssyncadd.s32 $0xFFFFFE00  }
0x2b: {  	v0 =	vbroadcast v0, $0x0;
	[tilespmem:s31], [sflag:$0x5] =	stream.linear.gather [hbm4b:s3+s2], $0x40, $0x38;
	[tilespmem:$0x1A3A0] =	vst v63  }
0x2c: {  	_ =	swait.ge [sflag:s12], $0x40  }
0x2d: {  	v2 =	vadd.s32 v1, v0;
	[sflag:s12] =	ssyncset.done $0x0  }
0x2e: {  	s28 =	simm.s32 $0x3C00;
	v2 =	vand.u32 $0xFFFFFFF8, v2;
	[sflag:s12] =	ssyncadd.s32 $0xFFFFFFC0  }
0x2f: {  	v2 =	vor.u32 v3, v2;
	v4 =	vld [tilespmem:s28+$0xFFFFEC00];
	_ =	sdelay $0x3  }
0x30: {  	v6 =	vadd.s32 v5, v0  }
0x31: {  	[tilespmem:v2+s2+$0x0] =	vst.idx.msk $0xffff, v4;
	v2 =	vand.u32 $0xFFFFFFF8, v6  }
0x32: {  	v4 =	vld [tilespmem:s28+$0xFFFFEE00];
	v2 =	vor.u32 v7, v2;
	_ =	sdelay $0x3  }
0x33: {  	v6 =	vadd.s32 v8, v0  }
0x34: {  	[tilespmem:v2+s2+$0x0] =	vst.idx.msk $0xffff, v4;
	v2 =	vand.u32 $0xFFFFFFF8, v6  }
0x35: {  	v4 =	vld [tilespmem:s28+$0xFFFFF000];
	v2 =	vor.u32 v9, v2;
	_ =	sdelay $0x3  }
0x36: {  	v6 =	vadd.s32 v10, v0  }
0x37: {  	[tilespmem:v2+s2+$0x0] =	vst.idx.msk $0xffff, v4;
	v2 =	vand.u32 $0xFFFFFFF8, v6  }
0x38: {  	v4 =	vld [tilespmem:s28+$0xFFFFF200];
	v2 =	vor.u32 v11, v2;
	_ =	sdelay $0x3  }
0x39: {  	v6 =	vadd.s32 v12, v0  }
0x3a: {  	[tilespmem:v2+s2+$0x0] =	vst.idx.msk $0xffff, v4;
	v2 =	vand.u32 $0xFFFFFFF8, v6  }
0x3b: {  	v4 =	vld [tilespmem:s28+$0xFFFFF400];
	v2 =	vor.u32 v13, v2;
	_ =	sdelay $0x3  }
0x3c: {  	v6 =	vadd.s32 v14, v0  }
0x3d: {  	[tilespmem:v2+s2+$0x0] =	vst.idx.msk $0xffff, v4;
	v2 =	vand.u32 $0xFFFFFFF8, v6  }
0x3e: {  	v4 =	vld [tilespmem:s28+$0xFFFFF600];
	v2 =	vor.u32 v15, v2;
	_ =	sdelay $0x3  }
0x3f: {  	v6 =	vadd.s32 v16, v0  }
0x40: {  	[tilespmem:v2+s2+$0x0] =	vst.idx.msk $0xffff, v4;
	v2 =	vand.u32 $0xFFFFFFF8, v6  }
0x41: {  	v4 =	vld [tilespmem:s28+$0xFFFFF800];
	v2 =	vor.u32 v17, v2;
	_ =	sdelay $0x3  }
0x42: {  	v6 =	vadd.s32 v18, v0  }
0x43: {  	[tilespmem:v2+s2+$0x0] =	vst.idx.msk $0xffff, v4;
	v2 =	vand.u32 $0xFFFFFFF8, v6  }
0x44: {  	v4 =	vld [tilespmem:s28+$0xFFFFFA00];
	v2 =	vor.u32 v19, v2;
	_ =	sdelay $0x3  }
0x45: {  	v6 =	vadd.s32 v20, v0  }
0x46: {  	[tilespmem:v2+s2+$0x0] =	vst.idx.msk $0xffff, v4;
	v2 =	vand.u32 $0xFFFFFFF8, v6  }
0x47: {  	v4 =	vld [tilespmem:s28+$0xFFFFFC00];
	v2 =	vor.u32 v3, v2;
	_ =	sdelay $0x3  }
0x48: {  	v6 =	vadd.s32 v21, v0  }
0x49: {  	[tilespmem:v2+s2+$0x0] =	vst.idx.msk $0xffff, v4;
	v2 =	vand.u32 $0xFFFFFFF8, v6  }
0x4a: {  	v4 =	vld [tilespmem:s28+$0xFFFFFE00];
	v2 =	vor.u32 v7, v2;
	_ =	sdelay $0x3  }
0x4b: {  	v6 =	vadd.s32 v22, v0  }
0x4c: {  	[tilespmem:v2+s2+$0x0] =	vst.idx.msk $0xffff, v4;
	v2 =	vand.u32 $0xFFFFFFF8, v6  }
0x4d: {  	v4 =	vld [tilespmem:s28+$0x0];
	v2 =	vor.u32 v9, v2;
	_ =	sdelay $0x3  }
0x4e: {  	v6 =	vadd.s32 v23, v0  }
0x4f: {  	[tilespmem:v2+s2+$0x0] =	vst.idx.msk $0xffff, v4;
	v2 =	vand.u32 $0xFFFFFFF8, v6  }
0x50: {  	v4 =	vld [tilespmem:s28+$0x200];
	v2 =	vor.u32 v11, v2;
	_ =	sdelay $0x3  }
0x51: {  	v6 =	vadd.s32 v24, v0  }
0x52: {  	[tilespmem:v2+s2+$0x0] =	vst.idx.msk $0xffff, v4;
	v2 =	vand.u32 $0xFFFFFFF8, v6  }
0x53: {  	v4 =	vld [tilespmem:s28+$0x400];
	v2 =	vor.u32 v13, v2;
	_ =	sdelay $0x3  }
0x54: {  	v6 =	vadd.s32 v25, v0  }
0x55: {  	[tilespmem:v2+s2+$0x0] =	vst.idx.msk $0xffff, v4;
	v2 =	vand.u32 $0xFFFFFFF8, v6  }
0x56: {  	v4 =	vld [tilespmem:s28+$0x600];
	v2 =	vor.u32 v15, v2;
	_ =	sdelay $0x3  }
0x57: {  	v6 =	vadd.s32 v26, v0  }
0x58: {  	[tilespmem:v2+s2+$0x0] =	vst.idx.msk $0xffff, v4;
	v2 =	vand.u32 $0xFFFFFFF8, v6  }
0x59: {  	v4 =	vld [tilespmem:s28+$0x800];
	v2 =	vor.u32 v17, v2;
	_ =	sdelay $0x3  }
0x5a: {  	v6 =	vadd.s32 v27, v0  }
0x5b: {  	[tilespmem:v2+s2+$0x0] =	vst.idx.msk $0xffff, v4;
	v2 =	vand.u32 $0xFFFFFFF8, v6  }
0x5c: {  	v4 =	vld [tilespmem:s28+$0xA00];
	v2 =	vor.u32 v19, v2;
	_ =	sdelay $0x3  }
0x5d: {  	v6 =	vadd.s32 v28, v0  }
0x5e: {  	[tilespmem:v2+s2+$0x0] =	vst.idx.msk $0xffff, v4;
	v2 =	vand.u32 $0xFFFFFFF8, v6  }
0x5f: {  	v4 =	vld [tilespmem:s28+$0xC00];
	v2 =	vor.u32 v3, v2;
	_ =	sdelay $0x3  }
0x60: {  	v6 =	vadd.s32 v29, v0  }
0x61: {  	[tilespmem:v2+s2+$0x0] =	vst.idx.msk $0xffff, v4;
	v2 =	vand.u32 $0xFFFFFFF8, v6  }
0x62: {  	v4 =	vld [tilespmem:s28+$0xE00];
	v2 =	vor.u32 v7, v2;
	_ =	sdelay $0x3  }
0x63: {  	v6 =	vadd.s32 v30, v0  }
0x64: {  	[tilespmem:v2+s2+$0x0] =	vst.idx.msk $0xffff, v4;
	v2 =	vand.u32 $0xFFFFFFF8, v6  }
0x65: {  	v4 =	vld [tilespmem:s28+$0x1000];
	v2 =	vor.u32 v9, v2;
	_ =	sdelay $0x3  }
0x66: {  	s29 =	simm.s32 $0x10;
	v6 =	vadd.s32 v31, v0  }
0x67: {  	v0 =	vmov s29;
	s29 =	simm.s32 $0x20;
	[tilespmem:v2+s2+$0x0] =	vst.idx.msk $0xffff, v4;
	v2 =	vand.u32 $0xFFFFFFF8, v6  }
.LBB2_2:
0x68: {  	p1 =	sne.s32 s29, $0x1F0;
	v0 =	vmul.u32 $0x14, v0;
	v4 =	vld [tilespmem:s28+$0x1200];
	v2 =	vor.u32 v11, v2;
	_ =	sdelay $0x1  }
0x69: {  	v0 =	vbroadcast v0, $0x0;
	_ =	sdelay $0x1  }
0x6a: {  	v6 =	vadd.s32 v1, v0  }
0x6b: {  	s28 =	sadd.s32 $0x10, s28;
	v6 =	vand.u32 $0xFFFFFFF8, v6;
	[tilespmem:v2+s2+$0x0] =	vst.idx.msk $0xffff, v4  }
0x6c: {  	v2 =	vld [tilespmem:s28+$0xFFFFEC00];
	v4 =	vor.u32 v3, v6;
	_ =	sdelay $0x3  }
0x6d: {  	v6 =	vadd.s32 v5, v0  }
0x6e: {  	[tilespmem:v4+s2+$0x0] =	vst.idx.msk $0xffff, v2;
	v2 =	vand.u32 $0xFFFFFFF8, v6  }
0x6f: {  	v4 =	vld [tilespmem:s28+$0xFFFFEE00];
	v2 =	vor.u32 v7, v2;
	_ =	sdelay $0x3  }
0x70: {  	v6 =	vadd.s32 v8, v0  }
0x71: {  	[tilespmem:v2+s2+$0x0] =	vst.idx.msk $0xffff, v4;
	v2 =	vand.u32 $0xFFFFFFF8, v6  }
0x72: {  	v4 =	vld [tilespmem:s28+$0xFFFFF000];
	v2 =	vor.u32 v9, v2;
	_ =	sdelay $0x3  }
0x73: {  	v6 =	vadd.s32 v10, v0  }
0x74: {  	[tilespmem:v2+s2+$0x0] =	vst.idx.msk $0xffff, v4;
	v2 =	vand.u32 $0xFFFFFFF8, v6  }
0x75: {  	v4 =	vld [tilespmem:s28+$0xFFFFF200];
	v2 =	vor.u32 v11, v2;
	_ =	sdelay $0x3  }
0x76: {  	v6 =	vadd.s32 v12, v0  }
0x77: {  	[tilespmem:v2+s2+$0x0] =	vst.idx.msk $0xffff, v4;
	v2 =	vand.u32 $0xFFFFFFF8, v6  }
0x78: {  	v4 =	vld [tilespmem:s28+$0xFFFFF400];
	v2 =	vor.u32 v13, v2;
	_ =	sdelay $0x3  }
0x79: {  	v6 =	vadd.s32 v14, v0  }
0x7a: {  	[tilespmem:v2+s2+$0x0] =	vst.idx.msk $0xffff, v4;
	v2 =	vand.u32 $0xFFFFFFF8, v6  }
0x7b: {  	v4 =	vld [tilespmem:s28+$0xFFFFF600];
	v2 =	vor.u32 v15, v2;
	_ =	sdelay $0x3  }
0x7c: {  	v6 =	vadd.s32 v16, v0  }
0x7d: {  	[tilespmem:v2+s2+$0x0] =	vst.idx.msk $0xffff, v4;
	v2 =	vand.u32 $0xFFFFFFF8, v6  }
0x7e: {  	v4 =	vld [tilespmem:s28+$0xFFFFF800];
	v2 =	vor.u32 v17, v2;
	_ =	sdelay $0x3  }
0x7f: {  	v6 =	vadd.s32 v18, v0  }
0x80: {  	[tilespmem:v2+s2+$0x0] =	vst.idx.msk $0xffff, v4;
	v2 =	vand.u32 $0xFFFFFFF8, v6  }
0x81: {  	v4 =	vld [tilespmem:s28+$0xFFFFFA00];
	v2 =	vor.u32 v19, v2;
	_ =	sdelay $0x3  }
0x82: {  	v6 =	vadd.s32 v20, v0  }
0x83: {  	[tilespmem:v2+s2+$0x0] =	vst.idx.msk $0xffff, v4;
	v2 =	vand.u32 $0xFFFFFFF8, v6  }
0x84: {  	v4 =	vld [tilespmem:s28+$0xFFFFFC00];
	v2 =	vor.u32 v3, v2;
	_ =	sdelay $0x3  }
0x85: {  	v6 =	vadd.s32 v21, v0  }
0x86: {  	[tilespmem:v2+s2+$0x0] =	vst.idx.msk $0xffff, v4;
	v2 =	vand.u32 $0xFFFFFFF8, v6  }
0x87: {  	v4 =	vld [tilespmem:s28+$0xFFFFFE00];
	v2 =	vor.u32 v7, v2;
	_ =	sdelay $0x3  }
0x88: {  	v6 =	vadd.s32 v22, v0  }
0x89: {  	[tilespmem:v2+s2+$0x0] =	vst.idx.msk $0xffff, v4;
	v2 =	vand.u32 $0xFFFFFFF8, v6  }
0x8a: {  	v4 =	vld [tilespmem:s28+$0x0];
	v2 =	vor.u32 v9, v2;
	_ =	sdelay $0x3  }
0x8b: {  	v6 =	vadd.s32 v23, v0  }
0x8c: {  	[tilespmem:v2+s2+$0x0] =	vst.idx.msk $0xffff, v4;
	v2 =	vand.u32 $0xFFFFFFF8, v6  }
0x8d: {  	v4 =	vld [tilespmem:s28+$0x200];
	v2 =	vor.u32 v11, v2;
	_ =	sdelay $0x3  }
0x8e: {  	v6 =	vadd.s32 v24, v0  }
0x8f: {  	[tilespmem:v2+s2+$0x0] =	vst.idx.msk $0xffff, v4;
	v2 =	vand.u32 $0xFFFFFFF8, v6  }
0x90: {  	v4 =	vld [tilespmem:s28+$0x400];
	v2 =	vor.u32 v13, v2;
	_ =	sdelay $0x3  }
0x91: {  	v6 =	vadd.s32 v25, v0  }
0x92: {  	[tilespmem:v2+s2+$0x0] =	vst.idx.msk $0xffff, v4;
	v2 =	vand.u32 $0xFFFFFFF8, v6  }
0x93: {  	v4 =	vld [tilespmem:s28+$0x600];
	v2 =	vor.u32 v15, v2;
	_ =	sdelay $0x3  }
0x94: {  	v6 =	vadd.s32 v26, v0  }
0x95: {  	[tilespmem:v2+s2+$0x0] =	vst.idx.msk $0xffff, v4;
	v2 =	vand.u32 $0xFFFFFFF8, v6  }
0x96: {  	v4 =	vld [tilespmem:s28+$0x800];
	v2 =	vor.u32 v17, v2;
	_ =	sdelay $0x3  }
0x97: {  	v6 =	vadd.s32 v27, v0  }
0x98: {  	[tilespmem:v2+s2+$0x0] =	vst.idx.msk $0xffff, v4;
	v2 =	vand.u32 $0xFFFFFFF8, v6  }
0x99: {  	v4 =	vld [tilespmem:s28+$0xA00];
	v2 =	vor.u32 v19, v2;
	_ =	sdelay $0x3  }
0x9a: {  	v6 =	vadd.s32 v28, v0  }
0x9b: {  	[tilespmem:v2+s2+$0x0] =	vst.idx.msk $0xffff, v4;
	v2 =	vand.u32 $0xFFFFFFF8, v6  }
0x9c: {  	v4 =	vld [tilespmem:s28+$0xC00];
	v2 =	vor.u32 v3, v2;
	_ =	sdelay $0x3  }
0x9d: {  	v6 =	vadd.s32 v29, v0  }
0x9e: {  	[tilespmem:v2+s2+$0x0] =	vst.idx.msk $0xffff, v4;
	v2 =	vand.u32 $0xFFFFFFF8, v6  }
0x9f: {  	v4 =	vld [tilespmem:s28+$0xE00];
	v2 =	vor.u32 v7, v2;
	_ =	sdelay $0x3  }
0xa0: {  	v6 =	vadd.s32 v30, v0  }
0xa1: {  	[tilespmem:v2+s2+$0x0] =	vst.idx.msk $0xffff, v4;
	v2 =	vand.u32 $0xFFFFFFF8, v6  }
0xa2: {  	v4 =	vld [tilespmem:s28+$0x1000];
	v2 =	vor.u32 v9, v2  }
.Ltmp0:
0xa3: {  	(pc) =	sbr.rel @p1 .LBB2_2-.Ltmp0, $3  }
0xa4: {  	_ =	sdelay $0x1  }
0xa5: {  	v6 =	vadd.s32 v31, v0  }
0xa6: {  	v0 =	vmov s29;
	s29 =	sadd.s32 $0x10, s29;
	[tilespmem:v2+s2+$0x0] =	vst.idx.msk $0xffff, v4;
	v2 =	vand.u32 $0xFFFFFFF8, v6  }
0xa7: {  	v0 =	vmul.u32 $0x14, v0;
	v4 =	vld [tilespmem:s28+$0x1200];
	v2 =	vor.u32 v11, v2;
	_ =	sdelay $0x1  }
0xa8: {  	v0 =	vbroadcast v0, $0x0;
	_ =	sdelay $0x1  }
0xa9: {  	v6 =	vadd.s32 v1, v0  }
0xaa: {  	s28 =	sadd.s32 $0x10, s28;
	v6 =	vand.u32 $0xFFFFFFF8, v6;
	[tilespmem:v2+s2+$0x0] =	vst.idx.msk $0xffff, v4  }
0xab: {  	v2 =	vld [tilespmem:s28+$0xFFFFEC00];
	v61 =	vor.u32 v3, v6;
	_ =	sdelay $0x3  }
0xac: {  	v62 =	vadd.s32 v5, v0  }
0xad: {  	v63 =	vand.u32 $0xFFFFFFF8, v62;
	[tilespmem:v61+s2+$0x0] =	vst.idx.msk $0xffff, v2  }
0xae: {  	v2 =	vor.u32 v7, v63;
	v4 =	vld [tilespmem:s28+$0xFFFFEE00];
	_ =	sdelay $0x3  }
0xaf: {  	v1 =	vadd.s32 v8, v0  }
0xb0: {  	v8 =	vand.u32 $0xFFFFFFF8, v1;
	[tilespmem:v2+s2+$0x0] =	vst.idx.msk $0xffff, v4  }
0xb1: {  	v2 =	vor.u32 v9, v8;
	v4 =	vld [tilespmem:s28+$0xFFFFF000];
	_ =	sdelay $0x3  }
0xb2: {  	v32 =	vadd.s32 v10, v0  }
0xb3: {  	v33 =	vand.u32 $0xFFFFFFF8, v32;
	[tilespmem:v2+s2+$0x0] =	vst.idx.msk $0xffff, v4  }
0xb4: {  	v2 =	vor.u32 v11, v33;
	v4 =	vld [tilespmem:s28+$0xFFFFF200];
	_ =	sdelay $0x3  }
0xb5: {  	v34 =	vadd.s32 v12, v0  }
0xb6: {  	v35 =	vand.u32 $0xFFFFFFF8, v34;
	[tilespmem:v2+s2+$0x0] =	vst.idx.msk $0xffff, v4  }
0xb7: {  	v2 =	vor.u32 v13, v35;
	v4 =	vld [tilespmem:s28+$0xFFFFF400];
	_ =	sdelay $0x3  }
0xb8: {  	v36 =	vadd.s32 v14, v0  }
0xb9: {  	v37 =	vand.u32 $0xFFFFFFF8, v36;
	[tilespmem:v2+s2+$0x0] =	vst.idx.msk $0xffff, v4  }
0xba: {  	v2 =	vor.u32 v15, v37;
	v4 =	vld [tilespmem:s28+$0xFFFFF600];
	_ =	sdelay $0x3  }
0xbb: {  	v38 =	vadd.s32 v16, v0  }
0xbc: {  	v39 =	vand.u32 $0xFFFFFFF8, v38;
	[tilespmem:v2+s2+$0x0] =	vst.idx.msk $0xffff, v4  }
0xbd: {  	v2 =	vor.u32 v17, v39;
	v4 =	vld [tilespmem:s28+$0xFFFFF800];
	_ =	sdelay $0x3  }
0xbe: {  	v40 =	vadd.s32 v18, v0  }
0xbf: {  	v41 =	vand.u32 $0xFFFFFFF8, v40;
	[tilespmem:v2+s2+$0x0] =	vst.idx.msk $0xffff, v4  }
0xc0: {  	v2 =	vor.u32 v19, v41;
	v4 =	vld [tilespmem:s28+$0xFFFFFA00];
	_ =	sdelay $0x3  }
0xc1: {  	v42 =	vadd.s32 v20, v0  }
0xc2: {  	v43 =	vand.u32 $0xFFFFFFF8, v42;
	[tilespmem:v2+s2+$0x0] =	vst.idx.msk $0xffff, v4  }
0xc3: {  	v2 =	vor.u32 v3, v43;
	v4 =	vld [tilespmem:s28+$0xFFFFFC00];
	_ =	sdelay $0x3  }
0xc4: {  	v44 =	vadd.s32 v21, v0  }
0xc5: {  	v45 =	vand.u32 $0xFFFFFFF8, v44;
	[tilespmem:v2+s2+$0x0] =	vst.idx.msk $0xffff, v4  }
0xc6: {  	v2 =	vor.u32 v7, v45;
	v4 =	vld [tilespmem:s28+$0xFFFFFE00];
	_ =	sdelay $0x3  }
0xc7: {  	v46 =	vadd.s32 v22, v0  }
0xc8: {  	v47 =	vand.u32 $0xFFFFFFF8, v46;
	[tilespmem:v2+s2+$0x0] =	vst.idx.msk $0xffff, v4  }
0xc9: {  	v2 =	vor.u32 v9, v47;
	v4 =	vld [tilespmem:s28+$0x0];
	_ =	sdelay $0x3  }
0xca: {  	v48 =	vadd.s32 v23, v0  }
0xcb: {  	v49 =	vand.u32 $0xFFFFFFF8, v48;
	[tilespmem:v2+s2+$0x0] =	vst.idx.msk $0xffff, v4  }
0xcc: {  	v2 =	vor.u32 v11, v49;
	v4 =	vld [tilespmem:s28+$0x200];
	_ =	sdelay $0x3  }
0xcd: {  	v50 =	vadd.s32 v24, v0  }
0xce: {  	v51 =	vand.u32 $0xFFFFFFF8, v50;
	[tilespmem:v2+s2+$0x0] =	vst.idx.msk $0xffff, v4  }
0xcf: {  	v2 =	vor.u32 v13, v51;
	v4 =	vld [tilespmem:s28+$0x400];
	_ =	sdelay $0x3  }
0xd0: {  	v52 =	vadd.s32 v25, v0  }
0xd1: {  	v53 =	vand.u32 $0xFFFFFFF8, v52;
	[tilespmem:v2+s2+$0x0] =	vst.idx.msk $0xffff, v4  }
0xd2: {  	v2 =	vor.u32 v15, v53;
	v4 =	vld [tilespmem:s28+$0x600];
	_ =	sdelay $0x3  }
0xd3: {  	v54 =	vadd.s32 v26, v0  }
0xd4: {  	v55 =	vand.u32 $0xFFFFFFF8, v54;
	[tilespmem:v2+s2+$0x0] =	vst.idx.msk $0xffff, v4  }
0xd5: {  	v2 =	vor.u32 v17, v55;
	v4 =	vld [tilespmem:s28+$0x800];
	_ =	sdelay $0x3  }
0xd6: {  	v56 =	vadd.s32 v27, v0  }
0xd7: {  	v57 =	vand.u32 $0xFFFFFFF8, v56;
	[tilespmem:v2+s2+$0x0] =	vst.idx.msk $0xffff, v4  }
0xd8: {  	v2 =	vor.u32 v19, v57;
	v4 =	vld [tilespmem:s28+$0xA00];
	_ =	sdelay $0x3  }
0xd9: {  	v58 =	vadd.s32 v28, v0  }
0xda: {  	v59 =	vand.u32 $0xFFFFFFF8, v58;
	[tilespmem:v2+s2+$0x0] =	vst.idx.msk $0xffff, v4  }
0xdb: {  	v2 =	vor.u32 v3, v59;
	v4 =	vld [tilespmem:s28+$0xC00];
	_ =	sdelay $0x3  }
0xdc: {  	v60 =	vadd.s32 v29, v0  }
0xdd: {  	v61 =	vand.u32 $0xFFFFFFF8, v60;
	[tilespmem:v2+s2+$0x0] =	vst.idx.msk $0xffff, v4  }
0xde: {  	v2 =	vor.u32 v7, v61;
	v4 =	vld [tilespmem:s28+$0xE00];
	_ =	sdelay $0x3  }
0xdf: {  	v62 =	vadd.s32 v30, v0  }
0xe0: {  	v63 =	vand.u32 $0xFFFFFFF8, v62;
	[tilespmem:v2+s2+$0x0] =	vst.idx.msk $0xffff, v4  }
0xe1: {  	v2 =	vor.u32 v9, v63;
	v4 =	vld [tilespmem:s28+$0x1000];
	_ =	sdelay $0x3  }
0xe2: {  	v0 =	vadd.s32 v31, v0  }
0xe3: {  	v0 =	vand.u32 $0xFFFFFFF8, v0;
	[tilespmem:v2+s2+$0x0] =	vst.idx.msk $0xffff, v4  }
0xe4: {  	v0 =	vor.u32 v11, v0;
	v2 =	vld [tilespmem:s28+$0x1200];
	_ =	sdelay $0x4  }
0xe5: {  	s0 =	simm.s32 $0x5240;
	s28 =	simm.s32 $0x0;
	[tilespmem:v0+s2+$0x0] =	vst.idx.msk $0xffff, v2  }
0xe6: {  	[tilespmem:s0], [sflag:$0x1] =	stream.indirect.gather [hbm4b:s3+s15], $0x40, s28, s15, $0xb8;
	[tilespmem:$0x1A3A0] =	vst v63  }
0xe7: {  	_ = 	snop  }
0xe8: {  	[tilespmem:s17], [sflag:$0x1] =	stream.indirect.gather [hbm4b:s3+s15], $0x40, s15, s15, $0xb8;
	[tilespmem:$0x1A3A0] =	vst v63  }
0xe9: {  	_ = 	snop  }
0xea: {  	[tilespmem:s19], [sflag:$0x1] =	stream.indirect.gather [hbm4b:s3+s15], $0x40, s18, s15, $0xb8;
	[tilespmem:$0x1A3A0] =	vst v63  }
0xeb: {  	_ = 	snop  }
0xec: {  	[tilespmem:s21], [sflag:$0x1] =	stream.indirect.gather [hbm4b:s3+s15], $0x40, s20, s15, $0xb8;
	[tilespmem:$0x1A3A0] =	vst v63  }
0xed: {  	_ = 	snop  }
0xee: {  	[tilespmem:s22], [sflag:$0x1] =	stream.indirect.gather [hbm4b:s3+s15], $0x40, s9, s15, $0xb8;
	[tilespmem:$0x1A3A0] =	vst v63  }
0xef: {  	p1 =	por $0x0, $0x0  }
0xf0: {  	v30 =	vimm.f32 $0.0e+00;
	[tilespmem:s24], [sflag:$0x3] =	stream.indirect.gather [hbm4b:s3+s23], $0x40, s13, s23, $0xb8;
	[tilespmem:$0x1A3A0] =	vst v63  }
.LBB2_5:
0xf1: {  	s30 =	sand.u32 $0x1, s28;
	p2 =	seq.s32 s28, $0xF  }
0xf2: {  	s31 =	sxor.u32 @!p2 $0x1, s30  }
0xf3: {  	s29 =	smov.u32 s28;
	s28 =	sadd.s32 $0x1, s28;
	s0 =	smul.u32 @!p2 $0x28000, s31  }
0xf4: {  	s10 =	smul.u32 @!p2 $0xA00, s28  }
0xf5: {  	s1 =	simm.s32 @!p2 $0x80;
	s0 =	sshrl.u32 @!p2 s0, $0x2  }
0xf6: {  	s14 =	sadd.s32 @!p2 $0x1, s31;
	s10 =	sshra.s32 @!p2 s10, $0x2;
	s11 =	sadd.s32 @!p2 $0x5240, s0  }
0xf7: {  	[tilespmem:s11], [sflag:s14] =	stream.indirect.gather @!p2 [hbm4b:s3+s1], $0x40, s10, s1, $0xb8;
	[tilespmem:$0x1A3A0] =	vst v63  }
0xf8: {  	s16 =	sadd.s32 @!p2 $0x80, s10;
	s11 =	sadd.s32 @!p2 $0x7240, s0  }
0xf9: {  	[tilespmem:s11], [sflag:s14] =	stream.indirect.gather @!p2 [hbm4b:s3+s1], $0x40, s16, s1, $0xb8;
	[tilespmem:$0x1A3A0] =	vst v63  }
0xfa: {  	s11 =	sadd.s32 @!p2 $0x9240, s0;
	s16 =	sadd.s32 @!p2 $0x100, s10  }
0xfb: {  	[tilespmem:s11], [sflag:s14] =	stream.indirect.gather @!p2 [hbm4b:s3+s1], $0x40, s16, s1, $0xb8;
	[tilespmem:$0x1A3A0] =	vst v63  }
0xfc: {  	s11 =	sadd.s32 @!p2 $0xB240, s0;
	s16 =	sadd.s32 @!p2 $0x180, s10  }
0xfd: {  	[tilespmem:s11], [sflag:s14] =	stream.indirect.gather @!p2 [hbm4b:s3+s1], $0x40, s16, s1, $0xb8;
	[tilespmem:$0x1A3A0] =	vst v63  }
0xfe: {  	s0 =	sadd.s32 @!p2 $0xD240, s0;
	s10 =	sadd.s32 @!p2 $0x200, s10  }
0xff: {  	[tilespmem:s0], [sflag:s14] =	stream.indirect.gather @!p2 [hbm4b:s3+s1], $0x40, s10, s1, $0xb8;
	[tilespmem:$0x1A3A0] =	vst v63  }
0x100: {  	s1 =	sshll.u32 @!p2 s28, $0x5  }
0x101: {  	s11 =	simm.s32 @!p2 $0x20;
	s0 =	sshll.u32 @!p2 s31, $0xB;
	s1 =	sand.u32 @!p2 $0x3FFFFFE0, s1  }
0x102: {  	s10 =	sadd.s32 @!p2 $0x3, s31;
	s0 =	sor.u32 @!p2 $0x19240, s0;
	s1 =	sadd.s32 @!p2 $0x5000, s1  }
0x103: {  	[tilespmem:s0], [sflag:s10] =	stream.indirect.gather @!p2 [hbm4b:s3+s11], $0x40, s1, s11, $0xb8;
	[tilespmem:$0x1A3A0] =	vst v63  }
0x104: {  	s11 =	sadd.s32 $0x1, s30  }
0x105: {  	_ =	swait.ge [sflag:s11], $0x2000  }
0x106: {  	[sflag:s11] =	ssyncset.done $0x0  }
0x107: {  	[sflag:s11] =	ssyncadd.s32 $0xFFFFE000  }
0x108: {  	_ =	swait.ge [sflag:s11], $0x2000  }
0x109: {  	[sflag:s11] =	ssyncset.done $0x0  }
0x10a: {  	[sflag:s11] =	ssyncadd.s32 $0xFFFFE000  }
0x10b: {  	_ =	swait.ge [sflag:s11], $0x2000  }
0x10c: {  	[sflag:s11] =	ssyncset.done $0x0  }
0x10d: {  	[sflag:s11] =	ssyncadd.s32 $0xFFFFE000  }
0x10e: {  	_ =	swait.ge [sflag:s11], $0x2000  }
0x10f: {  	[sflag:s11] =	ssyncset.done $0x0  }
0x110: {  	[sflag:s11] =	ssyncadd.s32 $0xFFFFE000  }
0x111: {  	_ =	swait.ge [sflag:s11], $0x2000  }
0x112: {  	[sflag:s11] =	ssyncset.done $0x0  }
0x113: {  	s14 =	sadd.s32 $0x3, s30;
	[sflag:s11] =	ssyncadd.s32 $0xFFFFE000  }
0x114: {  	_ =	swait.ge [sflag:s14], $0x800  }
0x115: {  	s16 =	sshll.u32 s29, $0x5;
	[sflag:s14] =	ssyncset.done $0x0  }
0x116: {  	s29 =	sand.u32 $0x3FFFFFE0, s16;
	[sflag:s14] =	ssyncadd.s32 $0xFFFFF800  }
0x117: {  	v0 =	vld [tilespmem:s29+$0x2800]  }
0x118: {  	v2 =	vld [tilespmem:s29+$0x2A00]  }
0x119: {  	v4 =	vld [tilespmem:s29+$0x2C00]  }
0x11a: {  	v6 =	vld [tilespmem:s29+$0x2E00]  }
0x11b: {  	v8 =	vld [tilespmem:s29+$0x3000]  }
0x11c: {  	v9 =	vld [tilespmem:s29+$0x3200]  }
0x11d: {  	v1 =	vimm.s32 $0x0;
	vm0 =	veq.s32 v0, $0x0;
	vm1 =	veq.s32 v2, $0x0;
	v0 =	vld [tilespmem:s29+$0x3400]  }
0x11e: {  	vm14 =	veq.s32 v4, $0x0;
	v4 =	vld [tilespmem:s29+$0x3600];
	v2 =	vsel vm0, $0x1, v1;
	v10 =	vsel vm1, $0x1, v1  }
0x11f: {  	vm15 =	veq.s32 v6, $0x0;
	v6 =	vld [tilespmem:s29+$0x3800];
	v2 =	vadd.s32 v2, v10;
	v10 =	vsel vm14, $0x1, v1  }
0x120: {  	vm4 =	veq.s32 v8, $0x0;
	v8 =	vld [tilespmem:s29+$0x3A00];
	v2 =	vadd.s32 v10, v2;
	v10 =	vsel vm15, $0x1, v1  }
0x121: {  	vm5 =	veq.s32 v9, $0x0;
	v9 =	vld [tilespmem:s29+$0x3C00];
	v2 =	vadd.s32 v10, v2;
	v10 =	vsel vm4, $0x1, v1  }
0x122: {  	v2 =	vadd.s32 v10, v2;
	v10 =	vsel vm5, $0x1, v1;
	vm6 =	veq.s32 v0, $0x0;
	v0 =	vld [tilespmem:s29+$0x3E00]  }
0x123: {  	vm7 =	veq.s32 v4, $0x0;
	v4 =	vld [tilespmem:s29+$0x4000];
	v2 =	vadd.s32 v10, v2;
	v10 =	vsel vm6, $0x1, v1  }
0x124: {  	vm8 =	veq.s32 v6, $0x0;
	v6 =	vld [tilespmem:s29+$0x4200];
	v2 =	vadd.s32 v10, v2;
	v10 =	vsel vm7, $0x1, v1  }
0x125: {  	vm9 =	veq.s32 v8, $0x0;
	v8 =	vld [tilespmem:s29+$0x4400];
	v2 =	vadd.s32 v10, v2;
	v10 =	vsel vm8, $0x1, v1  }
0x126: {  	vm10 =	veq.s32 v9, $0x0;
	v9 =	vld [tilespmem:s29+$0x4600];
	v2 =	vadd.s32 v10, v2;
	v10 =	vsel vm9, $0x1, v1  }
0x127: {  	v2 =	vadd.s32 v10, v2;
	v10 =	vsel vm10, $0x1, v1;
	vm11 =	veq.s32 v0, $0x0;
	v0 =	vld [tilespmem:s29+$0x4800]  }
0x128: {  	vm12 =	veq.s32 v4, $0x0;
	v4 =	vld [tilespmem:s29+$0x4A00];
	v2 =	vadd.s32 v10, v2;
	v10 =	vsel vm11, $0x1, v1  }
0x129: {  	vm13 =	veq.s32 v6, $0x0;
	v6 =	vld [tilespmem:s29+$0x4C00];
	v2 =	vadd.s32 v10, v2;
	v10 =	vsel vm12, $0x1, v1  }
0x12a: {  	vm14 =	veq.s32 v8, $0x0;
	v8 =	vld [tilespmem:s29+$0x4E00];
	v2 =	vadd.s32 v10, v2;
	v10 =	vsel vm13, $0x1, v1  }
0x12b: {  	vm15 =	veq.s32 v9, $0x0;
	v2 =	vadd.s32 v10, v2;
	v10 =	vsel vm14, $0x1, v1  }
0x12c: {  	v9 =	vsel vm15, $0x1, v1;
	v2 =	vadd.s32 v10, v2;
	vm4 =	veq.s32 v0, $0x0  }
0x12d: {  	vm5 =	veq.s32 v4, $0x0;
	v0 =	vadd.s32 v9, v2;
	v2 =	vsel vm4, $0x1, v1  }
0x12e: {  	vm6 =	veq.s32 v6, $0x0;
	v0 =	vadd.s32 v2, v0;
	v2 =	vsel vm5, $0x1, v1  }
0x12f: {  	vm7 =	veq.s32 v8, $0x0;
	v0 =	vadd.s32 v2, v0;
	v2 =	vsel vm6, $0x1, v1  }
0x130: {  	v0 =	vadd.s32 v2, v0;
	v2 =	vsel vm7, $0x1, v1  }
0x131: {  	v0 =	vadd.s32 v2, v0  }
0x132: {  	v0 =	vcvt.s32.f32 v0;
	_ =	sdelay $0x1  }
0x133: {  	[tilespmem:$0x1A240] =	vst v0  }
0x134: {  	v0 =	vld [tilespmem:s29+$0x2810]  }
0x135: {  	v2 =	vld [tilespmem:s29+$0x2A10]  }
0x136: {  	v4 =	vld [tilespmem:s29+$0x2C10]  }
0x137: {  	v6 =	vld [tilespmem:s29+$0x2E10]  }
0x138: {  	v8 =	vld [tilespmem:s29+$0x3010]  }
0x139: {  	v9 =	vld [tilespmem:s29+$0x3210]  }
0x13a: {  	vm8 =	veq.s32 v0, $0x0;
	vm9 =	veq.s32 v2, $0x0;
	v0 =	vld [tilespmem:s29+$0x3410]  }
0x13b: {  	vm10 =	veq.s32 v4, $0x0;
	v4 =	vld [tilespmem:s29+$0x3610];
	v2 =	vsel vm8, $0x1, v1;
	v10 =	vsel vm9, $0x1, v1  }
0x13c: {  	vm11 =	veq.s32 v6, $0x0;
	v6 =	vld [tilespmem:s29+$0x3810];
	v2 =	vadd.s32 v2, v10;
	v10 =	vsel vm10, $0x1, v1  }
0x13d: {  	vm12 =	veq.s32 v8, $0x0;
	v8 =	vld [tilespmem:s29+$0x3A10];
	v2 =	vadd.s32 v10, v2;
	v10 =	vsel vm11, $0x1, v1  }
0x13e: {  	vm13 =	veq.s32 v9, $0x0;
	v9 =	vld [tilespmem:s29+$0x3C10];
	v2 =	vadd.s32 v10, v2;
	v10 =	vsel vm12, $0x1, v1  }
0x13f: {  	v2 =	vadd.s32 v10, v2;
	v10 =	vsel vm13, $0x1, v1;
	vm14 =	veq.s32 v0, $0x0;
	v0 =	vld [tilespmem:s29+$0x3E10]  }
0x140: {  	vm15 =	veq.s32 v4, $0x0;
	v4 =	vld [tilespmem:s29+$0x4010];
	v2 =	vadd.s32 v10, v2;
	v10 =	vsel vm14, $0x1, v1  }
0x141: {  	vm4 =	veq.s32 v6, $0x0;
	v6 =	vld [tilespmem:s29+$0x4210];
	v2 =	vadd.s32 v10, v2;
	v10 =	vsel vm15, $0x1, v1  }
0x142: {  	vm5 =	veq.s32 v8, $0x0;
	v8 =	vld [tilespmem:s29+$0x4410];
	v2 =	vadd.s32 v10, v2;
	v10 =	vsel vm4, $0x1, v1  }
0x143: {  	vm6 =	veq.s32 v9, $0x0;
	v9 =	vld [tilespmem:s29+$0x4610];
	v2 =	vadd.s32 v10, v2;
	v10 =	vsel vm5, $0x1, v1  }
0x144: {  	v2 =	vadd.s32 v10, v2;
	v10 =	vsel vm6, $0x1, v1;
	vm7 =	veq.s32 v0, $0x0;
	v0 =	vld [tilespmem:s29+$0x4810]  }
0x145: {  	vm8 =	veq.s32 v4, $0x0;
	v4 =	vld [tilespmem:s29+$0x4A10];
	v2 =	vadd.s32 v10, v2;
	v10 =	vsel vm7, $0x1, v1  }
0x146: {  	vm9 =	veq.s32 v6, $0x0;
	v6 =	vld [tilespmem:s29+$0x4C10];
	v2 =	vadd.s32 v10, v2;
	v10 =	vsel vm8, $0x1, v1  }
0x147: {  	vm10 =	veq.s32 v8, $0x0;
	v8 =	vld [tilespmem:s29+$0x4E10];
	v2 =	vadd.s32 v10, v2;
	v10 =	vsel vm9, $0x1, v1  }
0x148: {  	vm11 =	veq.s32 v9, $0x0;
	v2 =	vadd.s32 v10, v2;
	v10 =	vsel vm10, $0x1, v1  }
0x149: {  	v9 =	vsel vm11, $0x1, v1;
	v2 =	vadd.s32 v10, v2;
	vm12 =	veq.s32 v0, $0x0  }
0x14a: {  	vm13 =	veq.s32 v4, $0x0;
	v0 =	vadd.s32 v9, v2;
	v2 =	vsel vm12, $0x1, v1  }
0x14b: {  	vm14 =	veq.s32 v6, $0x0;
	v0 =	vadd.s32 v2, v0;
	v2 =	vsel vm13, $0x1, v1  }
0x14c: {  	s29 =	simm.s32 $0x1;
	vm15 =	veq.s32 v8, $0x0;
	v0 =	vadd.s32 v2, v0;
	v2 =	vsel vm14, $0x1, v1  }
0x14d: {  	s29 =	simm.s32 @!p1 $0x0;
	v0 =	vadd.s32 v2, v0;
	v2 =	vsel vm15, $0x1, v1  }
0x14e: {  	s10 =	smul.u32 $0x28000, s29;
	v0 =	vadd.s32 v2, v0  }
0x14f: {  	v34 =	vld [tilespmem:$0x5200];
	v0 =	vcvt.s32.f32 v0  }
0x150: {  	v33 =	vld [tilespmem:$0x5210];
	s0 =	sshrl.u32 s10, $0x2  }
0x151: {  	v32 =	vld [tilespmem:$0x5220];
	s30 =	sadd.s32 $0x54C0, s0;
	[tilespmem:$0x1A250] =	vst v0  }
0x152: {  	v0 =	vld [tilespmem:s30+$0x230]  }
0x153: {  	v4 =	vld [tilespmem:s30+$0x1F0]  }
0x154: {  	v6 =	vld [tilespmem:s30+$0x220]  }
0x155: {  	v8 =	vld [tilespmem:s30+$0x1B0]  }
0x156: {  	v10 =	vld [tilespmem:s30+$0x1E0]  }
0x157: {  	v12 =	vld [tilespmem:s30+$0x170]  }
0x158: {  	v14 =	vld [tilespmem:s30+$0x1A0]  }
0x159: {  	v16 =	vld [tilespmem:s30+$0x130]  }
0x15a: {  	v17 =	vld [tilespmem:s30+$0x160]  }
0x15b: {  	v9 =	vld [tilespmem:s30+$0xF0]  }
0x15c: {  	v11 =	vld [tilespmem:s30+$0x120]  }
0x15d: {  	v13 =	vld [tilespmem:s30+$0xB0]  }
0x15e: {  	v18 =	vld [tilespmem:s30+$0xE0]  }
0x15f: {  	v19 =	vld [tilespmem:s30+$0x70]  }
0x160: {  	s11 =	simm.s32 $0x0;
	v20 =	vld [tilespmem:s30+$0xA0]  }
0x161: {  	v2 =	vld.msk [tilespmem:s11+$0x1A240 ss:$0x0], $0xffff  }
0x162: {  	v21 =	vld [tilespmem:s30+$0x30]  }
0x163: {  	v22 =	vld [tilespmem:s30+$0x60]  }
0x164: {  	v23 =	vld [tilespmem:s30+$0xFFFFFFF0]  }
0x165: {  	v24 =	vld [tilespmem:s30+$0x20]  }
0x166: {  	v25 =	vld [tilespmem:s30+$0xFFFFFFB0]  }
0x167: {  	v26 =	vld [tilespmem:s30+$0xFFFFFFE0]  }
0x168: {  	v27 =	vld [tilespmem:s30+$0xFFFFFF70]  }
0x169: {  	v28 =	vld [tilespmem:s30+$0xFFFFFFA0]  }
0x16a: {  	v29 =	vld [tilespmem:s30+$0xFFFFFF30]  }
0x16b: {  	v35 =	vld [tilespmem:s30+$0xFFFFFF60]  }
0x16c: {  	v36 =	vld [tilespmem:s30+$0xFFFFFEF0]  }
0x16d: {  	v37 =	vld [tilespmem:s30+$0xFFFFFF20]  }
0x16e: {  	v38 =	vld [tilespmem:s30+$0xFFFFFEB0]  }
0x16f: {  	v39 =	vld [tilespmem:s30+$0xFFFFFEE0]  }
0x170: {  	v40 =	vld [tilespmem:s30+$0xFFFFFDB0]  }
0x171: {  	v41 =	vld [tilespmem:s30+$0xFFFFFDF0]  }
0x172: {  	v42 =	vld [tilespmem:s30+$0xFFFFFDA0]  }
0x173: {  	v43 =	vld [tilespmem:s30+$0xFFFFFDE0]  }
0x174: {  	v44 =	vld [tilespmem:s30+$0xFFFFFD80]  }
0x175: {  	v45 =	vld [tilespmem:s30+$0xFFFFFD90]  }
0x176: {  	v46 =	vld [tilespmem:s30+$0xFFFFFDC0]  }
0x177: {  	v47 =	vld [tilespmem:s30+$0xFFFFFDD0]  }
0x178: {  	v48 =	vld [tilespmem:s30+$0xFFFFFE30]  }
0x179: {  	v49 =	vld [tilespmem:s30+$0xFFFFFE20]  }
0x17a: {  	v50 =	vld [tilespmem:s30+$0xFFFFFE00]  }
0x17b: {  	v51 =	vld [tilespmem:s30+$0xFFFFFE10]  }
0x17c: {  	v52 =	vld [tilespmem:s30+$0xFFFFFE70]  }
0x17d: {  	v53 =	vld [tilespmem:s30+$0xFFFFFE60]  }
0x17e: {  	v54 =	vld [tilespmem:s30+$0xFFFFFE40]  }
0x17f: {  	v55 =	vld [tilespmem:s30+$0xFFFFFE80];
	v40 =	vadd.f32 v41, v40  }
0x180: {  	v60 =	vld [tilespmem:s30+$0xFFFFFE50];
	v44 =	vadd.f32 v46, v44;
	v45 =	vadd.f32 v47, v45  }
0x181: {  	v61 =	vld [tilespmem:s30+$0xFFFFFEA0];
	v62 =	vsub.f32 $2.000000000e+01, v2;
	v42 =	vadd.f32 v43, v42  }
0x182: {  	v63 =	vld [tilespmem:s30+$0xFFFFFE90];
	v44 =	vadd.f32 v50, v44;
	v45 =	vadd.f32 v51, v45  }
0x183: {  	v56 =	vld [tilespmem:s30+$0xFFFFFEC0];
	v40 =	vadd.f32 v48, v40;
	v42 =	vadd.f32 v49, v42  }
0x184: {  	v57 =	vld [tilespmem:s30+$0xFFFFFED0];
	v47 =	vadd.f32 $9.999999970e-07, v62;
	v44 =	vadd.f32 v54, v44  }
0x185: {  	v58 =	vld [tilespmem:s30+$0xFFFFFF00];
	v41 =	vadd.f32 v60, v45;
	v42 =	vadd.f32 v53, v42  }
0x186: {  	v59 =	vld [tilespmem:s30+$0xFFFFFF10];
	v40 =	vadd.f32 v52, v40;
	v44 =	vadd.f32 v55, v44  }
0x187: {  	v60 =	vld [tilespmem:s30+$0xFFFFFF40];
	v41 =	vadd.f32 v63, v41;
	v42 =	vadd.f32 v61, v42  }
0x188: {  	v61 =	vld [tilespmem:s30+$0xFFFFFF50];
	v38 =	vadd.f32 v38, v40;
	v44 =	vadd.f32 v56, v44  }
0x189: {  	v62 =	vld [tilespmem:s30+$0xFFFFFF80];
	v41 =	vadd.f32 v57, v41;
	v39 =	vadd.f32 v39, v42  }
0x18a: {  	v63 =	vld [tilespmem:s30+$0xFFFFFF90];
	v36 =	vadd.f32 v36, v38;
	v50 =	vadd.f32 v58, v44  }
0x18b: {  	v51 =	vld [tilespmem:s30+$0xFFFFFFC0];
	v41 =	vadd.f32 v59, v41;
	v37 =	vadd.f32 v37, v39  }
0x18c: {  	v52 =	vld [tilespmem:s30+$0xFFFFFFD0];
	v29 =	vadd.f32 v29, v36;
	v53 =	vadd.f32 v60, v50  }
0x18d: {  	v54 =	vld [tilespmem:s30+$0x0];
	v41 =	vadd.f32 v61, v41;
	v35 =	vadd.f32 v35, v37  }
0x18e: {  	v55 =	vld [tilespmem:s30+$0x10];
	v27 =	vadd.f32 v27, v29;
	v56 =	vadd.f32 v62, v53  }
0x18f: {  	v58 =	vld [tilespmem:s30+$0x40];
	v57 =	vadd.f32 v63, v41;
	v28 =	vadd.f32 v28, v35  }
0x190: {  	v29 =	vld [tilespmem:s30+$0x50];
	v25 =	vadd.f32 v25, v27;
	v59 =	vadd.f32 v51, v56  }
0x191: {  	v61 =	vld [tilespmem:s30+$0x80];
	v60 =	vadd.f32 v52, v57;
	v26 =	vadd.f32 v26, v28  }
0x192: {  	v27 =	vld [tilespmem:s30+$0x90];
	v23 =	vadd.f32 v23, v25;
	v28 =	vadd.f32 v54, v59  }
0x193: {  	v63 =	vld [tilespmem:s30+$0xC0];
	v62 =	vadd.f32 v55, v60;
	v24 =	vadd.f32 v24, v26  }
0x194: {  	v25 =	vld [tilespmem:s30+$0xD0];
	v21 =	vadd.f32 v21, v23;
	v26 =	vadd.f32 v58, v28  }
0x195: {  	v28 =	vadd.f32 v29, v62;
	v29 =	vld [tilespmem:s30+$0x100];
	v22 =	vadd.f32 v22, v24  }
0x196: {  	v23 =	vld [tilespmem:s30+$0x110];
	v19 =	vadd.f32 v19, v21;
	v24 =	vadd.f32 v61, v26  }
0x197: {  	v26 =	vadd.f32 v27, v28;
	v27 =	vld [tilespmem:s30+$0x140];
	v20 =	vadd.f32 v20, v22  }
0x198: {  	v21 =	vld [tilespmem:s30+$0x150];
	v13 =	vadd.f32 v13, v19;
	v22 =	vadd.f32 v63, v24  }
0x199: {  	v24 =	vadd.f32 v25, v26;
	v25 =	vld [tilespmem:s30+$0x180];
	v18 =	vadd.f32 v18, v20  }
0x19a: {  	v19 =	vld [tilespmem:s30+$0x190];
	v9 =	vadd.f32 v9, v13;
	v20 =	vadd.f32 v29, v22  }
0x19b: {  	v22 =	vadd.f32 v23, v24;
	v23 =	vld [tilespmem:s30+$0x1C0];
	v11 =	vadd.f32 v11, v18  }
0x19c: {  	v13 =	vld [tilespmem:s30+$0x1D0];
	v18 =	vadd.f32 v27, v20  }
0x19d: {  	v9 =	vadd.f32 v16, v9;
	v16 =	vld [tilespmem:s30+$0x210];
	v11 =	vadd.f32 v17, v11  }
0x19e: {  	v20 =	vadd.f32 v21, v22;
	v21 =	vld [tilespmem:s30+$0x200];
	v17 =	vadd.f32 v25, v18  }
0x19f: {  	v9 =	vadd.f32 v12, v9;
	v12 =	vld [tilespmem:s30+$0x250];
	v11 =	vadd.f32 v14, v11  }
0x1a0: {  	(erf) = vrcp.f32 v47;
	v18 =	vadd.f32 v19, v20;
	v14 =	vadd.f32 v23, v17;
	v17 =	vld [tilespmem:s30+$0x260]  }
0x1a1: {  	s14 =	sshll.u32 s29, $0xB;
	v19 =	vld [tilespmem:s30+$0x240];
	v8 =	vadd.f32 v8, v9;
	v9 =	vadd.f32 v10, v11  }
0x1a2: {  	v31 =	vld [tilespmem:$0x5230];
	s29 =	sor.u32 $0x19260, s14;
	v13 =	vadd.f32 v13, v18  }
0x1a3: {  	v47 =	vld [tilespmem:s29+$0xFFFFFFF0];
	v4 =	vadd.f32 v4, v8;
	v6 =	vadd.f32 v6, v9  }
0x1a4: {  	v8 =	vld [tilespmem:s30+$0x270];
	v10 =	vadd.f32 v21, v14;
	v11 =	vadd.f32 v16, v13;
	v9 =	vmul.f32 v34, v2  }
0x1a5: {  	v46 =	vld [tilespmem:s29+$0xFFFFFFE0];
	v0 =	vadd.f32 v0, v4;
	v4 =	vadd.f32 v17, v6;
	v6 =	vmul.f32 v32, v2  }
0x1a6: {  	v49 =	vld [tilespmem:s29+$0x0];
	v10 =	vadd.f32 v19, v10;
	v11 =	vadd.f32 v12, v11;
	v12 =	vmul.f32 v33, v2  }
0x1a7: {  	s16 =	simm.s32 $0x1;
	v45 =	vld [tilespmem:s29+$0x10]  }
0x1a8: {  	v40 =	vld.msk [tilespmem:s16+$0x1A240 ss:$0x0], $0xffff;
	s30 =	sadd.s32 $0x500, s30;
	v2 =	vmul.f32 v31, v2;
	v9 =	vsub.f32 v10, v9;
	v10 =	vsub.f32 v11, v12  }
0x1a9: {  	v35 =	vld [tilespmem:s30+$0x230];
	v0 =	vadd.f32 v8, v0;
	v8 =	vmul.f32 v47, v47;
	v4 =	vsub.f32 v4, v6;
	v6 =	vpop (erf)  }
0x1aa: {  	v36 =	vld [tilespmem:s30+$0x1F0];
	v58 =	vmul.f32 v6, v9;
	v57 =	vmul.f32 v6, v10  }
0x1ab: {  	v37 =	vld [tilespmem:s30+$0x220];
	v11 =	vmul.f32 v46, v46;
	v53 =	vmul.f32 v4, v6  }
0x1ac: {  	v38 =	vld [tilespmem:s30+$0x1B0];
	v0 =	vsub.f32 v0, v2;
	v2 =	vmul.f32 v58, v58;
	v4 =	vmul.f32 v57, v57  }
0x1ad: {  	v39 =	vld [tilespmem:s30+$0x1E0];
	v8 =	vadd.f32 v8, v11;
	v9 =	vmul.f32 v49, v49  }
0x1ae: {  	v41 =	vld [tilespmem:s30+$0x170];
	v54 =	vmul.f32 v0, v6;
	v0 =	vadd.f32 v4, v2;
	v2 =	vmul.f32 v53, v53  }
0x1af: {  	v42 =	vld [tilespmem:s30+$0x1A0];
	v6 =	vmul.f32 v45, v45;
	v4 =	vadd.f32 v9, v8  }
0x1b0: {  	v43 =	vld [tilespmem:s30+$0x130];
	v0 =	vadd.f32 v2, v0;
	v2 =	vmul.f32 v54, v54  }
0x1b1: {  	v44 =	vld [tilespmem:s30+$0x160];
	v4 =	vadd.f32 v6, v4  }
0x1b2: {  	v48 =	vld [tilespmem:s30+$0xF0];
	v0 =	vadd.f32 v2, v0  }
0x1b3: {  	v50 =	vld [tilespmem:s30+$0x120];
	(xrf2) =	vadd.scan.msk.f32 $0xffff, v4  }
0x1b4: {  	v51 =	vld [tilespmem:s30+$0xB0];
	(xrf2) =	vadd.scan.msk.f32 $0xffff, v0  }
0x1b5: {  	v52 =	vld [tilespmem:s30+$0xE0]  }
0x1b6: {  	v55 =	vld [tilespmem:s30+$0x70]  }
0x1b7: {  	v56 =	vld [tilespmem:s30+$0xA0]  }
0x1b8: {  	v60 =	vld [tilespmem:s30+$0x30]  }
0x1b9: {  	v59 =	vld [tilespmem:s30+$0x60]  }
0x1ba: {  	v62 =	vld [tilespmem:s30+$0xFFFFFFF0]  }
0x1bb: {  	v61 =	vld [tilespmem:s30+$0x20]  }
0x1bc: {  	v26 =	vld [tilespmem:s30+$0xFFFFFFB0]  }
0x1bd: {  	v63 =	vld [tilespmem:s30+$0xFFFFFFE0];
	v0, _, _ =	vpop (xrf2)  }
0x1be: {  	v29 =	vld [tilespmem:s30+$0xFFFFFF70];
	v2 =	vmax.f32 v0, $1.000000000e-30;
	v4, _, _ =	vpop (xrf2)  }
0x1bf: {  	v23 =	vld [tilespmem:s30+$0xFFFFFDB0];
	v2 =	vbroadcast v2, $0xF;
	v6 =	vmax.f32 v4, $1.000000000e-30  }
0x1c0: {  	v25 =	vld [tilespmem:s30+$0xFFFFFDF0];
	v8 =	vbroadcast v6, $0xF  }
0x1c1: {  	v5 =	vld [tilespmem:s30+$0xFFFFFDA0];
	v9 =	vshra.s32 v2, $0x1  }
0x1c2: {  	v28 =	vld [tilespmem:s30+$0xFFFFFDE0];
	v18 =	vmul.f32 $5.000000000e-01, v2;
	v11 =	vshra.s32 v8, $0x1;
	v19 =	vmul.f32 $5.000000000e-01, v8  }
0x1c3: {  	v24 =	vld [tilespmem:s30+$0xFFFFFD80];
	v9 =	vsub.s32 $0x5F3759DF, v9;
	v11 =	vsub.s32 $0x5F3759DF, v11  }
0x1c4: {  	v7 =	vld [tilespmem:s30+$0xFFFFFD90];
	v17 =	vmul.f32 v9, v18;
	v13 =	vmul.f32 v11, v19  }
0x1c5: {  	v22 =	vld [tilespmem:s30+$0xFFFFFE30]  }
0x1c6: {  	v27 =	vld [tilespmem:s30+$0xFFFFFE00];
	v17 =	vmul.f32 v9, v17;
	v13 =	vmul.f32 v11, v13  }
0x1c7: {  	v14 =	vld [tilespmem:s30+$0xFFFFFEB0]  }
0x1c8: {  	v16 =	vld [tilespmem:s30+$0xFFFFFEE0];
	v17 =	vsub.f32 $1.500000000e+00, v17;
	v13 =	vsub.f32 $1.500000000e+00, v13  }
0x1c9: {  	v12 =	vld [tilespmem:s30+$0xFFFFFF20]  }
0x1ca: {  	v25 =	vadd.f32 v25, v23;
	v23 =	vld [tilespmem:s30+$0xFFFFFE20];
	v1 =	vmul.f32 v9, v17;
	v20 =	vmul.f32 v11, v13  }
0x1cb: {  	v10 =	vld [tilespmem:s30+$0xFFFFFEF0]  }
0x1cc: {  	v9 =	vld [tilespmem:s30+$0xFFFFFDC0];
	v17 =	vmul.f32 v1, v18;
	v13 =	vmul.f32 v20, v19  }
0x1cd: {  	v11 =	vld [tilespmem:s30+$0xFFFFFDD0]  }
0x1ce: {  	v0 =	vld [tilespmem:s30+$0xFFFFFFA0];
	v21 =	vmul.f32 v17, v1;
	v13 =	vmul.f32 v13, v20  }
0x1cf: {  	v4 =	vld [tilespmem:s30+$0xFFFFFF30];
	v17 =	vsub.f32 $2.000000000e+01, v40  }
0x1d0: {  	v6 =	vld [tilespmem:s30+$0xFFFFFF60];
	v3 =	vsub.f32 $1.500000000e+00, v21;
	v15 =	vsub.f32 $1.500000000e+00, v13  }
0x1d1: {  	v9 =	vadd.f32 v9, v24;
	v13 =	vadd.f32 v28, v5;
	v28 =	vld [tilespmem:s30+$0xFFFFFE10]  }
0x1d2: {  	s31 =	simm.s32 $0x8;
	v24 =	vld [tilespmem:s30+$0xFFFFFE70];
	v11 =	vadd.f32 v11, v7;
	v21 =	vmul.f32 v15, v20;
	v20 =	vmul.f32 v3, v1  }
.LBB2_6:
0x1d3: {  	p2 =	seq.s32 s31, $0x7C;
	v1 =	vadd.f32 v22, v25;
	v3 =	vld [tilespmem:s30+$0xFFFFFE60];
	v17 =	vadd.f32 $9.999999970e-07, v17  }
0x1d4: {  	v13 =	vadd.f32 v23, v13;
	v15 =	vld [tilespmem:s30+$0xFFFFFE40];
	v19 =	vmul.f32 v21, v19;
	v18 =	vmul.f32 v20, v18  }
0x1d5: {  	v25 =	vmul.f32 v47, v57;
	v23 =	vmul.f32 v46, v58;
	v9 =	vadd.f32 v27, v9;
	v22 =	vld [tilespmem:s30+$0xFFFFFE80]  }
0x1d6: {  	v11 =	vadd.f32 v28, v11;
	v27 =	vld [tilespmem:s30+$0xFFFFFE50];
	v19 =	vmul.f32 v19, v21;
	v18 =	vmul.f32 v18, v20  }
0x1d7: {  	v23 =	vadd.f32 v25, v23;
	v1 =	vadd.f32 v24, v1;
	v24 =	vld [tilespmem:s30+$0xFFFFFEA0]  }
0x1d8: {  	v28 =	vmul.f32 v49, v53;
	v25 =	vld [tilespmem:s30+$0xFFFFFE90];
	v19 =	vsub.f32 $1.500000000e+00, v19;
	v18 =	vsub.f32 $1.500000000e+00, v18  }
0x1d9: {  	v3 =	vadd.f32 v3, v13;
	v9 =	vadd.f32 v15, v9;
	v13 =	vld [tilespmem:s30+$0xFFFFFEC0];
	v15 =	vmul.f32 v45, v54  }
0x1da: {  	v23 =	vadd.f32 v28, v23;
	v45 =	vld [tilespmem:s30+$0xFFFFFED0];
	v19 =	vmul.f32 v19, v21;
	v18 =	vmul.f32 v18, v20  }
0x1db: {  	v11 =	vadd.f32 v27, v11;
	v9 =	vadd.f32 v22, v9;
	v20 =	vld [tilespmem:s30+$0xFFFFFF00]  }
0x1dc: {  	v15 =	vadd.f32 v15, v23;
	v21 =	vld [tilespmem:s30+$0xFFFFFF10];
	v8 =	vmul.f32 v19, v8;
	v2 =	vmul.f32 v18, v2  }
0x1dd: {  	v3 =	vadd.f32 v24, v3;
	v11 =	vadd.f32 v25, v11;
	v18 =	vld [tilespmem:s30+$0xFFFFFF40]  }
0x1de: {  	v9 =	vadd.f32 v13, v9;
	v13 =	vld [tilespmem:s30+$0xFFFFFF50];
	v8 =	vmax.f32 v8, $9.999999930e-09;
	v2 =	vmax.f32 v2, $9.999999930e-09;
	(xrf2) =	vadd.scan.msk.f32 $0xffff, v15  }
0x1df: {  	v1 =	vadd.f32 v14, v1;
	v11 =	vadd.f32 v45, v11;
	v14 =	vld [tilespmem:s30+$0xFFFFFF80];
	v2 =	vmul.f32 v2, v8  }
0x1e0: {  	v3 =	vadd.f32 v16, v3;
	v8 =	vadd.f32 v20, v9;
	v9 =	vld [tilespmem:s30+$0xFFFFFF90]  }
0x1e1: {  	v1 =	vadd.f32 v10, v1;
	v10 =	vadd.f32 v21, v11;
	v11 =	vld [tilespmem:s30+$0xFFFFFFC0];
	(erf) = vrcp.f32 v2  }
0x1e2: {  	v2 =	vadd.f32 v12, v3;
	v3 =	vadd.f32 v18, v8;
	v8 =	vld [tilespmem:s30+$0xFFFFFFD0]  }
0x1e3: {  	v1 =	vadd.f32 v4, v1;
	v4 =	vadd.f32 v13, v10;
	v10 =	vld [tilespmem:s30+$0x0]  }
0x1e4: {  	v2 =	vadd.f32 v6, v2;
	v3 =	vadd.f32 v14, v3;
	v6 =	vld [tilespmem:s30+$0x10]  }
0x1e5: {  	v1 =	vadd.f32 v29, v1;
	v4 =	vadd.f32 v9, v4;
	v9 =	vld [tilespmem:s30+$0x40]  }
0x1e6: {  	v0 =	vadd.f32 v0, v2;
	v2 =	vadd.f32 v11, v3;
	v3 =	vld [tilespmem:s30+$0x50]  }
0x1e7: {  	v1 =	vadd.f32 v26, v1;
	v4 =	vadd.f32 v8, v4;
	v8 =	vld [tilespmem:s30+$0x80]  }
0x1e8: {  	v0 =	vadd.f32 v63, v0;
	v2 =	vadd.f32 v10, v2;
	v10 =	vld [tilespmem:s30+$0x90];
	v11, _, _ =	vpop (xrf2)  }
0x1e9: {  	v1 =	vadd.f32 v62, v1;
	v4 =	vadd.f32 v6, v4;
	v6 =	vld [tilespmem:s30+$0xC0];
	v11 =	vbroadcast v11, $0xF  }
0x1ea: {  	v0 =	vadd.f32 v61, v0;
	v2 =	vadd.f32 v9, v2;
	v9 =	vld [tilespmem:s30+$0xD0];
	v12 =	vpop (erf)  }
0x1eb: {  	v1 =	vadd.f32 v60, v1;
	v3 =	vadd.f32 v3, v4;
	v4 =	vld [tilespmem:s30+$0x100];
	v11 =	vmul.f32 v12, v11  }
0x1ec: {  	v0 =	vadd.f32 v59, v0;
	v2 =	vadd.f32 v8, v2;
	v8 =	vld [tilespmem:s30+$0x110]  }
0x1ed: {  	v3 =	vadd.f32 v10, v3;
	v10 =	vld [tilespmem:s30+$0x140];
	v30 =	vadd.f32 v11, v30  }
0x1ee: {  	v1 =	vadd.f32 v55, v1;
	v0 =	vadd.f32 v56, v0;
	v11 =	vld [tilespmem:s30+$0x150]  }
0x1ef: {  	v2 =	vadd.f32 v6, v2;
	v3 =	vadd.f32 v9, v3;
	v6 =	vld [tilespmem:s30+$0x180]  }
0x1f0: {  	v1 =	vadd.f32 v51, v1;
	v0 =	vadd.f32 v52, v0;
	v9 =	vld [tilespmem:s30+$0x190]  }
0x1f1: {  	v2 =	vadd.f32 v4, v2;
	v3 =	vadd.f32 v8, v3;
	v4 =	vld [tilespmem:s30+$0x1C0]  }
0x1f2: {  	v1 =	vadd.f32 v48, v1;
	v0 =	vadd.f32 v50, v0;
	v8 =	vld [tilespmem:s30+$0x1D0]  }
0x1f3: {  	v2 =	vadd.f32 v10, v2;
	v3 =	vadd.f32 v11, v3;
	v10 =	vld [tilespmem:s30+$0x200]  }
0x1f4: {  	v1 =	vadd.f32 v43, v1;
	v0 =	vadd.f32 v44, v0;
	v11 =	vld [tilespmem:s30+$0x210]  }
0x1f5: {  	v2 =	vadd.f32 v6, v2;
	v3 =	vadd.f32 v9, v3;
	v6 =	vld [tilespmem:s30+$0x240];
	(erf) = vrcp.f32 v17  }
0x1f6: {  	v1 =	vadd.f32 v41, v1;
	v0 =	vadd.f32 v42, v0;
	v9 =	vld [tilespmem:s30+$0x250]  }
0x1f7: {  	s29 =	sadd.s32 $0x40, s29;
	v2 =	vadd.f32 v4, v2;
	v3 =	vadd.f32 v8, v3;
	v4 =	vld [tilespmem:s30+$0x260]  }
0x1f8: {  	v1 =	vadd.f32 v38, v1;
	v0 =	vadd.f32 v39, v0;
	v46 =	vld [tilespmem:s29+$0xFFFFFFE0]  }
0x1f9: {  	v2 =	vadd.f32 v10, v2;
	v3 =	vadd.f32 v11, v3;
	v47 =	vld [tilespmem:s29+$0xFFFFFFF0]  }
0x1fa: {  	v1 =	vadd.f32 v36, v1;
	v10 =	vmul.f32 v34, v40;
	v0 =	vadd.f32 v37, v0;
	v8 =	vld [tilespmem:s30+$0x270]  }
0x1fb: {  	v2 =	vadd.f32 v6, v2;
	v6 =	vmul.f32 v33, v40;
	v3 =	vadd.f32 v9, v3;
	v49 =	vld [tilespmem:s29+$0x0]  }
0x1fc: {  	v1 =	vadd.f32 v35, v1;
	s30 =	sadd.s32 $0x500, s30;
	v0 =	vadd.f32 v4, v0;
	v4 =	vmul.f32 v32, v40;
	v45 =	vld [tilespmem:s29+$0x10]  }
0x1fd: {  	v2 =	vsub.f32 v2, v10;
	v35 =	vld [tilespmem:s30+$0x230];
	v3 =	vsub.f32 v3, v6;
	v6 =	vmul.f32 v46, v46  }
0x1fe: {  	v36 =	vld [tilespmem:s30+$0x1F0];
	v0 =	vsub.f32 v0, v4;
	v4 =	vmul.f32 v31, v40;
	v9 =	vmul.f32 v47, v47;
	v10 =	vpop (erf)  }
0x1ff: {  	v37 =	vld [tilespmem:s30+$0x220];
	v1 =	vadd.f32 v8, v1;
	v58 =	vmul.f32 v10, v2;
	v57 =	vmul.f32 v10, v3  }
0x200: {  	v38 =	vld [tilespmem:s30+$0x1B0];
	v53 =	vmul.f32 v0, v10;
	v0 =	vadd.f32 v9, v6;
	v2 =	vmul.f32 v49, v49  }
0x201: {  	v39 =	vld [tilespmem:s30+$0x1E0];
	v1 =	vsub.f32 v1, v4;
	v3 =	vmul.f32 v58, v58;
	v4 =	vmul.f32 v57, v57  }
0x202: {  	v41 =	vld [tilespmem:s30+$0x170];
	v0 =	vadd.f32 v2, v0;
	v2 =	vmul.f32 v45, v45  }
0x203: {  	v42 =	vld [tilespmem:s30+$0x1A0];
	v54 =	vmul.f32 v1, v10;
	v1 =	vadd.f32 v4, v3;
	v3 =	vmul.f32 v53, v53  }
0x204: {  	v43 =	vld [tilespmem:s30+$0x130];
	v0 =	vadd.f32 v2, v0  }
0x205: {  	v44 =	vld [tilespmem:s30+$0x160];
	v1 =	vadd.f32 v3, v1;
	v2 =	vmul.f32 v54, v54  }
0x206: {  	v48 =	vld [tilespmem:s30+$0xF0];
	(xrf2) =	vadd.scan.msk.f32 $0xffff, v0  }
0x207: {  	v50 =	vld [tilespmem:s30+$0x120];
	v0 =	vadd.f32 v2, v1  }
0x208: {  	v51 =	vld [tilespmem:s30+$0xB0]  }
0x209: {  	v52 =	vld [tilespmem:s30+$0xE0];
	(xrf2) =	vadd.scan.msk.f32 $0xffff, v0  }
0x20a: {  	v55 =	vld [tilespmem:s30+$0x70]  }
0x20b: {  	s0 =	sshra.s32 s31, $0x2;
	v56 =	vld [tilespmem:s30+$0xA0]  }
0x20c: {  	v40 =	vld.msk [tilespmem:s0+$0x1A240 ss:$0x0], $0xffff  }
0x20d: {  	v60 =	vld [tilespmem:s30+$0x30]  }
0x20e: {  	v59 =	vld [tilespmem:s30+$0x60]  }
0x20f: {  	v62 =	vld [tilespmem:s30+$0xFFFFFFF0]  }
0x210: {  	v61 =	vld [tilespmem:s30+$0x20];
	v0, _, _ =	vpop (xrf2)  }
0x211: {  	v26 =	vld [tilespmem:s30+$0xFFFFFFB0]  }
0x212: {  	v63 =	vld [tilespmem:s30+$0xFFFFFFE0]  }
0x213: {  	v1 =	vmax.f32 v0, $1.000000000e-30;
	v29 =	vld [tilespmem:s30+$0xFFFFFF70];
	v2, _, _ =	vpop (xrf2)  }
0x214: {  	v0 =	vld [tilespmem:s30+$0xFFFFFFA0];
	v3 =	vmax.f32 v2, $1.000000000e-30;
	v2 =	vbroadcast v1, $0xF  }
0x215: {  	v4 =	vld [tilespmem:s30+$0xFFFFFF30];
	v8 =	vbroadcast v3, $0xF  }
0x216: {  	v6 =	vld [tilespmem:s30+$0xFFFFFF60];
	v1 =	vshra.s32 v2, $0x1  }
0x217: {  	v18 =	vmul.f32 $5.000000000e-01, v2;
	v10 =	vld [tilespmem:s30+$0xFFFFFEF0];
	v3 =	vshra.s32 v8, $0x1;
	v19 =	vmul.f32 $5.000000000e-01, v8  }
0x218: {  	v1 =	vsub.s32 $0x5F3759DF, v1;
	v12 =	vld [tilespmem:s30+$0xFFFFFF20];
	v3 =	vsub.s32 $0x5F3759DF, v3  }
0x219: {  	v11 =	vmul.f32 v1, v18;
	v14 =	vld [tilespmem:s30+$0xFFFFFEB0];
	v9 =	vmul.f32 v3, v19  }
0x21a: {  	v16 =	vld [tilespmem:s30+$0xFFFFFEE0]  }
0x21b: {  	v11 =	vmul.f32 v1, v11;
	v13 =	vld [tilespmem:s30+$0xFFFFFDB0];
	v9 =	vmul.f32 v3, v9  }
0x21c: {  	v15 =	vld [tilespmem:s30+$0xFFFFFDF0]  }
0x21d: {  	v11 =	vsub.f32 $1.500000000e+00, v11;
	v20 =	vld [tilespmem:s30+$0xFFFFFDA0];
	v9 =	vsub.f32 $1.500000000e+00, v9  }
0x21e: {  	v21 =	vld [tilespmem:s30+$0xFFFFFDE0]  }
0x21f: {  	v1 =	vmul.f32 v1, v11;
	v24 =	vld [tilespmem:s30+$0xFFFFFD80];
	v3 =	vmul.f32 v3, v9  }
0x220: {  	v11 =	vld [tilespmem:s30+$0xFFFFFD90]  }
0x221: {  	v23 =	vmul.f32 v1, v18;
	v9 =	vld [tilespmem:s30+$0xFFFFFDC0];
	v17 =	vmul.f32 v3, v19  }
0x222: {  	v5 =	vld [tilespmem:s30+$0xFFFFFDD0]  }
.Ltmp1:
0x223: {  	v7 =	vmul.f32 v23, v1;
	v22 =	vld [tilespmem:s30+$0xFFFFFE30];
	v28 =	vmul.f32 v17, v3;
	(pc) =	sbr.rel @!p2 .LBB2_6-.Ltmp1, $4  }
0x224: {  	v25 =	vadd.f32 v15, v13;
	v17 =	vsub.f32 $2.000000000e+01, v40;
	v23 =	vld [tilespmem:s30+$0xFFFFFE20]  }
0x225: {  	v7 =	vsub.f32 $1.500000000e+00, v7;
	v27 =	vld [tilespmem:s30+$0xFFFFFE00];
	v15 =	vsub.f32 $1.500000000e+00, v28  }
0x226: {  	v13 =	vadd.f32 v21, v20;
	v9 =	vadd.f32 v9, v24;
	v28 =	vld [tilespmem:s30+$0xFFFFFE10]  }
0x227: {  	s31 =	sadd.s32 $0x4, s31;
	v20 =	vmul.f32 v7, v1;
	v11 =	vadd.f32 v5, v11;
	v24 =	vld [tilespmem:s30+$0xFFFFFE70];
	v21 =	vmul.f32 v15, v3  }
0x228: {  	v1 =	vld [tilespmem:s30+$0xFFFFFE60]  }
0x229: {  	v3 =	vld [tilespmem:s30+$0xFFFFFE40]  }
0x22a: {  	v5 =	vld [tilespmem:s30+$0xFFFFFE50]  }
0x22b: {  	v7 =	vld [tilespmem:s30+$0xFFFFFE80]  }
0x22c: {  	v15 =	vld [tilespmem:s30+$0xFFFFFE90];
	v22 =	vadd.f32 v22, v25;
	v13 =	vadd.f32 v23, v13  }
0x22d: {  	v23 =	vld [tilespmem:s30+$0xFFFFFEC0];
	v9 =	vadd.f32 v27, v9;
	v11 =	vadd.f32 v28, v11  }
0x22e: {  	v25 =	vmul.f32 v21, v19;
	v27 =	vld [tilespmem:s30+$0xFFFFFEA0];
	v19 =	vadd.f32 v24, v22  }
0x22f: {  	v3 =	vadd.f32 v3, v9;
	v5 =	vadd.f32 v5, v11;
	v11 =	vld [tilespmem:s30+$0xFFFFFED0]  }
0x230: {  	v18 =	vmul.f32 v20, v18;
	v1 =	vadd.f32 v1, v13;
	v13 =	vld [tilespmem:s30+$0xFFFFFF00]  }
0x231: {  	v24 =	vmul.f32 v25, v21;
	v9 =	vld [tilespmem:s30+$0xFFFFFF10];
	v14 =	vadd.f32 v14, v19;
	v3 =	vadd.f32 v7, v3  }
0x232: {  	v25 =	vmul.f32 v18, v20;
	v18 =	vld [tilespmem:s30+$0xFFFFFF40];
	v5 =	vadd.f32 v15, v5;
	v15 =	vadd.f32 $9.999999970e-07, v17  }
0x233: {  	v22 =	vld [tilespmem:s30+$0xFFFFFF50];
	v1 =	vadd.f32 v27, v1;
	v7 =	vsub.f32 $1.500000000e+00, v24  }
0x234: {  	v24 =	vld [tilespmem:s30+$0xFFFFFF80];
	v3 =	vadd.f32 v23, v3;
	v5 =	vadd.f32 v11, v5  }
0x235: {  	v17 =	vsub.f32 $1.500000000e+00, v25;
	v25 =	vld [tilespmem:s30+$0xFFFFFF90];
	v1 =	vadd.f32 v16, v1  }
0x236: {  	v19 =	vld [tilespmem:s30+$0xFFFFFFD0];
	v3 =	vadd.f32 v13, v3;
	v5 =	vadd.f32 v9, v5  }
0x237: {  	v27 =	vld [tilespmem:s30+$0xFFFFFFC0];
	v10 =	vadd.f32 v10, v14;
	v1 =	vadd.f32 v12, v1  }
0x238: {  	v23 =	vld [tilespmem:s30+$0x10];
	v3 =	vadd.f32 v18, v3;
	v5 =	vadd.f32 v22, v5  }
0x239: {  	v4 =	vadd.f32 v4, v10;
	v1 =	vadd.f32 v6, v1;
	v22 =	vld [tilespmem:s30+$0x0]  }
0x23a: {  	v3 =	vadd.f32 v24, v3;
	v24 =	vld [tilespmem:s30+$0x40];
	v5 =	vadd.f32 v25, v5  }
0x23b: {  	v4 =	vadd.f32 v29, v4;
	v0 =	vadd.f32 v0, v1;
	v25 =	vld [tilespmem:s30+$0x50]  }
0x23c: {  	v3 =	vadd.f32 v27, v3;
	v27 =	vld [tilespmem:s30+$0x80];
	v5 =	vadd.f32 v19, v5  }
0x23d: {  	v4 =	vadd.f32 v26, v4;
	v0 =	vadd.f32 v63, v0;
	v63 =	vld [tilespmem:s30+$0x90]  }
0x23e: {  	v16 =	vld [tilespmem:s30+$0xC0];
	v3 =	vadd.f32 v22, v3;
	v5 =	vadd.f32 v23, v5  }
0x23f: {  	v18 =	vld [tilespmem:s30+$0xD0];
	v4 =	vadd.f32 v62, v4;
	v0 =	vadd.f32 v61, v0  }
0x240: {  	v7 =	vmul.f32 v7, v21;
	v21 =	vld [tilespmem:s30+$0x110];
	v3 =	vadd.f32 v24, v3;
	v1 =	vadd.f32 v25, v5  }
0x241: {  	v19 =	vld [tilespmem:s30+$0x100];
	v4 =	vadd.f32 v60, v4;
	v0 =	vadd.f32 v59, v0  }
0x242: {  	v22 =	vmul.f32 v17, v20;
	v23 =	vld [tilespmem:s30+$0x140];
	v3 =	vadd.f32 v27, v3;
	v1 =	vadd.f32 v63, v1  }
0x243: {  	v7 =	vmul.f32 v7, v8;
	v4 =	vadd.f32 v55, v4;
	v24 =	vld [tilespmem:s30+$0x150];
	v0 =	vadd.f32 v56, v0  }
0x244: {  	v26 =	vld [tilespmem:s30+$0x190];
	v2 =	vmul.f32 v22, v2;
	v3 =	vadd.f32 v16, v3;
	v1 =	vadd.f32 v18, v1  }
0x245: {  	v7 =	vmax.f32 v7, $9.999999930e-09;
	v25 =	vld [tilespmem:s30+$0x180];
	v4 =	vadd.f32 v51, v4;
	v0 =	vadd.f32 v52, v0  }
0x246: {  	v2 =	vmax.f32 v2, $9.999999930e-09;
	v27 =	vld [tilespmem:s30+$0x1C0];
	v3 =	vadd.f32 v19, v3;
	v1 =	vadd.f32 v21, v1  }
0x247: {  	v2 =	vmul.f32 v2, v7;
	v4 =	vadd.f32 v48, v4;
	v0 =	vadd.f32 v50, v0;
	v50 =	vld [tilespmem:s30+$0x1D0]  }
0x248: {  	v55 =	vld [tilespmem:s30+$0x210];
	v3 =	vadd.f32 v23, v3;
	v1 =	vadd.f32 v24, v1  }
0x249: {  	v51 =	vld [tilespmem:s30+$0x200];
	(erf) = vrcp.f32 v2;
	v52 =	vadd.f32 v43, v4;
	v0 =	vadd.f32 v44, v0  }
0x24a: {  	v59 =	vld [tilespmem:s30+$0x250];
	(erf) = vrcp.f32 v15;
	v3 =	vadd.f32 v25, v3;
	v1 =	vadd.f32 v26, v1  }
0x24b: {  	v56 =	vld [tilespmem:s30+$0x240];
	v2 =	vadd.f32 v41, v52;
	v0 =	vadd.f32 v42, v0  }
0x24c: {  	v62 =	vmul.f32 v47, v57;
	v61 =	vld [tilespmem:s30+$0x260];
	v3 =	vadd.f32 v27, v3;
	v1 =	vadd.f32 v50, v1  }
0x24d: {  	s0 =	sadd.s32 $0x40, s29;
	v60 =	vmul.f32 v46, v58;
	v2 =	vadd.f32 v38, v2;
	v0 =	vadd.f32 v39, v0  }
0x24e: {  	v20 =	vld [tilespmem:s0+$0xFFFFFFE0];
	v22 =	vmul.f32 v34, v40;
	v3 =	vadd.f32 v51, v3;
	v1 =	vadd.f32 v55, v1  }
0x24f: {  	v34 =	vmul.f32 v31, v40;
	v21 =	vld [tilespmem:s30+$0x270];
	v2 =	vadd.f32 v36, v2;
	v0 =	vadd.f32 v37, v0  }
0x250: {  	v23 =	vld [tilespmem:s0+$0xFFFFFFF0];
	v24 =	vmul.f32 v33, v40;
	v3 =	vadd.f32 v56, v3;
	v1 =	vadd.f32 v59, v1  }
0x251: {  	v25 =	vmul.f32 v32, v40;
	v2 =	vadd.f32 v35, v2;
	v0 =	vadd.f32 v61, v0  }
0x252: {  	v63 =	vmul.f32 v49, v53;
	v32 =	vld [tilespmem:s0+$0x0];
	v26 =	vpop (erf);
	v3 =	vsub.f32 v3, v22;
	v1 =	vsub.f32 v1, v24  }
0x253: {  	v33 =	vmul.f32 v20, v20;
	v27 =	vmul.f32 v45, v54;
	v35 =	vpop (erf);
	v0 =	vsub.f32 v0, v25  }
0x254: {  	v36 =	vld [tilespmem:s0+$0x10];
	v2 =	vadd.f32 v21, v2;
	v3 =	vmul.f32 v35, v3;
	v1 =	vmul.f32 v35, v1  }
0x255: {  	v38 =	vmul.f32 v23, v23;
	v37 =	vadd.f32 v62, v60;
	v0 =	vmul.f32 v0, v35  }
0x256: {  	v2 =	vsub.f32 v2, v34;
	v39 =	vmul.f32 v3, v3;
	v40 =	vmul.f32 v1, v1  }
0x257: {  	v6 =	vadd.f32 v38, v33;
	v41 =	vmul.f32 v32, v32;
	v4 =	vadd.f32 v63, v37  }
0x258: {  	v2 =	vmul.f32 v2, v35;
	v42 =	vmul.f32 v0, v0;
	v5 =	vadd.f32 v40, v39  }
0x259: {  	v43 =	vmul.f32 v36, v36;
	v6 =	vadd.f32 v41, v6  }
0x25a: {  	v4 =	vadd.f32 v27, v4;
	v44 =	vmul.f32 v2, v2;
	v5 =	vadd.f32 v42, v5  }
0x25b: {  	v6 =	vadd.f32 v43, v6  }
0x25c: {  	(xrf2) =	vadd.scan.msk.f32 $0xffff, v4;
	v45 =	vadd.f32 v44, v5  }
0x25d: {  	(xrf2) =	vadd.scan.msk.f32 $0xffff, v6  }
0x25e: {  	(xrf2) =	vadd.scan.msk.f32 $0xffff, v45;
	_ =	sdelay $0x7  }
0x25f: {  	v46, _, _ =	vpop (xrf2)  }
0x260: {  	v47, _, _ =	vpop (xrf2)  }
0x261: {  	v5 =	vmax.f32 v47, $1.000000000e-30;
	v48, _, _ =	vpop (xrf2)  }
0x262: {  	v5 =	vbroadcast v5, $0xF;
	v6 =	vmax.f32 v48, $1.000000000e-30  }
0x263: {  	v6 =	vbroadcast v6, $0xF  }
0x264: {  	v49 =	vshra.s32 v5, $0x1  }
0x265: {  	v52 =	vmul.f32 $5.000000000e-01, v5;
	v50 =	vshra.s32 v6, $0x1;
	v51 =	vmul.f32 $5.000000000e-01, v6  }
0x266: {  	v7 =	vsub.s32 $0x5F3759DF, v49;
	v8 =	vsub.s32 $0x5F3759DF, v50  }
0x267: {  	v54 =	vmul.f32 v7, v52;
	v53 =	vmul.f32 v8, v51;
	_ =	sdelay $0x1  }
0x268: {  	v17 =	vmul.f32 v7, v54;
	v14 =	vmul.f32 v8, v53;
	_ =	sdelay $0x1  }
0x269: {  	v17 =	vsub.f32 $1.500000000e+00, v17;
	v14 =	vsub.f32 $1.500000000e+00, v14;
	_ =	sdelay $0x1  }
0x26a: {  	v7 =	vmul.f32 v7, v17;
	v8 =	vmul.f32 v8, v14;
	_ =	sdelay $0x1  }
0x26b: {  	v17 =	vmul.f32 v7, v52;
	v14 =	vmul.f32 v8, v51;
	_ =	sdelay $0x1  }
0x26c: {  	v17 =	vmul.f32 v17, v7;
	v14 =	vmul.f32 v14, v8;
	_ =	sdelay $0x1  }
0x26d: {  	v17 =	vsub.f32 $1.500000000e+00, v17;
	v14 =	vsub.f32 $1.500000000e+00, v14;
	_ =	sdelay $0x1  }
0x26e: {  	v7 =	vmul.f32 v17, v7;
	v8 =	vmul.f32 v14, v8;
	_ =	sdelay $0x1  }
0x26f: {  	v11 =	vmul.f32 v7, v52;
	v10 =	vmul.f32 v8, v51  }
0x270: {  	v3 =	vmul.f32 v20, v3;
	v1 =	vmul.f32 v23, v1  }
0x271: {  	v11 =	vmul.f32 v11, v7;
	v10 =	vmul.f32 v10, v8  }
0x272: {  	v1 =	vadd.f32 v1, v3  }
0x273: {  	v0 =	vmul.f32 v32, v0;
	v56 =	vsub.f32 $1.500000000e+00, v11;
	v55 =	vsub.f32 $1.500000000e+00, v10  }
0x274: {  	v2 =	vmul.f32 v36, v2  }
0x275: {  	v0 =	vadd.f32 v0, v1;
	v58 =	vmul.f32 v56, v7;
	v57 =	vmul.f32 v55, v8;
	_ =	sdelay $0x1  }
0x276: {  	v0 =	vadd.f32 v2, v0;
	v59 =	vmul.f32 v58, v5;
	v1 =	vmul.f32 v57, v6;
	_ =	sdelay $0x1  }
0x277: {  	(xrf2) =	vadd.scan.msk.f32 $0xffff, v0;
	v2 =	vmax.f32 v59, $9.999999930e-09;
	v1 =	vmax.f32 v1, $9.999999930e-09  }
0x278: {  	v60 =	vmul.f32 v2, v1;
	_ =	sdelay $0x1  }
0x279: {  	(erf) = vrcp.f32 v60;
	_ =	sdelay $0x5  }
0x27a: {  	v61 =	vbroadcast v46, $0xF  }
0x27b: {  	v62, _, _ =	vpop (xrf2)  }
0x27c: {  	v0 =	vmul.f32 v26, v61;
	v1 =	vbroadcast v62, $0xF  }
0x27d: {  	v63 =	vpop (erf)  }
0x27e: {  	v0 =	vadd.f32 v0, v30;
	v1 =	vmul.f32 v63, v1;
	_ =	sdelay $0x1  }
0x27f: {  	v30 =	vadd.f32 v1, v0  }
0x280: {  	p2 =	seq.s32 s28, $0x10  }
.Ltmp2:
0x281: {  	_ = 	snop;
	(pc) =	sbr.rel @!p2 .LBB2_5-.Ltmp2, $2  }
0x282: {  	_ =	sdelay $0x2  }
0x283: {  	p1 =	por !p1, !p1  }
0x284: {  	[tilespmem:$0x1A270] =	vst v30  }
0x285: {  	[spmem:s6] =	stream.linear.scatter [tilespmem:s25], [sflag:$0x5], $0x10, $0x38;
	[tilespmem:$0x1A3A0] =	vst v63  }
0x286: {  	_ =	swait.ge [sflag:s12], $0x10  }
0x287: {  	[sflag:s12] =	ssyncset.done $0x0  }
0x288: {  	[sflag:s12] =	ssyncadd.s32 $0xFFFFFFF0  }
0x289: {  	[bflag:$0x0] =	sbarrier.arrive $0xFFFF  }
0x28a: {  	s0 =	simm.s32 @!p0 $0x1A280;
	s1 =	rddreg [dreg:$0x3]  }
0x28b: {  	[tilespmem:s0], [sflag:$0x5] =	stream.linear.gather @!p0 [spmem:s1], $0x100, $0x38;
	[tilespmem:$0x1A3A0] =	vst v63  }
0x28c: {  	s0 =	simm.s32 @!p0 $0x5  }
0x28d: {  	_ =	swait.ge @!p0 [sflag:s0], $0x100  }
0x28e: {  	[sflag:s0] =	ssyncset.done @!p0 $0x0  }
0x28f: {  	[sflag:s0] =	ssyncadd.s32 @!p0 $0xFFFFFF00  }
0x290: {  	v0 =	vld @!p0 [tilespmem:$0x1A280]  }
0x291: {  	v1 =	vld @!p0 [tilespmem:$0x1A290];
	_ =	sdelay $0x1  }
0x292: {  	v2 =	vld @!p0 [tilespmem:$0x1A2A0];
	_ =	sdelay $0x1  }
0x293: {  	v3 =	vld @!p0 [tilespmem:$0x1A2B0]  }
0x294: {  	v0 =	vadd.f32 @!p0 v1, v0  }
0x295: {  	v1 =	vld @!p0 [tilespmem:$0x1A2C0]  }
0x296: {  	v0 =	vadd.f32 @!p0 v2, v0  }
0x297: {  	v2 =	vld @!p0 [tilespmem:$0x1A2D0]  }
0x298: {  	v0 =	vadd.f32 @!p0 v3, v0  }
0x299: {  	v3 =	vld @!p0 [tilespmem:$0x1A2E0]  }
0x29a: {  	v0 =	vadd.f32 @!p0 v1, v0  }
0x29b: {  	v1 =	vld @!p0 [tilespmem:$0x1A2F0]  }
0x29c: {  	v0 =	vadd.f32 @!p0 v2, v0  }
0x29d: {  	v2 =	vld @!p0 [tilespmem:$0x1A300]  }
0x29e: {  	v0 =	vadd.f32 @!p0 v3, v0  }
0x29f: {  	v3 =	vld @!p0 [tilespmem:$0x1A310]  }
0x2a0: {  	v0 =	vadd.f32 @!p0 v1, v0  }
0x2a1: {  	v1 =	vld @!p0 [tilespmem:$0x1A320]  }
0x2a2: {  	v0 =	vadd.f32 @!p0 v2, v0  }
0x2a3: {  	v2 =	vld @!p0 [tilespmem:$0x1A330]  }
0x2a4: {  	v0 =	vadd.f32 @!p0 v3, v0  }
0x2a5: {  	v3 =	vld @!p0 [tilespmem:$0x1A340]  }
0x2a6: {  	v0 =	vadd.f32 @!p0 v1, v0  }
0x2a7: {  	v1 =	vld @!p0 [tilespmem:$0x1A350]  }
0x2a8: {  	v0 =	vadd.f32 @!p0 v2, v0  }
0x2a9: {  	v2 =	vld @!p0 [tilespmem:$0x1A360]  }
0x2aa: {  	v0 =	vadd.f32 @!p0 v3, v0  }
0x2ab: {  	v3 =	vld @!p0 [tilespmem:$0x1A370]  }
0x2ac: {  	v0 =	vadd.f32 @!p0 v1, v0;
	_ =	sdelay $0x1  }
0x2ad: {  	v0 =	vadd.f32 @!p0 v2, v0  }
0x2ae: {  	v1 =	vld [tilespmem:$0x1FE30]  }
0x2af: {  	v0 =	vadd.f32 @!p0 v3, v0;
	_ =	sdelay $0x1  }
0x2b0: {  	v0 =	vsub.f32 @!p0 $0.0e+00, v0;
	_ =	sdelay $0x1  }
0x2b1: {  	v0 =	vmul.f32 @!p0 v0, v1;
	_ =	sdelay $0x1  }
0x2b2: {  	s10 =	simm.s32 @!p0 $0x1A380;
	s1 =	simm.s32 @!p0 $0x0;
	[tilespmem:$0x1A380] =	vst @!p0 v0  }
0x2b3: {  	[hbm4b:s7+s1] =	stream.linear.scatter @!p0 [tilespmem:s10], [sflag:$0x5], $0x10, $0x38;
	[tilespmem:$0x1A3A0] =	vst v63  }
0x2b4: {  	_ =	swait.ge @!p0 [sflag:s0], $0x10  }
0x2b5: {  	v1 =	vld [tilespmem:$0x1FE40]  }
0x2b6: {  	v3 =	vld [tilespmem:$0x1FE50]  }
0x2b7: {  	v5 =	vld [tilespmem:$0x1FE60]  }
0x2b8: {  	v7 =	vld [tilespmem:$0x1FE70]  }
0x2b9: {  	v8 =	vld [tilespmem:$0x1FE80]  }
0x2ba: {  	v9 =	vld [tilespmem:$0x1FE90]  }
0x2bb: {  	v10 =	vld [tilespmem:$0x1FEA0]  }
0x2bc: {  	v11 =	vld [tilespmem:$0x1FEB0]  }
0x2bd: {  	v12 =	vld [tilespmem:$0x1FEC0]  }
0x2be: {  	v13 =	vld [tilespmem:$0x1FED0]  }
0x2bf: {  	v14 =	vld [tilespmem:$0x1FEE0]  }
0x2c0: {  	v15 =	vld [tilespmem:$0x1FEF0]  }
0x2c1: {  	v16 =	vld [tilespmem:$0x1FF00]  }
0x2c2: {  	v17 =	vld [tilespmem:$0x1FF10]  }
0x2c3: {  	v18 =	vld [tilespmem:$0x1FF20]  }
0x2c4: {  	v19 =	vld [tilespmem:$0x1FF30]  }
0x2c5: {  	v20 =	vld [tilespmem:$0x1FF40]  }
0x2c6: {  	v21 =	vld [tilespmem:$0x1FF50]  }
0x2c7: {  	v22 =	vld [tilespmem:$0x1FF60]  }
0x2c8: {  	v23 =	vld [tilespmem:$0x1FF70]  }
0x2c9: {  	v24 =	vld [tilespmem:$0x1FF80]  }
0x2ca: {  	s26 =	sadd.s32 $0x1, s26;
	v25 =	vld [tilespmem:$0x1FF90]  }
0x2cb: {  	p1 =	sne.s32 s26, s8;
	v26 =	vld [tilespmem:$0x1FFA0]  }
.Ltmp3:
0x2cc: {  	v27 =	vld [tilespmem:$0x1FFB0];
	(pc) =	sbr.rel @p1 .LBB2_1-.Ltmp3, $4  }
0x2cd: {  	v28 =	vld [tilespmem:$0x1FFC0]  }
0x2ce: {  	v29 =	vld [tilespmem:$0x1FFD0]  }
0x2cf: {  	[sflag:s0] =	ssyncset.done @!p0 $0x0;
	v30 =	vld [tilespmem:$0x1FFE0]  }
0x2d0: {  	v31 =	vld [tilespmem:$0x1FFF0];
	[sflag:s0] =	ssyncadd.s32 @!p0 $0xFFFFFFF0  }
0x2d1: {  	_ =	sfence.sel $0x180000  }
0x2d2: {  	[bflag:$0x0] =	sbarrier.arrive $0xFFFF  }
0x2d3: {  	_ =	strace $0x90000047  }
0x2d4: {  	[bflag:$0x2] =	sbarrier.arrive $0xFFFF  }
0x2d5: {  	s0 =	rddreg [dreg:$0x4]  }
0x2d6: {  	s0 =	sadd.s32 @!p0 $0x100000, s0  }
0x2d7: {  	[sflag:s0] =	ssyncadd.tile.s32 @!p0 $0x1;
	_ =	shalt  }
.Lfunc_end2:
_tile_overlayer_lowered:
.L_overlay_start_2:
0x2d8: {  	(tag) =	ssettag $0x2  }
0x2d9: {  	s0 =	rddreg [dreg:$0x0];
	s2 =	stileid.u32  }
0x2da: {  	s1 =	rddreg [dreg:$0x1];
	p0 =	sne.s32 s2, $0x0  }
0x2db: {  	s3 =	rddreg [dreg:$0x2];
	[bflag:$0x3] =	sbarrier.arrive $0xFFFF;
	s2 =	simm.s32 @!p0 $0x1C05  }
0x2dc: {  	[timem:s3], [sflag:s2] =	dma.local @!p0 [hbm:s0], s1  }
0x2dd: {  	s0 =	simm.s32 @!p0 $0x5  }
0x2de: {  	_ =	swait.ge @!p0 [sflag:s0], s1  }
0x2df: {  	s1 =	ssub.s32 @!p0 $0x0, s1;
	[sflag:s0] =	ssyncset.done @!p0 $0x0  }
0x2e0: {  	[sflag:s0] =	ssyncadd.s32 @!p0 s1  }
0x2e1: {  	[bflag:$0x3] =	sbarrier.arrive $0xFFFF  }
0x2e2: {  	_ =	shalt  }

</sc_bundles>
